<compile_context>
chip_gen: v7x
topology: tpu7x:2x2x1
jax: 0.10.2.dev20260603
libtpu: 0.0.44.dev20260713+nightly
codegen_flags: <defaults>
</compile_context>

<pallas_src>
import functools

import jax
import jax.numpy as jnp
from jax import lax
from jax.experimental import pallas as pl
from jax.experimental.pallas import tpu as pltpu
from jax.experimental.pallas import tpu_sc as plsc

N = 10000
E = 320000
F = 128
K = 7500
TRASH = 2 * N
TBL_A = 2 * N + 8

_NC, _NS = 2, 16
_CH = 40
_PD = 5
_IBLK = 2000
_DCH = 80
_ZR = 1000

_f32 = jnp.float32
_i32 = jnp.int32


def _build_prop(tbl_rows, feat, per_core_gidx):
    etile = E // _NS if per_core_gidx else E // (_NC * _NS)
    nchunks = etile // _CH
    mesh = plsc.VectorSubcoreMesh(core_axis_name="c", subcore_axis_name="s")

    @functools.partial(
        pl.kernel,
        out_type=jax.ShapeDtypeStruct((_NC, N, feat), _f32),
        mesh=mesh,
        scratch_types=[
            pltpu.VMEM((_IBLK,), _i32),
            pltpu.VMEM((_IBLK,), _i32),
            [pltpu.VMEM((_CH, feat), _f32) for _ in range(_PD)],
            pltpu.VMEM_SHARED((N, feat), _f32),
            [pltpu.SemaphoreType.DMA for _ in range(_PD)],
        ],
        compiler_params=pltpu.CompilerParams(use_tc_tiling_on_sc=False),
    )
    def prop(table, gidx, scol, zeros, out, gbuf, cbuf, rows, acc, sems):
        c = lax.axis_index("c")
        s = lax.axis_index("s")

        @pl.when(s < N // _ZR)
        def _init():
            pltpu.sync_copy(zeros, acc.at[pl.ds(s * _ZR, _ZR)])

        if per_core_gidx:
            base = s * etile
            goff = c * E + base
        else:
            base = (s * _NC + c) * etile
            goff = base
        plsc.subcore_barrier()

        nblk = etile // _IBLK
        ngrp = _IBLK // (_CH * _PD)

        @pl.loop(0, nblk)
        def _blk(b):
            e0 = b * _IBLK
            pltpu.sync_copy(gidx.at[pl.ds(goff + e0, _IBLK)], gbuf)
            pltpu.sync_copy(scol.at[pl.ds(base + e0, _IBLK)], cbuf)

            @pl.loop(0, ngrp)
            def _grp(g):
                o0 = g * _CH * _PD
                descs = [
                    pltpu.async_copy(
                        table.at[gbuf.at[pl.ds(o0 + i * _CH, _CH)]],
                        rows[i], sems[i])
                    for i in range(_PD)
                ]
                for i in range(_PD):
                    descs[i].wait()
                    pltpu.sync_copy(
                        rows[i],
                        acc.at[cbuf.at[pl.ds(o0 + i * _CH, _CH)]],
                        add=True)

        plsc.subcore_barrier()

        @pl.when(s < N // _ZR)
        def _dump():
            pltpu.sync_copy(acc.at[pl.ds(s * _ZR, _ZR)],
                            out.at[c, pl.ds(s * _ZR, _ZR)])

    return prop


def _build_deg(w):
    etile = E // (_NC * _NS)
    mesh = plsc.VectorSubcoreMesh(core_axis_name="c", subcore_axis_name="s")

    @functools.partial(
        pl.kernel,
        out_type=jax.ShapeDtypeStruct((_NC, N, w), _f32),
        mesh=mesh,
        scratch_types=[
            pltpu.VMEM((_IBLK,), _i32),
            pltpu.VMEM((_DCH, w), _f32),
            pltpu.VMEM_SHARED((N + 8, w), _f32),
        ],
        compiler_params=pltpu.CompilerParams(use_tc_tiling_on_sc=False),
    )
    def deg(ones_hbm, scol, zeros, out, cbuf, ones_v, acc):
        c = lax.axis_index("c")
        s = lax.axis_index("s")

        @pl.when(s < N // _ZR)
        def _init():
            pltpu.sync_copy(zeros, acc.at[pl.ds(s * _ZR, _ZR)])

        pltpu.sync_copy(ones_hbm, ones_v)
        plsc.subcore_barrier()
        base = (s * _NC + c) * etile

        @pl.loop(0, etile // _IBLK)
        def _blk(b):
            pltpu.sync_copy(scol.at[pl.ds(base + b * _IBLK, _IBLK)], cbuf)

            @pl.loop(0, _IBLK // _DCH)
            def _grp(g):
                pltpu.sync_copy(ones_v,
                                acc.at[cbuf.at[pl.ds(g * _DCH, _DCH)]],
                                add=True)

        plsc.subcore_barrier()

        @pl.when(s < N // _ZR)
        def _dump():
            pltpu.sync_copy(acc.at[pl.ds(s * _ZR, _ZR)],
                            out.at[c, pl.ds(s * _ZR, _ZR)])

    return deg


@functools.lru_cache(maxsize=None)
def _get_props():
    return (_build_deg(8),
            _build_prop(TBL_A, F, per_core_gidx=True),
            _build_prop(N, F, per_core_gidx=False),
            _build_prop(N, 16, per_core_gidx=False))


def _k0_body(row_ref, col_ref, g_ref, ew_ref):
    r = row_ref[...]
    cc = col_ref[...]
    self_e = r == cc
    g_ref[0] = r
    g_ref[1] = jnp.where(self_e, TRASH, r + N)
    ew_ref[...] = jnp.where(self_e, N, r).astype(_i32)


def _kb_body(x_ref, degp_ref, table_ref, xtan_ref, dis_ref):
    x = x_ref[...]
    norm = jnp.sqrt(jnp.sum(x * x, axis=1, keepdims=True))
    norm = jnp.maximum(norm, 1e-15)
    z = jnp.clip(norm, -1.0 + 1e-7, 1.0 - 1e-7)
    artanh = 0.5 * jnp.log((1.0 + z) / (1.0 - z))
    xt = x / norm * artanh
    deg = (degp_ref[0] + degp_ref[1])[:, 0:1]
    dis = jnp.where(deg > 0, lax.rsqrt(jnp.maximum(deg, 1.0)), 0.0)
    table_ref[pl.ds(0, N), :] = xt
    table_ref[pl.ds(N, N), :] = dis * xt
    table_ref[pl.ds(2 * N, 8), :] = jnp.zeros((8, F), _f32)
    xtan_ref[...] = xt
    dis_ref[...] = dis


def _kd_body(a_ref, dis_ref, xtan_ref, w_ref, q_ref, sel_ref):
    xt = xtan_ref[...]
    info = xt - dis_ref[...] * a_ref[1]
    score = jnp.sum(jnp.abs(info), axis=1, keepdims=True)
    sbits = lax.bitcast_convert_type(score, _i32)

    def step(j, u):
        t = u | (jnp.int32(1) << (30 - j))
        cnt = jnp.sum(jnp.where(sbits >= t, 1.0, 0.0))
        return jnp.where(cnt >= K, t, u)

    u = lax.fori_loop(0, 31, step, jnp.int32(0))
    sel = jnp.where(sbits > u, 1.0, 0.0)
    q = sel * jnp.sum(xt * w_ref[:, 0:F], axis=1, keepdims=True)
    q_ref[...] = jnp.broadcast_to(q, (N, 16))
    sel_ref[...] = sel


def _kf_body(c_ref, a_ref, sel_ref, xtan_ref, w_ref, b_ref, u_ref):
    segq = (c_ref[0] + c_ref[1])[:, 0:1]
    sneigh = a_ref[0]
    logits = (segq
              + jnp.sum(sneigh * w_ref[:, F:2 * F], axis=1, keepdims=True)
              + b_ref[0, 0])
    w = 1.0 / (1.0 + jnp.exp(-logits))
    u_ref[...] = w * sel_ref[...] * xtan_ref[...]


def _kh_body(e_ref, xtan_ref, out_ref):
    a = jnp.maximum(e_ref[0] + e_ref[1], 0.0)
    t = xtan_ref[...] + a
    norm = jnp.maximum(jnp.sqrt(jnp.sum(t * t, axis=1, keepdims=True)), 1e-15)
    e = jnp.tanh(norm) * t / norm
    n2 = jnp.maximum(jnp.sqrt(jnp.sum(e * e, axis=1, keepdims=True)), 1e-15)
    maxn = 1.0 - 1e-5
    out_ref[...] = jnp.where(n2 > maxn, e / n2 * maxn, e)


def _sds(shape, dtype=_f32):
    return jax.ShapeDtypeStruct(shape, dtype)


def kernel(x, edge_index, W, b):
    _prop_deg, _prop_a, _prop_p, _prop_n = _get_props()
    ei = edge_index.astype(_i32)
    row = ei[0]
    col = ei[1]
    row2 = row.reshape(E // F, F)
    col2 = col.reshape(E // F, F)

    g, ew = pl.pallas_call(
        _k0_body,
        out_shape=[_sds((2, E // F, F), _i32), _sds((E // F, F), _i32)],
    )(row2, col2)

    gAr = g.reshape(_NC * E)
    ewr = ew.reshape(E)
    rowr = row
    colr = col
    z128 = jnp.zeros((_ZR, F), _f32)
    z8 = jnp.zeros((_ZR, 8), _f32)
    ones8 = jnp.ones((_DCH, 8), _f32)

    degp = _prop_deg(ones8, ewr, z8)

    table, xtan, dis = pl.pallas_call(
        _kb_body,
        out_shape=[_sds((TBL_A, F)), _sds((N, F)), _sds((N, 1))],
    )(x, degp)

    A = _prop_a(table, gAr, colr, z128)

    q16, sel = pl.pallas_call(
        _kd_body,
        out_shape=[_sds((N, 16)), _sds((N, 1))],
    )(A, dis, xtan, W)

    z16 = jnp.zeros((_ZR, 16), _f32)
    C = _prop_n(q16, rowr, colr, z16)

    u = pl.pallas_call(
        _kf_body,
        out_shape=_sds((N, F)),
    )(C, A, sel, xtan, W, b.reshape(1, 1))

    Eo = _prop_p(u, rowr, colr, z128)

    out = pl.pallas_call(
        _kh_body,
        out_shape=_sds((N, F)),
    )(Eo, xtan)
    return out

# --- scband reference (transcript-rebuilt; emitter-appended) ---
"""Pipeline reference for scband-node-select-35476429864971 (READ-ONLY COPY).

The authoritative reference and input builder live on the scoring server;
editing this copy changes nothing except your own understanding.
"""

import jax, jax.numpy as jnp
import numpy as np

N = 10000
E = 320000
F = 128
C = 1.0
RATIO = 0.75

def _artanh(x):
    x = jnp.clip(x, -1.0 + 1e-7, 1.0 - 1e-7)
    return jnp.arctanh(x)

def logmap0(x, c):
    sqrt_c = jnp.sqrt(c)
    norm = jnp.clip(jnp.linalg.norm(x, axis=-1, keepdims=True), 1e-15, None)
    return x / norm / sqrt_c * _artanh(sqrt_c * norm)

def expmap0(u, c):
    sqrt_c = jnp.sqrt(c)
    norm = jnp.clip(jnp.linalg.norm(u, axis=-1, keepdims=True), 1e-15, None)
    return jnp.tanh(sqrt_c * norm) * u / (sqrt_c * norm)

def proj_ball(x, c):
    norm = jnp.clip(jnp.linalg.norm(x, axis=-1, keepdims=True), 1e-15, None)
    maxnorm = (1.0 - 1e-5) / jnp.sqrt(c)
    return jnp.where(norm > maxnorm, x / norm * maxnorm, x)

def propagate_sum(x, edge_index):
    # PyG MessagePassing (source_to_target, aggr='add'): x_j = x[row], aggregated at col
    row, col = edge_index[0], edge_index[1]
    return jax.ops.segment_sum(x[row], col, num_segments=N)

def node_information_score(x, edge_index):
    # (I - D^{-1/2} A D^{-1/2}) x, self-loops removed (via zero weights) before deg
    row, col = edge_index[0], edge_index[1]
    ew = jnp.where(row == col, 0.0, 1.0)
    deg = jax.ops.segment_sum(ew, row, num_segments=N)
    dis = jnp.where(deg > 0, deg ** -0.5, 0.0)
    norm_w = -dis[row] * ew * dis[col]
    lap = jax.ops.segment_sum(norm_w[:, None] * x[row], col, num_segments=N)
    return x + lap

def setup_inputs(seed: int = 0) -> dict:
    key = jax.random.key(seed)
    k1, k2, k3, k4 = jax.random.split(key, 4)
    # points on the Poincare ball (norm < 1/sqrt(c)) -> small scale
    x = jax.random.normal(k1, (N, F), dtype=jnp.float32) * 0.01
    edge_index = jax.random.randint(k2, (2, E), 0, N, dtype=jnp.int64)
    W = jax.random.normal(k3, (1, 2 * F), dtype=jnp.float32) * 0.05
    b = jax.random.normal(k4, (1,), dtype=jnp.float32) * 0.05
    return {"x": x, "edge_index": edge_index, "W": W, "b": b}

def reference(x, edge_index, W, b):
    x_tan = logmap0(x, C)
    sum_neigh_x = propagate_sum(x_tan, edge_index)
    info = node_information_score(x_tan, edge_index)
    score = jnp.sum(jnp.abs(info), axis=1)
    k = int(N * RATIO)
    values, _ = jax.lax.top_k(score, k)
    T = jnp.min(values)
    sel_v = jnp.where(score > T, 1.0, 0.0)[:, None]
    sum_sel_x = propagate_sum(sel_v * x_tan, edge_index)
    concat_sums = jnp.concatenate([sum_sel_x, sum_neigh_x], axis=-1)
    weight_sel_v = jax.nn.sigmoid(concat_sums @ W.T + b)
    a_x = jax.nn.relu(propagate_sum(weight_sel_v * sel_v * x_tan, edge_index))
    out = x_tan + a_x
    # PoincareBall.proj_tan0 is identity
    out = proj_ball(expmap0(out, C), C)
    return out

if __name__ == "__main__":
    import jax
    _d = setup_inputs()
    print(jax.jit(kernel)(*tuple(_d.values())))

</pallas_src>

<mosaic_0001>
#map = affine_map<(d0, d1) -> (0, 0)>
#map1 = affine_map<(d0, d1) -> (0)>
#map2 = affine_map<(d0, d1) -> (0, 0, 0)>
module attributes {stable_mosaic.version = 14 : i64} {
  func.func @deg(%arg0: i32, %arg1: i32, %arg2: memref<80x8xf32, #tpu.memory_space<hbm>>, %arg3: memref<320000xi32, #tpu.memory_space<hbm>>, %arg4: memref<1000x8xf32, #tpu.memory_space<hbm>>, %arg5: memref<2x10000x8xf32, #tpu.memory_space<hbm>>, %arg6: memref<2000xi32, #tpu.memory_space<vmem>>, %arg7: memref<80x8xf32, #tpu.memory_space<vmem>>, %arg8: memref<10008x8xf32, #tpu.memory_space<vmem_shared>>) attributes {dimension_semantics = [#tpu.dimension_semantics<core_parallel>, #tpu.dimension_semantics<subcore_parallel>], iteration_bounds = array<i64: 2, 16>, scalar_prefetch = 0 : i64, scratch_operands = 3 : i64, tpu.core_type = #tpu.core_type<sc_vector_subcore>, window_params = [{transform_indices = #map}, {transform_indices = #map1}, {transform_indices = #map}, {transform_indices = #map2}]} {
    %lt3A = arith.constant 10 : i32
    %lt3A_0 = arith.cmpi slt, %arg1, %lt3A : i32
    %convert_element_type3A = arith.extui %lt3A_0 : i1 to i32
    %cond3A = arith.constant 0 : i32
    %cond3A_1 = arith.cmpi ne, %convert_element_type3A, %cond3A : i32
    scf.if %cond3A_1 {
      %mul3A_15 = arith.constant 1000 : i32
      %mul3A_16 = arith.muli %arg1, %mul3A_15 : i32
      "tpu.region"() ({
        %run_scoped3A = tpu.sem_alloc : memref<!tpu.dma_semaphore, #tpu.memory_space<semaphore_mem>>
        %dma_start3A = arith.constant 0 : i32
        %dma_start3A_17 = tpu.memref_slice %arg8[%mul3A_16, %dma_start3A] : memref<10008x8xf32, #tpu.memory_space<vmem_shared>> -> memref<1000x8xf32, #tpu.memory_space<vmem_shared>>
        tpu.enqueue_dma source(%arg4 : memref<1000x8xf32, #tpu.memory_space<hbm>>) target(%dma_start3A_17 : memref<1000x8xf32, #tpu.memory_space<vmem_shared>>) target_semaphore(%run_scoped3A : memref<!tpu.dma_semaphore, #tpu.memory_space<semaphore_mem>>)
        %dma_wait3A = arith.constant 0 : i32
        %dma_wait3A_18 = tpu.memref_slice %arg8[%mul3A_16, %dma_wait3A] : memref<10008x8xf32, #tpu.memory_space<vmem_shared>> -> memref<1000x8xf32, #tpu.memory_space<vmem_shared>>
        tpu.wait_dma2 semaphore(%run_scoped3A : memref<!tpu.dma_semaphore, #tpu.memory_space<semaphore_mem>>) src(%arg4 : memref<1000x8xf32, #tpu.memory_space<hbm>>) dst(%dma_wait3A_18 : memref<1000x8xf32, #tpu.memory_space<vmem_shared>>)
        tpu.yield
      }) : () -> ()
    } else {
    }
    "tpu.region"() ({
      %run_scoped3A = tpu.sem_alloc : memref<!tpu.dma_semaphore, #tpu.memory_space<semaphore_mem>>
      tpu.enqueue_dma source(%arg2 : memref<80x8xf32, #tpu.memory_space<hbm>>) target(%arg7 : memref<80x8xf32, #tpu.memory_space<vmem>>) target_semaphore(%run_scoped3A : memref<!tpu.dma_semaphore, #tpu.memory_space<semaphore_mem>>)
      tpu.wait_dma2 semaphore(%run_scoped3A : memref<!tpu.dma_semaphore, #tpu.memory_space<semaphore_mem>>) src(%arg2 : memref<80x8xf32, #tpu.memory_space<hbm>>) dst(%arg7 : memref<80x8xf32, #tpu.memory_space<vmem>>)
      tpu.yield
    }) : () -> ()
    %barrier3A = arith.constant 0 : index
    tpu.barrier barrier_id(%barrier3A)
    %mul3A = arith.constant 2 : i32
    %mul3A_2 = arith.muli %arg1, %mul3A : i32
    %add3A = arith.addi %mul3A_2, %arg0 : i32
    %mul3A_3 = arith.constant 10000 : i32
    %mul3A_4 = arith.muli %add3A, %mul3A_3 : i32
    %scan3A = arith.constant 0 : i32
    %scan3A_5 = arith.constant 5 : i32
    %scan3A_6 = arith.addi %scan3A, %scan3A_5 : i32
    %scan3A_7 = arith.constant 1 : i32
    scf.for %scan3A_15 = %scan3A to %scan3A_6 step %scan3A_7  : i32 {
      %mul3A_16 = arith.constant 1 : i32
      %mul3A_17 = arith.muli %scan3A_15, %mul3A_16 : i32
      %add3A_18 = arith.constant 0 : i32
      %add3A_19 = arith.addi %add3A_18, %mul3A_17 : i32
      %mul3A_20 = arith.constant 2000 : i32
      %mul3A_21 = arith.muli %add3A_19, %mul3A_20 : i32
      %add3A_22 = arith.addi %mul3A_4, %mul3A_21 : i32
      "tpu.region"() ({
        %run_scoped3A = tpu.sem_alloc : memref<!tpu.dma_semaphore, #tpu.memory_space<semaphore_mem>>
        %dma_start3A = tpu.memref_slice %arg3[%add3A_22] : memref<320000xi32, #tpu.memory_space<hbm>> -> memref<2000xi32, #tpu.memory_space<hbm>>
        %dma_start3A_28 = tpu.memref_slice %arg3[%add3A_22] : memref<320000xi32, #tpu.memory_space<hbm>> -> memref<2000xi32, #tpu.memory_space<hbm>>
        tpu.enqueue_dma source(%dma_start3A_28 : memref<2000xi32, #tpu.memory_space<hbm>>) target(%arg6 : memref<2000xi32, #tpu.memory_space<vmem>>) target_semaphore(%run_scoped3A : memref<!tpu.dma_semaphore, #tpu.memory_space<semaphore_mem>>)
        %dma_wait3A = tpu.memref_slice %arg3[%add3A_22] : memref<320000xi32, #tpu.memory_space<hbm>> -> memref<2000xi32, #tpu.memory_space<hbm>>
        %dma_wait3A_29 = tpu.memref_slice %arg3[%add3A_22] : memref<320000xi32, #tpu.memory_space<hbm>> -> memref<2000xi32, #tpu.memory_space<hbm>>
        tpu.wait_dma2 semaphore(%run_scoped3A : memref<!tpu.dma_semaphore, #tpu.memory_space<semaphore_mem>>) src(%dma_wait3A_29 : memref<2000xi32, #tpu.memory_space<hbm>>) dst(%arg6 : memref<2000xi32, #tpu.memory_space<vmem>>)
        tpu.yield
      }) : () -> ()
      %scan3A_23 = arith.constant 0 : i32
      %scan3A_24 = arith.constant 25 : i32
      %scan3A_25 = arith.addi %scan3A_23, %scan3A_24 : i32
      %scan3A_26 = arith.constant 1 : i32
      scf.for %scan3A_28 = %scan3A_23 to %scan3A_25 step %scan3A_26  : i32 {
        %mul3A_29 = arith.constant 1 : i32
        %mul3A_30 = arith.muli %scan3A_28, %mul3A_29 : i32
        %add3A_31 = arith.constant 0 : i32
        %add3A_32 = arith.addi %add3A_31, %mul3A_30 : i32
        %mul3A_33 = arith.constant 80 : i32
        %mul3A_34 = arith.muli %add3A_32, %mul3A_33 : i32
        "tpu.region"() ({
          %run_scoped3A = tpu.sem_alloc : memref<!tpu.dma_semaphore, #tpu.memory_space<semaphore_mem>>
          %dma_start3A = tpu.memref_slice %arg6[%mul3A_34] : memref<2000xi32, #tpu.memory_space<vmem>> -> memref<80xi32, #tpu.memory_space<vmem>>
          %dma_start3A_35 = arith.constant 0 : i32
          %dma_start3A_36 = arith.constant 0 : i32
          %dma_start3A_37 = tpu.memref_slice %arg8[%dma_start3A_35, %dma_start3A_36] : memref<10008x8xf32, #tpu.memory_space<vmem_shared>> -> memref<10008x8xf32, #tpu.memory_space<vmem_shared>>
          tpu.enqueue_indirect_dma source(%arg7 : memref<80x8xf32, #tpu.memory_space<vmem>>) target(%dma_start3A_37 : memref<10008x8xf32, #tpu.memory_space<vmem_shared>>) offsets(%dma_start3A : memref<80xi32, #tpu.memory_space<vmem>>) semaphore(%run_scoped3A : memref<!tpu.dma_semaphore, #tpu.memory_space<semaphore_mem>>) {add = true}
          %dma_wait3A = tpu.memref_slice %arg6[%mul3A_34] : memref<2000xi32, #tpu.memory_space<vmem>> -> memref<80xi32, #tpu.memory_space<vmem>>
          %dma_wait3A_38 = arith.constant 0 : i32
          %dma_wait3A_39 = arith.constant 0 : i32
          %dma_wait3A_40 = tpu.memref_slice %arg8[%dma_wait3A_38, %dma_wait3A_39] : memref<10008x8xf32, #tpu.memory_space<vmem_shared>> -> memref<10008x8xf32, #tpu.memory_space<vmem_shared>>
          tpu.wait_indirect_dma semaphore(%run_scoped3A : memref<!tpu.dma_semaphore, #tpu.memory_space<semaphore_mem>>) src(%arg7 : memref<80x8xf32, #tpu.memory_space<vmem>>) dst(%dma_wait3A_40 : memref<10008x8xf32, #tpu.memory_space<vmem_shared>>)
          tpu.yield
        }) : () -> ()
      }
      %scan3A_27 = arith.constant 25 : i32
    }
    %scan3A_8 = arith.constant 5 : i32
    %barrier3A_9 = arith.constant 0 : index
    tpu.barrier barrier_id(%barrier3A_9)
    %lt3A_10 = arith.constant 10 : i32
    %lt3A_11 = arith.cmpi slt, %arg1, %lt3A_10 : i32
    %convert_element_type3A_12 = arith.extui %lt3A_11 : i1 to i32
    %cond3A_13 = arith.constant 0 : i32
    %cond3A_14 = arith.cmpi ne, %convert_element_type3A_12, %cond3A_13 : i32
    scf.if %cond3A_14 {
      %mul3A_15 = arith.constant 1000 : i32
      %mul3A_16 = arith.muli %arg1, %mul3A_15 : i32
      %mul3A_17 = arith.constant 1000 : i32
      %mul3A_18 = arith.muli %arg1, %mul3A_17 : i32
      "tpu.region"() ({
        %run_scoped3A = tpu.sem_alloc : memref<!tpu.dma_semaphore, #tpu.memory_space<semaphore_mem>>
        %dma_start3A = arith.constant 0 : i32
        %dma_start3A_19 = tpu.memref_slice %arg5[%arg0, %mul3A_18, %dma_start3A] : memref<2x10000x8xf32, #tpu.memory_space<hbm>> -> memref<1x1000x8xf32, #tpu.memory_space<hbm>>
        %dma_start3A_20 = tpu.memref_squeeze %dma_start3A_19 : memref<1x1000x8xf32, #tpu.memory_space<hbm>> -> memref<1000x8xf32, #tpu.memory_space<hbm>>
        %dma_start3A_21 = arith.constant 0 : i32
        %dma_start3A_22 = tpu.memref_slice %arg8[%mul3A_16, %dma_start3A_21] : memref<10008x8xf32, #tpu.memory_space<vmem_shared>> -> memref<1000x8xf32, #tpu.memory_space<vmem_shared>>
        tpu.enqueue_dma source(%dma_start3A_22 : memref<1000x8xf32, #tpu.memory_space<vmem_shared>>) target(%dma_start3A_20 : memref<1000x8xf32, #tpu.memory_space<hbm>>) target_semaphore(%run_scoped3A : memref<!tpu.dma_semaphore, #tpu.memory_space<semaphore_mem>>)
        %dma_wait3A = arith.constant 0 : i32
        %dma_wait3A_23 = tpu.memref_slice %arg5[%arg0, %mul3A_18, %dma_wait3A] : memref<2x10000x8xf32, #tpu.memory_space<hbm>> -> memref<1x1000x8xf32, #tpu.memory_space<hbm>>
        %dma_wait3A_24 = tpu.memref_squeeze %dma_wait3A_23 : memref<1x1000x8xf32, #tpu.memory_space<hbm>> -> memref<1000x8xf32, #tpu.memory_space<hbm>>
        %dma_wait3A_25 = arith.constant 0 : i32
        %dma_wait3A_26 = tpu.memref_slice %arg8[%mul3A_16, %dma_wait3A_25] : memref<10008x8xf32, #tpu.memory_space<vmem_shared>> -> memref<1000x8xf32, #tpu.memory_space<vmem_shared>>
        tpu.wait_dma2 semaphore(%run_scoped3A : memref<!tpu.dma_semaphore, #tpu.memory_space<semaphore_mem>>) src(%dma_wait3A_26 : memref<1000x8xf32, #tpu.memory_space<vmem_shared>>) dst(%dma_wait3A_24 : memref<1000x8xf32, #tpu.memory_space<hbm>>)
        tpu.yield
      }) : () -> ()
    } else {
    }
    return
  }
}

#map = affine_map<(d0, d1) -> (0, 0)>
#map1 = affine_map<(d0, d1) -> (0)>
#map2 = affine_map<(d0, d1) -> (0, 0, 0)>
module attributes {stable_mosaic.version = 14 : i64} {
  func.func @prop(%arg0: i32, %arg1: i32, %arg2: memref<20008x128xf32, #tpu.memory_space<hbm>>, %arg3: memref<640000xi32, #tpu.memory_space<hbm>>, %arg4: memref<320000xi32, #tpu.memory_space<hbm>>, %arg5: memref<1000x128xf32, #tpu.memory_space<hbm>>, %arg6: memref<2x10000x128xf32, #tpu.memory_space<hbm>>, %arg7: memref<2000xi32, #tpu.memory_space<vmem>>, %arg8: memref<2000xi32, #tpu.memory_space<vmem>>, %arg9: memref<40x128xf32, #tpu.memory_space<vmem>>, %arg10: memref<40x128xf32, #tpu.memory_space<vmem>>, %arg11: memref<40x128xf32, #tpu.memory_space<vmem>>, %arg12: memref<40x128xf32, #tpu.memory_space<vmem>>, %arg13: memref<40x128xf32, #tpu.memory_space<vmem>>, %arg14: memref<10000x128xf32, #tpu.memory_space<vmem_shared>>, %arg15: memref<!tpu.dma_semaphore, #tpu.memory_space<semaphore_mem>>, %arg16: memref<!tpu.dma_semaphore, #tpu.memory_space<semaphore_mem>>, %arg17: memref<!tpu.dma_semaphore, #tpu.memory_space<semaphore_mem>>, %arg18: memref<!tpu.dma_semaphore, #tpu.memory_space<semaphore_mem>>, %arg19: memref<!tpu.dma_semaphore, #tpu.memory_space<semaphore_mem>>) attributes {dimension_semantics = [#tpu.dimension_semantics<core_parallel>, #tpu.dimension_semantics<subcore_parallel>], iteration_bounds = array<i64: 2, 16>, scalar_prefetch = 0 : i64, scratch_operands = 13 : i64, tpu.core_type = #tpu.core_type<sc_vector_subcore>, window_params = [{transform_indices = #map}, {transform_indices = #map1}, {transform_indices = #map1}, {transform_indices = #map}, {transform_indices = #map2}]} {
    %lt3A = arith.constant 10 : i32
    %lt3A_0 = arith.cmpi slt, %arg1, %lt3A : i32
    %convert_element_type3A = arith.extui %lt3A_0 : i1 to i32
    %cond3A = arith.constant 0 : i32
    %cond3A_1 = arith.cmpi ne, %convert_element_type3A, %cond3A : i32
    scf.if %cond3A_1 {
      %mul3A_15 = arith.constant 1000 : i32
      %mul3A_16 = arith.muli %arg1, %mul3A_15 : i32
      "tpu.region"() ({
        %run_scoped3A = tpu.sem_alloc : memref<!tpu.dma_semaphore, #tpu.memory_space<semaphore_mem>>
        %dma_start3A = arith.constant 0 : i32
        %dma_start3A_17 = tpu.memref_slice %arg14[%mul3A_16, %dma_start3A] : memref<10000x128xf32, #tpu.memory_space<vmem_shared>> -> memref<1000x128xf32, #tpu.memory_space<vmem_shared>>
        tpu.enqueue_dma source(%arg5 : memref<1000x128xf32, #tpu.memory_space<hbm>>) target(%dma_start3A_17 : memref<1000x128xf32, #tpu.memory_space<vmem_shared>>) target_semaphore(%run_scoped3A : memref<!tpu.dma_semaphore, #tpu.memory_space<semaphore_mem>>)
        %dma_wait3A = arith.constant 0 : i32
        %dma_wait3A_18 = tpu.memref_slice %arg14[%mul3A_16, %dma_wait3A] : memref<10000x128xf32, #tpu.memory_space<vmem_shared>> -> memref<1000x128xf32, #tpu.memory_space<vmem_shared>>
        tpu.wait_dma2 semaphore(%run_scoped3A : memref<!tpu.dma_semaphore, #tpu.memory_space<semaphore_mem>>) src(%arg5 : memref<1000x128xf32, #tpu.memory_space<hbm>>) dst(%dma_wait3A_18 : memref<1000x128xf32, #tpu.memory_space<vmem_shared>>)
        tpu.yield
      }) : () -> ()
    } else {
    }
    %mul3A = arith.constant 20000 : i32
    %mul3A_2 = arith.muli %arg1, %mul3A : i32
    %mul3A_3 = arith.constant 320000 : i32
    %mul3A_4 = arith.muli %arg0, %mul3A_3 : i32
    %add3A = arith.addi %mul3A_4, %mul3A_2 : i32
    %barrier3A = arith.constant 0 : index
    tpu.barrier barrier_id(%barrier3A)
    %scan3A = arith.constant 0 : i32
    %scan3A_5 = arith.constant 10 : i32
    %scan3A_6 = arith.addi %scan3A, %scan3A_5 : i32
    %scan3A_7 = arith.constant 1 : i32
    scf.for %scan3A_15 = %scan3A to %scan3A_6 step %scan3A_7  : i32 {
      %mul3A_16 = arith.constant 1 : i32
      %mul3A_17 = arith.muli %scan3A_15, %mul3A_16 : i32
      %add3A_18 = arith.constant 0 : i32
      %add3A_19 = arith.addi %add3A_18, %mul3A_17 : i32
      %mul3A_20 = arith.constant 2000 : i32
      %mul3A_21 = arith.muli %add3A_19, %mul3A_20 : i32
      %add3A_22 = arith.addi %add3A, %mul3A_21 : i32
      "tpu.region"() ({
        %run_scoped3A = tpu.sem_alloc : memref<!tpu.dma_semaphore, #tpu.memory_space<semaphore_mem>>
        %dma_start3A = tpu.memref_slice %arg3[%add3A_22] : memref<640000xi32, #tpu.memory_space<hbm>> -> memref<2000xi32, #tpu.memory_space<hbm>>
        %dma_start3A_29 = tpu.memref_slice %arg3[%add3A_22] : memref<640000xi32, #tpu.memory_space<hbm>> -> memref<2000xi32, #tpu.memory_space<hbm>>
        tpu.enqueue_dma source(%dma_start3A_29 : memref<2000xi32, #tpu.memory_space<hbm>>) target(%arg7 : memref<2000xi32, #tpu.memory_space<vmem>>) target_semaphore(%run_scoped3A : memref<!tpu.dma_semaphore, #tpu.memory_space<semaphore_mem>>)
        %dma_wait3A = tpu.memref_slice %arg3[%add3A_22] : memref<640000xi32, #tpu.memory_space<hbm>> -> memref<2000xi32, #tpu.memory_space<hbm>>
        %dma_wait3A_30 = tpu.memref_slice %arg3[%add3A_22] : memref<640000xi32, #tpu.memory_space<hbm>> -> memref<2000xi32, #tpu.memory_space<hbm>>
        tpu.wait_dma2 semaphore(%run_scoped3A : memref<!tpu.dma_semaphore, #tpu.memory_space<semaphore_mem>>) src(%dma_wait3A_30 : memref<2000xi32, #tpu.memory_space<hbm>>) dst(%arg7 : memref<2000xi32, #tpu.memory_space<vmem>>)
        tpu.yield
      }) : () -> ()
      %add3A_23 = arith.addi %mul3A_2, %mul3A_21 : i32
      "tpu.region"() ({
        %run_scoped3A = tpu.sem_alloc : memref<!tpu.dma_semaphore, #tpu.memory_space<semaphore_mem>>
        %dma_start3A = tpu.memref_slice %arg4[%add3A_23] : memref<320000xi32, #tpu.memory_space<hbm>> -> memref<2000xi32, #tpu.memory_space<hbm>>
        %dma_start3A_29 = tpu.memref_slice %arg4[%add3A_23] : memref<320000xi32, #tpu.memory_space<hbm>> -> memref<2000xi32, #tpu.memory_space<hbm>>
        tpu.enqueue_dma source(%dma_start3A_29 : memref<2000xi32, #tpu.memory_space<hbm>>) target(%arg8 : memref<2000xi32, #tpu.memory_space<vmem>>) target_semaphore(%run_scoped3A : memref<!tpu.dma_semaphore, #tpu.memory_space<semaphore_mem>>)
        %dma_wait3A = tpu.memref_slice %arg4[%add3A_23] : memref<320000xi32, #tpu.memory_space<hbm>> -> memref<2000xi32, #tpu.memory_space<hbm>>
        %dma_wait3A_30 = tpu.memref_slice %arg4[%add3A_23] : memref<320000xi32, #tpu.memory_space<hbm>> -> memref<2000xi32, #tpu.memory_space<hbm>>
        tpu.wait_dma2 semaphore(%run_scoped3A : memref<!tpu.dma_semaphore, #tpu.memory_space<semaphore_mem>>) src(%dma_wait3A_30 : memref<2000xi32, #tpu.memory_space<hbm>>) dst(%arg8 : memref<2000xi32, #tpu.memory_space<vmem>>)
        tpu.yield
      }) : () -> ()
      %scan3A_24 = arith.constant 0 : i32
      %scan3A_25 = arith.constant 10 : i32
      %scan3A_26 = arith.addi %scan3A_24, %scan3A_25 : i32
      %scan3A_27 = arith.constant 1 : i32
      scf.for %scan3A_29 = %scan3A_24 to %scan3A_26 step %scan3A_27  : i32 {
        %mul3A_30 = arith.constant 1 : i32
        %mul3A_31 = arith.muli %scan3A_29, %mul3A_30 : i32
        %add3A_32 = arith.constant 0 : i32
        %add3A_33 = arith.addi %add3A_32, %mul3A_31 : i32
        %mul3A_34 = arith.constant 40 : i32
        %mul3A_35 = arith.muli %add3A_33, %mul3A_34 : i32
        %mul3A_36 = arith.constant 5 : i32
        %mul3A_37 = arith.muli %mul3A_35, %mul3A_36 : i32
        %add3A_38 = arith.constant 0 : i32
        %add3A_39 = arith.addi %mul3A_37, %add3A_38 : i32
        %dma_start3A = tpu.memref_slice %arg7[%add3A_39] : memref<2000xi32, #tpu.memory_space<vmem>> -> memref<40xi32, #tpu.memory_space<vmem>>
        %dma_start3A_40 = arith.constant 0 : i32
        %dma_start3A_41 = arith.constant 0 : i32
        %dma_start3A_42 = tpu.memref_slice %arg2[%dma_start3A_40, %dma_start3A_41] : memref<20008x128xf32, #tpu.memory_space<hbm>> -> memref<20008x128xf32, #tpu.memory_space<hbm>>
        tpu.enqueue_indirect_dma source(%dma_start3A_42 : memref<20008x128xf32, #tpu.memory_space<hbm>>) target(%arg9 : memref<40x128xf32, #tpu.memory_space<vmem>>) offsets(%dma_start3A : memref<40xi32, #tpu.memory_space<vmem>>) semaphore(%arg15 : memref<!tpu.dma_semaphore, #tpu.memory_space<semaphore_mem>>)
        %add3A_43 = arith.constant 40 : i32
        %add3A_44 = arith.addi %mul3A_37, %add3A_43 : i32
        %dma_start3A_45 = tpu.memref_slice %arg7[%add3A_44] : memref<2000xi32, #tpu.memory_space<vmem>> -> memref<40xi32, #tpu.memory_space<vmem>>
        %dma_start3A_46 = arith.constant 0 : i32
        %dma_start3A_47 = arith.constant 0 : i32
        %dma_start3A_48 = tpu.memref_slice %arg2[%dma_start3A_46, %dma_start3A_47] : memref<20008x128xf32, #tpu.memory_space<hbm>> -> memref<20008x128xf32, #tpu.memory_space<hbm>>
        tpu.enqueue_indirect_dma source(%dma_start3A_48 : memref<20008x128xf32, #tpu.memory_space<hbm>>) target(%arg10 : memref<40x128xf32, #tpu.memory_space<vmem>>) offsets(%dma_start3A_45 : memref<40xi32, #tpu.memory_space<vmem>>) semaphore(%arg16 : memref<!tpu.dma_semaphore, #tpu.memory_space<semaphore_mem>>)
        %add3A_49 = arith.constant 80 : i32
        %add3A_50 = arith.addi %mul3A_37, %add3A_49 : i32
        %dma_start3A_51 = tpu.memref_slice %arg7[%add3A_50] : memref<2000xi32, #tpu.memory_space<vmem>> -> memref<40xi32, #tpu.memory_space<vmem>>
        %dma_start3A_52 = arith.constant 0 : i32
        %dma_start3A_53 = arith.constant 0 : i32
        %dma_start3A_54 = tpu.memref_slice %arg2[%dma_start3A_52, %dma_start3A_53] : memref<20008x128xf32, #tpu.memory_space<hbm>> -> memref<20008x128xf32, #tpu.memory_space<hbm>>
        tpu.enqueue_indirect_dma source(%dma_start3A_54 : memref<20008x128xf32, #tpu.memory_space<hbm>>) target(%arg11 : memref<40x128xf32, #tpu.memory_space<vmem>>) offsets(%dma_start3A_51 : memref<40xi32, #tpu.memory_space<vmem>>) semaphore(%arg17 : memref<!tpu.dma_semaphore, #tpu.memory_space<semaphore_mem>>)
        %add3A_55 = arith.constant 120 : i32
        %add3A_56 = arith.addi %mul3A_37, %add3A_55 : i32
        %dma_start3A_57 = tpu.memref_slice %arg7[%add3A_56] : memref<2000xi32, #tpu.memory_space<vmem>> -> memref<40xi32, #tpu.memory_space<vmem>>
        %dma_start3A_58 = arith.constant 0 : i32
        %dma_start3A_59 = arith.constant 0 : i32
        %dma_start3A_60 = tpu.memref_slice %arg2[%dma_start3A_58, %dma_start3A_59] : memref<20008x128xf32, #tpu.memory_space<hbm>> -> memref<20008x128xf32, #tpu.memory_space<hbm>>
        tpu.enqueue_indirect_dma source(%dma_start3A_60 : memref<20008x128xf32, #tpu.memory_space<hbm>>) target(%arg12 : memref<40x128xf32, #tpu.memory_space<vmem>>) offsets(%dma_start3A_57 : memref<40xi32, #tpu.memory_space<vmem>>) semaphore(%arg18 : memref<!tpu.dma_semaphore, #tpu.memory_space<semaphore_mem>>)
        %add3A_61 = arith.constant 160 : i32
        %add3A_62 = arith.addi %mul3A_37, %add3A_61 : i32
        %dma_start3A_63 = tpu.memref_slice %arg7[%add3A_62] : memref<2000xi32, #tpu.memory_space<vmem>> -> memref<40xi32, #tpu.memory_space<vmem>>
        %dma_start3A_64 = arith.constant 0 : i32
        %dma_start3A_65 = arith.constant 0 : i32
        %dma_start3A_66 = tpu.memref_slice %arg2[%dma_start3A_64, %dma_start3A_65] : memref<20008x128xf32, #tpu.memory_space<hbm>> -> memref<20008x128xf32, #tpu.memory_space<hbm>>
        tpu.enqueue_indirect_dma source(%dma_start3A_66 : memref<20008x128xf32, #tpu.memory_space<hbm>>) target(%arg13 : memref<40x128xf32, #tpu.memory_space<vmem>>) offsets(%dma_start3A_63 : memref<40xi32, #tpu.memory_space<vmem>>) semaphore(%arg19 : memref<!tpu.dma_semaphore, #tpu.memory_space<semaphore_mem>>)
        %dma_wait3A = tpu.memref_slice %arg7[%add3A_39] : memref<2000xi32, #tpu.memory_space<vmem>> -> memref<40xi32, #tpu.memory_space<vmem>>
        %dma_wait3A_67 = arith.constant 0 : i32
        %dma_wait3A_68 = arith.constant 0 : i32
        %dma_wait3A_69 = tpu.memref_slice %arg2[%dma_wait3A_67, %dma_wait3A_68] : memref<20008x128xf32, #tpu.memory_space<hbm>> -> memref<20008x128xf32, #tpu.memory_space<hbm>>
        tpu.wait_indirect_dma semaphore(%arg15 : memref<!tpu.dma_semaphore, #tpu.memory_space<semaphore_mem>>) src(%dma_wait3A_69 : memref<20008x128xf32, #tpu.memory_space<hbm>>) dst(%arg9 : memref<40x128xf32, #tpu.memory_space<vmem>>)
        %add3A_70 = arith.constant 0 : i32
        %add3A_71 = arith.addi %mul3A_37, %add3A_70 : i32
        "tpu.region"() ({
          %run_scoped3A = tpu.sem_alloc : memref<!tpu.dma_semaphore, #tpu.memory_space<semaphore_mem>>
          %dma_start3A_96 = tpu.memref_slice %arg8[%add3A_71] : memref<2000xi32, #tpu.memory_space<vmem>> -> memref<40xi32, #tpu.memory_space<vmem>>
          %dma_start3A_97 = arith.constant 0 : i32
          %dma_start3A_98 = arith.constant 0 : i32
          %dma_start3A_99 = tpu.memref_slice %arg14[%dma_start3A_97, %dma_start3A_98] : memref<10000x128xf32, #tpu.memory_space<vmem_shared>> -> memref<10000x128xf32, #tpu.memory_space<vmem_shared>>
          tpu.enqueue_indirect_dma source(%arg9 : memref<40x128xf32, #tpu.memory_space<vmem>>) target(%dma_start3A_99 : memref<10000x128xf32, #tpu.memory_space<vmem_shared>>) offsets(%dma_start3A_96 : memref<40xi32, #tpu.memory_space<vmem>>) semaphore(%run_scoped3A : memref<!tpu.dma_semaphore, #tpu.memory_space<semaphore_mem>>) {add = true}
          %dma_wait3A_100 = tpu.memref_slice %arg8[%add3A_71] : memref<2000xi32, #tpu.memory_space<vmem>> -> memref<40xi32, #tpu.memory_space<vmem>>
          %dma_wait3A_101 = arith.constant 0 : i32
          %dma_wait3A_102 = arith.constant 0 : i32
          %dma_wait3A_103 = tpu.memref_slice %arg14[%dma_wait3A_101, %dma_wait3A_102] : memref<10000x128xf32, #tpu.memory_space<vmem_shared>> -> memref<10000x128xf32, #tpu.memory_space<vmem_shared>>
          tpu.wait_indirect_dma semaphore(%run_scoped3A : memref<!tpu.dma_semaphore, #tpu.memory_space<semaphore_mem>>) src(%arg9 : memref<40x128xf32, #tpu.memory_space<vmem>>) dst(%dma_wait3A_103 : memref<10000x128xf32, #tpu.memory_space<vmem_shared>>)
          tpu.yield
        }) : () -> ()
        %dma_wait3A_72 = tpu.memref_slice %arg7[%add3A_44] : memref<2000xi32, #tpu.memory_space<vmem>> -> memref<40xi32, #tpu.memory_space<vmem>>
        %dma_wait3A_73 = arith.constant 0 : i32
        %dma_wait3A_74 = arith.constant 0 : i32
        %dma_wait3A_75 = tpu.memref_slice %arg2[%dma_wait3A_73, %dma_wait3A_74] : memref<20008x128xf32, #tpu.memory_space<hbm>> -> memref<20008x128xf32, #tpu.memory_space<hbm>>
        tpu.wait_indirect_dma semaphore(%arg16 : memref<!tpu.dma_semaphore, #tpu.memory_space<semaphore_mem>>) src(%dma_wait3A_75 : memref<20008x128xf32, #tpu.memory_space<hbm>>) dst(%arg10 : memref<40x128xf32, #tpu.memory_space<vmem>>)
        %add3A_76 = arith.constant 40 : i32
        %add3A_77 = arith.addi %mul3A_37, %add3A_76 : i32
        "tpu.region"() ({
          %run_scoped3A = tpu.sem_alloc : memref<!tpu.dma_semaphore, #tpu.memory_space<semaphore_mem>>
          %dma_start3A_96 = tpu.memref_slice %arg8[%add3A_77] : memref<2000xi32, #tpu.memory_space<vmem>> -> memref<40xi32, #tpu.memory_space<vmem>>
          %dma_start3A_97 = arith.constant 0 : i32
          %dma_start3A_98 = arith.constant 0 : i32
          %dma_start3A_99 = tpu.memref_slice %arg14[%dma_start3A_97, %dma_start3A_98] : memref<10000x128xf32, #tpu.memory_space<vmem_shared>> -> memref<10000x128xf32, #tpu.memory_space<vmem_shared>>
          tpu.enqueue_indirect_dma source(%arg10 : memref<40x128xf32, #tpu.memory_space<vmem>>) target(%dma_start3A_99 : memref<10000x128xf32, #tpu.memory_space<vmem_shared>>) offsets(%dma_start3A_96 : memref<40xi32, #tpu.memory_space<vmem>>) semaphore(%run_scoped3A : memref<!tpu.dma_semaphore, #tpu.memory_space<semaphore_mem>>) {add = true}
          %dma_wait3A_100 = tpu.memref_slice %arg8[%add3A_77] : memref<2000xi32, #tpu.memory_space<vmem>> -> memref<40xi32, #tpu.memory_space<vmem>>
          %dma_wait3A_101 = arith.constant 0 : i32
          %dma_wait3A_102 = arith.constant 0 : i32
          %dma_wait3A_103 = tpu.memref_slice %arg14[%dma_wait3A_101, %dma_wait3A_102] : memref<10000x128xf32, #tpu.memory_space<vmem_shared>> -> memref<10000x128xf32, #tpu.memory_space<vmem_shared>>
          tpu.wait_indirect_dma semaphore(%run_scoped3A : memref<!tpu.dma_semaphore, #tpu.memory_space<semaphore_mem>>) src(%arg10 : memref<40x128xf32, #tpu.memory_space<vmem>>) dst(%dma_wait3A_103 : memref<10000x128xf32, #tpu.memory_space<vmem_shared>>)
          tpu.yield
        }) : () -> ()
        %dma_wait3A_78 = tpu.memref_slice %arg7[%add3A_50] : memref<2000xi32, #tpu.memory_space<vmem>> -> memref<40xi32, #tpu.memory_space<vmem>>
        %dma_wait3A_79 = arith.constant 0 : i32
        %dma_wait3A_80 = arith.constant 0 : i32
        %dma_wait3A_81 = tpu.memref_slice %arg2[%dma_wait3A_79, %dma_wait3A_80] : memref<20008x128xf32, #tpu.memory_space<hbm>> -> memref<20008x128xf32, #tpu.memory_space<hbm>>
        tpu.wait_indirect_dma semaphore(%arg17 : memref<!tpu.dma_semaphore, #tpu.memory_space<semaphore_mem>>) src(%dma_wait3A_81 : memref<20008x128xf32, #tpu.memory_space<hbm>>) dst(%arg11 : memref<40x128xf32, #tpu.memory_space<vmem>>)
        %add3A_82 = arith.constant 80 : i32
        %add3A_83 = arith.addi %mul3A_37, %add3A_82 : i32
        "tpu.region"() ({
          %run_scoped3A = tpu.sem_alloc : memref<!tpu.dma_semaphore, #tpu.memory_space<semaphore_mem>>
          %dma_start3A_96 = tpu.memref_slice %arg8[%add3A_83] : memref<2000xi32, #tpu.memory_space<vmem>> -> memref<40xi32, #tpu.memory_space<vmem>>
          %dma_start3A_97 = arith.constant 0 : i32
          %dma_start3A_98 = arith.constant 0 : i32
          %dma_start3A_99 = tpu.memref_slice %arg14[%dma_start3A_97, %dma_start3A_98] : memref<10000x128xf32, #tpu.memory_space<vmem_shared>> -> memref<10000x128xf32, #tpu.memory_space<vmem_shared>>
          tpu.enqueue_indirect_dma source(%arg11 : memref<40x128xf32, #tpu.memory_space<vmem>>) target(%dma_start3A_99 : memref<10000x128xf32, #tpu.memory_space<vmem_shared>>) offsets(%dma_start3A_96 : memref<40xi32, #tpu.memory_space<vmem>>) semaphore(%run_scoped3A : memref<!tpu.dma_semaphore, #tpu.memory_space<semaphore_mem>>) {add = true}
          %dma_wait3A_100 = tpu.memref_slice %arg8[%add3A_83] : memref<2000xi32, #tpu.memory_space<vmem>> -> memref<40xi32, #tpu.memory_space<vmem>>
          %dma_wait3A_101 = arith.constant 0 : i32
          %dma_wait3A_102 = arith.constant 0 : i32
          %dma_wait3A_103 = tpu.memref_slice %arg14[%dma_wait3A_101, %dma_wait3A_102] : memref<10000x128xf32, #tpu.memory_space<vmem_shared>> -> memref<10000x128xf32, #tpu.memory_space<vmem_shared>>
          tpu.wait_indirect_dma semaphore(%run_scoped3A : memref<!tpu.dma_semaphore, #tpu.memory_space<semaphore_mem>>) src(%arg11 : memref<40x128xf32, #tpu.memory_space<vmem>>) dst(%dma_wait3A_103 : memref<10000x128xf32, #tpu.memory_space<vmem_shared>>)
          tpu.yield
        }) : () -> ()
        %dma_wait3A_84 = tpu.memref_slice %arg7[%add3A_56] : memref<2000xi32, #tpu.memory_space<vmem>> -> memref<40xi32, #tpu.memory_space<vmem>>
        %dma_wait3A_85 = arith.constant 0 : i32
        %dma_wait3A_86 = arith.constant 0 : i32
        %dma_wait3A_87 = tpu.memref_slice %arg2[%dma_wait3A_85, %dma_wait3A_86] : memref<20008x128xf32, #tpu.memory_space<hbm>> -> memref<20008x128xf32, #tpu.memory_space<hbm>>
        tpu.wait_indirect_dma semaphore(%arg18 : memref<!tpu.dma_semaphore, #tpu.memory_space<semaphore_mem>>) src(%dma_wait3A_87 : memref<20008x128xf32, #tpu.memory_space<hbm>>) dst(%arg12 : memref<40x128xf32, #tpu.memory_space<vmem>>)
        %add3A_88 = arith.constant 120 : i32
        %add3A_89 = arith.addi %mul3A_37, %add3A_88 : i32
        "tpu.region"() ({
          %run_scoped3A = tpu.sem_alloc : memref<!tpu.dma_semaphore, #tpu.memory_space<semaphore_mem>>
          %dma_start3A_96 = tpu.memref_slice %arg8[%add3A_89] : memref<2000xi32, #tpu.memory_space<vmem>> -> memref<40xi32, #tpu.memory_space<vmem>>
          %dma_start3A_97 = arith.constant 0 : i32
          %dma_start3A_98 = arith.constant 0 : i32
          %dma_start3A_99 = tpu.memref_slice %arg14[%dma_start3A_97, %dma_start3A_98] : memref<10000x128xf32, #tpu.memory_space<vmem_shared>> -> memref<10000x128xf32, #tpu.memory_space<vmem_shared>>
          tpu.enqueue_indirect_dma source(%arg12 : memref<40x128xf32, #tpu.memory_space<vmem>>) target(%dma_start3A_99 : memref<10000x128xf32, #tpu.memory_space<vmem_shared>>) offsets(%dma_start3A_96 : memref<40xi32, #tpu.memory_space<vmem>>) semaphore(%run_scoped3A : memref<!tpu.dma_semaphore, #tpu.memory_space<semaphore_mem>>) {add = true}
          %dma_wait3A_100 = tpu.memref_slice %arg8[%add3A_89] : memref<2000xi32, #tpu.memory_space<vmem>> -> memref<40xi32, #tpu.memory_space<vmem>>
          %dma_wait3A_101 = arith.constant 0 : i32
          %dma_wait3A_102 = arith.constant 0 : i32
          %dma_wait3A_103 = tpu.memref_slice %arg14[%dma_wait3A_101, %dma_wait3A_102] : memref<10000x128xf32, #tpu.memory_space<vmem_shared>> -> memref<10000x128xf32, #tpu.memory_space<vmem_shared>>
          tpu.wait_indirect_dma semaphore(%run_scoped3A : memref<!tpu.dma_semaphore, #tpu.memory_space<semaphore_mem>>) src(%arg12 : memref<40x128xf32, #tpu.memory_space<vmem>>) dst(%dma_wait3A_103 : memref<10000x128xf32, #tpu.memory_space<vmem_shared>>)
          tpu.yield
        }) : () -> ()
        %dma_wait3A_90 = tpu.memref_slice %arg7[%add3A_62] : memref<2000xi32, #tpu.memory_space<vmem>> -> memref<40xi32, #tpu.memory_space<vmem>>
        %dma_wait3A_91 = arith.constant 0 : i32
        %dma_wait3A_92 = arith.constant 0 : i32
        %dma_wait3A_93 = tpu.memref_slice %arg2[%dma_wait3A_91, %dma_wait3A_92] : memref<20008x128xf32, #tpu.memory_space<hbm>> -> memref<20008x128xf32, #tpu.memory_space<hbm>>
        tpu.wait_indirect_dma semaphore(%arg19 : memref<!tpu.dma_semaphore, #tpu.memory_space<semaphore_mem>>) src(%dma_wait3A_93 : memref<20008x128xf32, #tpu.memory_space<hbm>>) dst(%arg13 : memref<40x128xf32, #tpu.memory_space<vmem>>)
        %add3A_94 = arith.constant 160 : i32
        %add3A_95 = arith.addi %mul3A_37, %add3A_94 : i32
        "tpu.region"() ({
          %run_scoped3A = tpu.sem_alloc : memref<!tpu.dma_semaphore, #tpu.memory_space<semaphore_mem>>
          %dma_start3A_96 = tpu.memref_slice %arg8[%add3A_95] : memref<2000xi32, #tpu.memory_space<vmem>> -> memref<40xi32, #tpu.memory_space<vmem>>
          %dma_start3A_97 = arith.constant 0 : i32
          %dma_start3A_98 = arith.constant 0 : i32
          %dma_start3A_99 = tpu.memref_slice %arg14[%dma_start3A_97, %dma_start3A_98] : memref<10000x128xf32, #tpu.memory_space<vmem_shared>> -> memref<10000x128xf32, #tpu.memory_space<vmem_shared>>
          tpu.enqueue_indirect_dma source(%arg13 : memref<40x128xf32, #tpu.memory_space<vmem>>) target(%dma_start3A_99 : memref<10000x128xf32, #tpu.memory_space<vmem_shared>>) offsets(%dma_start3A_96 : memref<40xi32, #tpu.memory_space<vmem>>) semaphore(%run_scoped3A : memref<!tpu.dma_semaphore, #tpu.memory_space<semaphore_mem>>) {add = true}
          %dma_wait3A_100 = tpu.memref_slice %arg8[%add3A_95] : memref<2000xi32, #tpu.memory_space<vmem>> -> memref<40xi32, #tpu.memory_space<vmem>>
          %dma_wait3A_101 = arith.constant 0 : i32
          %dma_wait3A_102 = arith.constant 0 : i32
          %dma_wait3A_103 = tpu.memref_slice %arg14[%dma_wait3A_101, %dma_wait3A_102] : memref<10000x128xf32, #tpu.memory_space<vmem_shared>> -> memref<10000x128xf32, #tpu.memory_space<vmem_shared>>
          tpu.wait_indirect_dma semaphore(%run_scoped3A : memref<!tpu.dma_semaphore, #tpu.memory_space<semaphore_mem>>) src(%arg13 : memref<40x128xf32, #tpu.memory_space<vmem>>) dst(%dma_wait3A_103 : memref<10000x128xf32, #tpu.memory_space<vmem_shared>>)
          tpu.yield
        }) : () -> ()
      }
      %scan3A_28 = arith.constant 10 : i32
    }
    %scan3A_8 = arith.constant 10 : i32
    %barrier3A_9 = arith.constant 0 : index
    tpu.barrier barrier_id(%barrier3A_9)
    %lt3A_10 = arith.constant 10 : i32
    %lt3A_11 = arith.cmpi slt, %arg1, %lt3A_10 : i32
    %convert_element_type3A_12 = arith.extui %lt3A_11 : i1 to i32
    %cond3A_13 = arith.constant 0 : i32
    %cond3A_14 = arith.cmpi ne, %convert_element_type3A_12, %cond3A_13 : i32
    scf.if %cond3A_14 {
      %mul3A_15 = arith.constant 1000 : i32
      %mul3A_16 = arith.muli %arg1, %mul3A_15 : i32
      %mul3A_17 = arith.constant 1000 : i32
      %mul3A_18 = arith.muli %arg1, %mul3A_17 : i32
      "tpu.region"() ({
        %run_scoped3A = tpu.sem_alloc : memref<!tpu.dma_semaphore, #tpu.memory_space<semaphore_mem>>
        %dma_start3A = arith.constant 0 : i32
        %dma_start3A_19 = tpu.memref_slice %arg6[%arg0, %mul3A_18, %dma_start3A] : memref<2x10000x128xf32, #tpu.memory_space<hbm>> -> memref<1x1000x128xf32, #tpu.memory_space<hbm>>
        %dma_start3A_20 = tpu.memref_squeeze %dma_start3A_19 : memref<1x1000x128xf32, #tpu.memory_space<hbm>> -> memref<1000x128xf32, #tpu.memory_space<hbm>>
        %dma_start3A_21 = arith.constant 0 : i32
        %dma_start3A_22 = tpu.memref_slice %arg14[%mul3A_16, %dma_start3A_21] : memref<10000x128xf32, #tpu.memory_space<vmem_shared>> -> memref<1000x128xf32, #tpu.memory_space<vmem_shared>>
        tpu.enqueue_dma source(%dma_start3A_22 : memref<1000x128xf32, #tpu.memory_space<vmem_shared>>) target(%dma_start3A_20 : memref<1000x128xf32, #tpu.memory_space<hbm>>) target_semaphore(%run_scoped3A : memref<!tpu.dma_semaphore, #tpu.memory_space<semaphore_mem>>)
        %dma_wait3A = arith.constant 0 : i32
        %dma_wait3A_23 = tpu.memref_slice %arg6[%arg0, %mul3A_18, %dma_wait3A] : memref<2x10000x128xf32, #tpu.memory_space<hbm>> -> memref<1x1000x128xf32, #tpu.memory_space<hbm>>
        %dma_wait3A_24 = tpu.memref_squeeze %dma_wait3A_23 : memref<1x1000x128xf32, #tpu.memory_space<hbm>> -> memref<1000x128xf32, #tpu.memory_space<hbm>>
        %dma_wait3A_25 = arith.constant 0 : i32
        %dma_wait3A_26 = tpu.memref_slice %arg14[%mul3A_16, %dma_wait3A_25] : memref<10000x128xf32, #tpu.memory_space<vmem_shared>> -> memref<1000x128xf32, #tpu.memory_space<vmem_shared>>
        tpu.wait_dma2 semaphore(%run_scoped3A : memref<!tpu.dma_semaphore, #tpu.memory_space<semaphore_mem>>) src(%dma_wait3A_26 : memref<1000x128xf32, #tpu.memory_space<vmem_shared>>) dst(%dma_wait3A_24 : memref<1000x128xf32, #tpu.memory_space<hbm>>)
        tpu.yield
      }) : () -> ()
    } else {
    }
    return
  }
}

#map = affine_map<(d0, d1) -> (0, 0)>
#map1 = affine_map<(d0, d1) -> (0)>
#map2 = affine_map<(d0, d1) -> (0, 0, 0)>
module attributes {stable_mosaic.version = 14 : i64} {
  func.func @prop(%arg0: i32, %arg1: i32, %arg2: memref<10000x16xf32, #tpu.memory_space<hbm>>, %arg3: memref<320000xi32, #tpu.memory_space<hbm>>, %arg4: memref<320000xi32, #tpu.memory_space<hbm>>, %arg5: memref<1000x16xf32, #tpu.memory_space<hbm>>, %arg6: memref<2x10000x16xf32, #tpu.memory_space<hbm>>, %arg7: memref<2000xi32, #tpu.memory_space<vmem>>, %arg8: memref<2000xi32, #tpu.memory_space<vmem>>, %arg9: memref<40x16xf32, #tpu.memory_space<vmem>>, %arg10: memref<40x16xf32, #tpu.memory_space<vmem>>, %arg11: memref<40x16xf32, #tpu.memory_space<vmem>>, %arg12: memref<40x16xf32, #tpu.memory_space<vmem>>, %arg13: memref<40x16xf32, #tpu.memory_space<vmem>>, %arg14: memref<10000x16xf32, #tpu.memory_space<vmem_shared>>, %arg15: memref<!tpu.dma_semaphore, #tpu.memory_space<semaphore_mem>>, %arg16: memref<!tpu.dma_semaphore, #tpu.memory_space<semaphore_mem>>, %arg17: memref<!tpu.dma_semaphore, #tpu.memory_space<semaphore_mem>>, %arg18: memref<!tpu.dma_semaphore, #tpu.memory_space<semaphore_mem>>, %arg19: memref<!tpu.dma_semaphore, #tpu.memory_space<semaphore_mem>>) attributes {dimension_semantics = [#tpu.dimension_semantics<core_parallel>, #tpu.dimension_semantics<subcore_parallel>], iteration_bounds = array<i64: 2, 16>, scalar_prefetch = 0 : i64, scratch_operands = 13 : i64, tpu.core_type = #tpu.core_type<sc_vector_subcore>, window_params = [{transform_indices = #map}, {transform_indices = #map1}, {transform_indices = #map1}, {transform_indices = #map}, {transform_indices = #map2}]} {
    %lt3A = arith.constant 10 : i32
    %lt3A_0 = arith.cmpi slt, %arg1, %lt3A : i32
    %convert_element_type3A = arith.extui %lt3A_0 : i1 to i32
    %cond3A = arith.constant 0 : i32
    %cond3A_1 = arith.cmpi ne, %convert_element_type3A, %cond3A : i32
    scf.if %cond3A_1 {
      %mul3A_15 = arith.constant 1000 : i32
      %mul3A_16 = arith.muli %arg1, %mul3A_15 : i32
      "tpu.region"() ({
        %run_scoped3A = tpu.sem_alloc : memref<!tpu.dma_semaphore, #tpu.memory_space<semaphore_mem>>
        %dma_start3A = arith.constant 0 : i32
        %dma_start3A_17 = tpu.memref_slice %arg14[%mul3A_16, %dma_start3A] : memref<10000x16xf32, #tpu.memory_space<vmem_shared>> -> memref<1000x16xf32, #tpu.memory_space<vmem_shared>>
        tpu.enqueue_dma source(%arg5 : memref<1000x16xf32, #tpu.memory_space<hbm>>) target(%dma_start3A_17 : memref<1000x16xf32, #tpu.memory_space<vmem_shared>>) target_semaphore(%run_scoped3A : memref<!tpu.dma_semaphore, #tpu.memory_space<semaphore_mem>>)
        %dma_wait3A = arith.constant 0 : i32
        %dma_wait3A_18 = tpu.memref_slice %arg14[%mul3A_16, %dma_wait3A] : memref<10000x16xf32, #tpu.memory_space<vmem_shared>> -> memref<1000x16xf32, #tpu.memory_space<vmem_shared>>
        tpu.wait_dma2 semaphore(%run_scoped3A : memref<!tpu.dma_semaphore, #tpu.memory_space<semaphore_mem>>) src(%arg5 : memref<1000x16xf32, #tpu.memory_space<hbm>>) dst(%dma_wait3A_18 : memref<1000x16xf32, #tpu.memory_space<vmem_shared>>)
        tpu.yield
      }) : () -> ()
    } else {
    }
    %mul3A = arith.constant 2 : i32
    %mul3A_2 = arith.muli %arg1, %mul3A : i32
    %add3A = arith.addi %mul3A_2, %arg0 : i32
    %mul3A_3 = arith.constant 10000 : i32
    %mul3A_4 = arith.muli %add3A, %mul3A_3 : i32
    %barrier3A = arith.constant 0 : index
    tpu.barrier barrier_id(%barrier3A)
    %scan3A = arith.constant 0 : i32
    %scan3A_5 = arith.constant 5 : i32
    %scan3A_6 = arith.addi %scan3A, %scan3A_5 : i32
    %scan3A_7 = arith.constant 1 : i32
    scf.for %scan3A_15 = %scan3A to %scan3A_6 step %scan3A_7  : i32 {
      %mul3A_16 = arith.constant 1 : i32
      %mul3A_17 = arith.muli %scan3A_15, %mul3A_16 : i32
      %add3A_18 = arith.constant 0 : i32
      %add3A_19 = arith.addi %add3A_18, %mul3A_17 : i32
      %mul3A_20 = arith.constant 2000 : i32
      %mul3A_21 = arith.muli %add3A_19, %mul3A_20 : i32
      %add3A_22 = arith.addi %mul3A_4, %mul3A_21 : i32
      "tpu.region"() ({
        %run_scoped3A = tpu.sem_alloc : memref<!tpu.dma_semaphore, #tpu.memory_space<semaphore_mem>>
        %dma_start3A = tpu.memref_slice %arg3[%add3A_22] : memref<320000xi32, #tpu.memory_space<hbm>> -> memref<2000xi32, #tpu.memory_space<hbm>>
        %dma_start3A_29 = tpu.memref_slice %arg3[%add3A_22] : memref<320000xi32, #tpu.memory_space<hbm>> -> memref<2000xi32, #tpu.memory_space<hbm>>
        tpu.enqueue_dma source(%dma_start3A_29 : memref<2000xi32, #tpu.memory_space<hbm>>) target(%arg7 : memref<2000xi32, #tpu.memory_space<vmem>>) target_semaphore(%run_scoped3A : memref<!tpu.dma_semaphore, #tpu.memory_space<semaphore_mem>>)
        %dma_wait3A = tpu.memref_slice %arg3[%add3A_22] : memref<320000xi32, #tpu.memory_space<hbm>> -> memref<2000xi32, #tpu.memory_space<hbm>>
        %dma_wait3A_30 = tpu.memref_slice %arg3[%add3A_22] : memref<320000xi32, #tpu.memory_space<hbm>> -> memref<2000xi32, #tpu.memory_space<hbm>>
        tpu.wait_dma2 semaphore(%run_scoped3A : memref<!tpu.dma_semaphore, #tpu.memory_space<semaphore_mem>>) src(%dma_wait3A_30 : memref<2000xi32, #tpu.memory_space<hbm>>) dst(%arg7 : memref<2000xi32, #tpu.memory_space<vmem>>)
        tpu.yield
      }) : () -> ()
      %add3A_23 = arith.addi %mul3A_4, %mul3A_21 : i32
      "tpu.region"() ({
        %run_scoped3A = tpu.sem_alloc : memref<!tpu.dma_semaphore, #tpu.memory_space<semaphore_mem>>
        %dma_start3A = tpu.memref_slice %arg4[%add3A_23] : memref<320000xi32, #tpu.memory_space<hbm>> -> memref<2000xi32, #tpu.memory_space<hbm>>
        %dma_start3A_29 = tpu.memref_slice %arg4[%add3A_23] : memref<320000xi32, #tpu.memory_space<hbm>> -> memref<2000xi32, #tpu.memory_space<hbm>>
        tpu.enqueue_dma source(%dma_start3A_29 : memref<2000xi32, #tpu.memory_space<hbm>>) target(%arg8 : memref<2000xi32, #tpu.memory_space<vmem>>) target_semaphore(%run_scoped3A : memref<!tpu.dma_semaphore, #tpu.memory_space<semaphore_mem>>)
        %dma_wait3A = tpu.memref_slice %arg4[%add3A_23] : memref<320000xi32, #tpu.memory_space<hbm>> -> memref<2000xi32, #tpu.memory_space<hbm>>
        %dma_wait3A_30 = tpu.memref_slice %arg4[%add3A_23] : memref<320000xi32, #tpu.memory_space<hbm>> -> memref<2000xi32, #tpu.memory_space<hbm>>
        tpu.wait_dma2 semaphore(%run_scoped3A : memref<!tpu.dma_semaphore, #tpu.memory_space<semaphore_mem>>) src(%dma_wait3A_30 : memref<2000xi32, #tpu.memory_space<hbm>>) dst(%arg8 : memref<2000xi32, #tpu.memory_space<vmem>>)
        tpu.yield
      }) : () -> ()
      %scan3A_24 = arith.constant 0 : i32
      %scan3A_25 = arith.constant 10 : i32
      %scan3A_26 = arith.addi %scan3A_24, %scan3A_25 : i32
      %scan3A_27 = arith.constant 1 : i32
      scf.for %scan3A_29 = %scan3A_24 to %scan3A_26 step %scan3A_27  : i32 {
        %mul3A_30 = arith.constant 1 : i32
        %mul3A_31 = arith.muli %scan3A_29, %mul3A_30 : i32
        %add3A_32 = arith.constant 0 : i32
        %add3A_33 = arith.addi %add3A_32, %mul3A_31 : i32
        %mul3A_34 = arith.constant 40 : i32
        %mul3A_35 = arith.muli %add3A_33, %mul3A_34 : i32
        %mul3A_36 = arith.constant 5 : i32
        %mul3A_37 = arith.muli %mul3A_35, %mul3A_36 : i32
        %add3A_38 = arith.constant 0 : i32
        %add3A_39 = arith.addi %mul3A_37, %add3A_38 : i32
        %dma_start3A = tpu.memref_slice %arg7[%add3A_39] : memref<2000xi32, #tpu.memory_space<vmem>> -> memref<40xi32, #tpu.memory_space<vmem>>
        %dma_start3A_40 = arith.constant 0 : i32
        %dma_start3A_41 = arith.constant 0 : i32
        %dma_start3A_42 = tpu.memref_slice %arg2[%dma_start3A_40, %dma_start3A_41] : memref<10000x16xf32, #tpu.memory_space<hbm>> -> memref<10000x16xf32, #tpu.memory_space<hbm>>
        tpu.enqueue_indirect_dma source(%dma_start3A_42 : memref<10000x16xf32, #tpu.memory_space<hbm>>) target(%arg9 : memref<40x16xf32, #tpu.memory_space<vmem>>) offsets(%dma_start3A : memref<40xi32, #tpu.memory_space<vmem>>) semaphore(%arg15 : memref<!tpu.dma_semaphore, #tpu.memory_space<semaphore_mem>>)
        %add3A_43 = arith.constant 40 : i32
        %add3A_44 = arith.addi %mul3A_37, %add3A_43 : i32
        %dma_start3A_45 = tpu.memref_slice %arg7[%add3A_44] : memref<2000xi32, #tpu.memory_space<vmem>> -> memref<40xi32, #tpu.memory_space<vmem>>
        %dma_start3A_46 = arith.constant 0 : i32
        %dma_start3A_47 = arith.constant 0 : i32
        %dma_start3A_48 = tpu.memref_slice %arg2[%dma_start3A_46, %dma_start3A_47] : memref<10000x16xf32, #tpu.memory_space<hbm>> -> memref<10000x16xf32, #tpu.memory_space<hbm>>
        tpu.enqueue_indirect_dma source(%dma_start3A_48 : memref<10000x16xf32, #tpu.memory_space<hbm>>) target(%arg10 : memref<40x16xf32, #tpu.memory_space<vmem>>) offsets(%dma_start3A_45 : memref<40xi32, #tpu.memory_space<vmem>>) semaphore(%arg16 : memref<!tpu.dma_semaphore, #tpu.memory_space<semaphore_mem>>)
        %add3A_49 = arith.constant 80 : i32
        %add3A_50 = arith.addi %mul3A_37, %add3A_49 : i32
        %dma_start3A_51 = tpu.memref_slice %arg7[%add3A_50] : memref<2000xi32, #tpu.memory_space<vmem>> -> memref<40xi32, #tpu.memory_space<vmem>>
        %dma_start3A_52 = arith.constant 0 : i32
        %dma_start3A_53 = arith.constant 0 : i32
        %dma_start3A_54 = tpu.memref_slice %arg2[%dma_start3A_52, %dma_start3A_53] : memref<10000x16xf32, #tpu.memory_space<hbm>> -> memref<10000x16xf32, #tpu.memory_space<hbm>>
        tpu.enqueue_indirect_dma source(%dma_start3A_54 : memref<10000x16xf32, #tpu.memory_space<hbm>>) target(%arg11 : memref<40x16xf32, #tpu.memory_space<vmem>>) offsets(%dma_start3A_51 : memref<40xi32, #tpu.memory_space<vmem>>) semaphore(%arg17 : memref<!tpu.dma_semaphore, #tpu.memory_space<semaphore_mem>>)
        %add3A_55 = arith.constant 120 : i32
        %add3A_56 = arith.addi %mul3A_37, %add3A_55 : i32
        %dma_start3A_57 = tpu.memref_slice %arg7[%add3A_56] : memref<2000xi32, #tpu.memory_space<vmem>> -> memref<40xi32, #tpu.memory_space<vmem>>
        %dma_start3A_58 = arith.constant 0 : i32
        %dma_start3A_59 = arith.constant 0 : i32
        %dma_start3A_60 = tpu.memref_slice %arg2[%dma_start3A_58, %dma_start3A_59] : memref<10000x16xf32, #tpu.memory_space<hbm>> -> memref<10000x16xf32, #tpu.memory_space<hbm>>
        tpu.enqueue_indirect_dma source(%dma_start3A_60 : memref<10000x16xf32, #tpu.memory_space<hbm>>) target(%arg12 : memref<40x16xf32, #tpu.memory_space<vmem>>) offsets(%dma_start3A_57 : memref<40xi32, #tpu.memory_space<vmem>>) semaphore(%arg18 : memref<!tpu.dma_semaphore, #tpu.memory_space<semaphore_mem>>)
        %add3A_61 = arith.constant 160 : i32
        %add3A_62 = arith.addi %mul3A_37, %add3A_61 : i32
        %dma_start3A_63 = tpu.memref_slice %arg7[%add3A_62] : memref<2000xi32, #tpu.memory_space<vmem>> -> memref<40xi32, #tpu.memory_space<vmem>>
        %dma_start3A_64 = arith.constant 0 : i32
        %dma_start3A_65 = arith.constant 0 : i32
        %dma_start3A_66 = tpu.memref_slice %arg2[%dma_start3A_64, %dma_start3A_65] : memref<10000x16xf32, #tpu.memory_space<hbm>> -> memref<10000x16xf32, #tpu.memory_space<hbm>>
        tpu.enqueue_indirect_dma source(%dma_start3A_66 : memref<10000x16xf32, #tpu.memory_space<hbm>>) target(%arg13 : memref<40x16xf32, #tpu.memory_space<vmem>>) offsets(%dma_start3A_63 : memref<40xi32, #tpu.memory_space<vmem>>) semaphore(%arg19 : memref<!tpu.dma_semaphore, #tpu.memory_space<semaphore_mem>>)
        %dma_wait3A = tpu.memref_slice %arg7[%add3A_39] : memref<2000xi32, #tpu.memory_space<vmem>> -> memref<40xi32, #tpu.memory_space<vmem>>
        %dma_wait3A_67 = arith.constant 0 : i32
        %dma_wait3A_68 = arith.constant 0 : i32
        %dma_wait3A_69 = tpu.memref_slice %arg2[%dma_wait3A_67, %dma_wait3A_68] : memref<10000x16xf32, #tpu.memory_space<hbm>> -> memref<10000x16xf32, #tpu.memory_space<hbm>>
        tpu.wait_indirect_dma semaphore(%arg15 : memref<!tpu.dma_semaphore, #tpu.memory_space<semaphore_mem>>) src(%dma_wait3A_69 : memref<10000x16xf32, #tpu.memory_space<hbm>>) dst(%arg9 : memref<40x16xf32, #tpu.memory_space<vmem>>)
        %add3A_70 = arith.constant 0 : i32
        %add3A_71 = arith.addi %mul3A_37, %add3A_70 : i32
        "tpu.region"() ({
          %run_scoped3A = tpu.sem_alloc : memref<!tpu.dma_semaphore, #tpu.memory_space<semaphore_mem>>
          %dma_start3A_96 = tpu.memref_slice %arg8[%add3A_71] : memref<2000xi32, #tpu.memory_space<vmem>> -> memref<40xi32, #tpu.memory_space<vmem>>
          %dma_start3A_97 = arith.constant 0 : i32
          %dma_start3A_98 = arith.constant 0 : i32
          %dma_start3A_99 = tpu.memref_slice %arg14[%dma_start3A_97, %dma_start3A_98] : memref<10000x16xf32, #tpu.memory_space<vmem_shared>> -> memref<10000x16xf32, #tpu.memory_space<vmem_shared>>
          tpu.enqueue_indirect_dma source(%arg9 : memref<40x16xf32, #tpu.memory_space<vmem>>) target(%dma_start3A_99 : memref<10000x16xf32, #tpu.memory_space<vmem_shared>>) offsets(%dma_start3A_96 : memref<40xi32, #tpu.memory_space<vmem>>) semaphore(%run_scoped3A : memref<!tpu.dma_semaphore, #tpu.memory_space<semaphore_mem>>) {add = true}
          %dma_wait3A_100 = tpu.memref_slice %arg8[%add3A_71] : memref<2000xi32, #tpu.memory_space<vmem>> -> memref<40xi32, #tpu.memory_space<vmem>>
          %dma_wait3A_101 = arith.constant 0 : i32
          %dma_wait3A_102 = arith.constant 0 : i32
          %dma_wait3A_103 = tpu.memref_slice %arg14[%dma_wait3A_101, %dma_wait3A_102] : memref<10000x16xf32, #tpu.memory_space<vmem_shared>> -> memref<10000x16xf32, #tpu.memory_space<vmem_shared>>
          tpu.wait_indirect_dma semaphore(%run_scoped3A : memref<!tpu.dma_semaphore, #tpu.memory_space<semaphore_mem>>) src(%arg9 : memref<40x16xf32, #tpu.memory_space<vmem>>) dst(%dma_wait3A_103 : memref<10000x16xf32, #tpu.memory_space<vmem_shared>>)
          tpu.yield
        }) : () -> ()
        %dma_wait3A_72 = tpu.memref_slice %arg7[%add3A_44] : memref<2000xi32, #tpu.memory_space<vmem>> -> memref<40xi32, #tpu.memory_space<vmem>>
        %dma_wait3A_73 = arith.constant 0 : i32
        %dma_wait3A_74 = arith.constant 0 : i32
        %dma_wait3A_75 = tpu.memref_slice %arg2[%dma_wait3A_73, %dma_wait3A_74] : memref<10000x16xf32, #tpu.memory_space<hbm>> -> memref<10000x16xf32, #tpu.memory_space<hbm>>
        tpu.wait_indirect_dma semaphore(%arg16 : memref<!tpu.dma_semaphore, #tpu.memory_space<semaphore_mem>>) src(%dma_wait3A_75 : memref<10000x16xf32, #tpu.memory_space<hbm>>) dst(%arg10 : memref<40x16xf32, #tpu.memory_space<vmem>>)
        %add3A_76 = arith.constant 40 : i32
        %add3A_77 = arith.addi %mul3A_37, %add3A_76 : i32
        "tpu.region"() ({
          %run_scoped3A = tpu.sem_alloc : memref<!tpu.dma_semaphore, #tpu.memory_space<semaphore_mem>>
          %dma_start3A_96 = tpu.memref_slice %arg8[%add3A_77] : memref<2000xi32, #tpu.memory_space<vmem>> -> memref<40xi32, #tpu.memory_space<vmem>>
          %dma_start3A_97 = arith.constant 0 : i32
          %dma_start3A_98 = arith.constant 0 : i32
          %dma_start3A_99 = tpu.memref_slice %arg14[%dma_start3A_97, %dma_start3A_98] : memref<10000x16xf32, #tpu.memory_space<vmem_shared>> -> memref<10000x16xf32, #tpu.memory_space<vmem_shared>>
          tpu.enqueue_indirect_dma source(%arg10 : memref<40x16xf32, #tpu.memory_space<vmem>>) target(%dma_start3A_99 : memref<10000x16xf32, #tpu.memory_space<vmem_shared>>) offsets(%dma_start3A_96 : memref<40xi32, #tpu.memory_space<vmem>>) semaphore(%run_scoped3A : memref<!tpu.dma_semaphore, #tpu.memory_space<semaphore_mem>>) {add = true}
          %dma_wait3A_100 = tpu.memref_slice %arg8[%add3A_77] : memref<2000xi32, #tpu.memory_space<vmem>> -> memref<40xi32, #tpu.memory_space<vmem>>
          %dma_wait3A_101 = arith.constant 0 : i32
          %dma_wait3A_102 = arith.constant 0 : i32
          %dma_wait3A_103 = tpu.memref_slice %arg14[%dma_wait3A_101, %dma_wait3A_102] : memref<10000x16xf32, #tpu.memory_space<vmem_shared>> -> memref<10000x16xf32, #tpu.memory_space<vmem_shared>>
          tpu.wait_indirect_dma semaphore(%run_scoped3A : memref<!tpu.dma_semaphore, #tpu.memory_space<semaphore_mem>>) src(%arg10 : memref<40x16xf32, #tpu.memory_space<vmem>>) dst(%dma_wait3A_103 : memref<10000x16xf32, #tpu.memory_space<vmem_shared>>)
          tpu.yield
        }) : () -> ()
        %dma_wait3A_78 = tpu.memref_slice %arg7[%add3A_50] : memref<2000xi32, #tpu.memory_space<vmem>> -> memref<40xi32, #tpu.memory_space<vmem>>
        %dma_wait3A_79 = arith.constant 0 : i32
        %dma_wait3A_80 = arith.constant 0 : i32
        %dma_wait3A_81 = tpu.memref_slice %arg2[%dma_wait3A_79, %dma_wait3A_80] : memref<10000x16xf32, #tpu.memory_space<hbm>> -> memref<10000x16xf32, #tpu.memory_space<hbm>>
        tpu.wait_indirect_dma semaphore(%arg17 : memref<!tpu.dma_semaphore, #tpu.memory_space<semaphore_mem>>) src(%dma_wait3A_81 : memref<10000x16xf32, #tpu.memory_space<hbm>>) dst(%arg11 : memref<40x16xf32, #tpu.memory_space<vmem>>)
        %add3A_82 = arith.constant 80 : i32
        %add3A_83 = arith.addi %mul3A_37, %add3A_82 : i32
        "tpu.region"() ({
          %run_scoped3A = tpu.sem_alloc : memref<!tpu.dma_semaphore, #tpu.memory_space<semaphore_mem>>
          %dma_start3A_96 = tpu.memref_slice %arg8[%add3A_83] : memref<2000xi32, #tpu.memory_space<vmem>> -> memref<40xi32, #tpu.memory_space<vmem>>
          %dma_start3A_97 = arith.constant 0 : i32
          %dma_start3A_98 = arith.constant 0 : i32
          %dma_start3A_99 = tpu.memref_slice %arg14[%dma_start3A_97, %dma_start3A_98] : memref<10000x16xf32, #tpu.memory_space<vmem_shared>> -> memref<10000x16xf32, #tpu.memory_space<vmem_shared>>
          tpu.enqueue_indirect_dma source(%arg11 : memref<40x16xf32, #tpu.memory_space<vmem>>) target(%dma_start3A_99 : memref<10000x16xf32, #tpu.memory_space<vmem_shared>>) offsets(%dma_start3A_96 : memref<40xi32, #tpu.memory_space<vmem>>) semaphore(%run_scoped3A : memref<!tpu.dma_semaphore, #tpu.memory_space<semaphore_mem>>) {add = true}
          %dma_wait3A_100 = tpu.memref_slice %arg8[%add3A_83] : memref<2000xi32, #tpu.memory_space<vmem>> -> memref<40xi32, #tpu.memory_space<vmem>>
          %dma_wait3A_101 = arith.constant 0 : i32
          %dma_wait3A_102 = arith.constant 0 : i32
          %dma_wait3A_103 = tpu.memref_slice %arg14[%dma_wait3A_101, %dma_wait3A_102] : memref<10000x16xf32, #tpu.memory_space<vmem_shared>> -> memref<10000x16xf32, #tpu.memory_space<vmem_shared>>
          tpu.wait_indirect_dma semaphore(%run_scoped3A : memref<!tpu.dma_semaphore, #tpu.memory_space<semaphore_mem>>) src(%arg11 : memref<40x16xf32, #tpu.memory_space<vmem>>) dst(%dma_wait3A_103 : memref<10000x16xf32, #tpu.memory_space<vmem_shared>>)
          tpu.yield
        }) : () -> ()
        %dma_wait3A_84 = tpu.memref_slice %arg7[%add3A_56] : memref<2000xi32, #tpu.memory_space<vmem>> -> memref<40xi32, #tpu.memory_space<vmem>>
        %dma_wait3A_85 = arith.constant 0 : i32
        %dma_wait3A_86 = arith.constant 0 : i32
        %dma_wait3A_87 = tpu.memref_slice %arg2[%dma_wait3A_85, %dma_wait3A_86] : memref<10000x16xf32, #tpu.memory_space<hbm>> -> memref<10000x16xf32, #tpu.memory_space<hbm>>
        tpu.wait_indirect_dma semaphore(%arg18 : memref<!tpu.dma_semaphore, #tpu.memory_space<semaphore_mem>>) src(%dma_wait3A_87 : memref<10000x16xf32, #tpu.memory_space<hbm>>) dst(%arg12 : memref<40x16xf32, #tpu.memory_space<vmem>>)
        %add3A_88 = arith.constant 120 : i32
        %add3A_89 = arith.addi %mul3A_37, %add3A_88 : i32
        "tpu.region"() ({
          %run_scoped3A = tpu.sem_alloc : memref<!tpu.dma_semaphore, #tpu.memory_space<semaphore_mem>>
          %dma_start3A_96 = tpu.memref_slice %arg8[%add3A_89] : memref<2000xi32, #tpu.memory_space<vmem>> -> memref<40xi32, #tpu.memory_space<vmem>>
          %dma_start3A_97 = arith.constant 0 : i32
          %dma_start3A_98 = arith.constant 0 : i32
          %dma_start3A_99 = tpu.memref_slice %arg14[%dma_start3A_97, %dma_start3A_98] : memref<10000x16xf32, #tpu.memory_space<vmem_shared>> -> memref<10000x16xf32, #tpu.memory_space<vmem_shared>>
          tpu.enqueue_indirect_dma source(%arg12 : memref<40x16xf32, #tpu.memory_space<vmem>>) target(%dma_start3A_99 : memref<10000x16xf32, #tpu.memory_space<vmem_shared>>) offsets(%dma_start3A_96 : memref<40xi32, #tpu.memory_space<vmem>>) semaphore(%run_scoped3A : memref<!tpu.dma_semaphore, #tpu.memory_space<semaphore_mem>>) {add = true}
          %dma_wait3A_100 = tpu.memref_slice %arg8[%add3A_89] : memref<2000xi32, #tpu.memory_space<vmem>> -> memref<40xi32, #tpu.memory_space<vmem>>
          %dma_wait3A_101 = arith.constant 0 : i32
          %dma_wait3A_102 = arith.constant 0 : i32
          %dma_wait3A_103 = tpu.memref_slice %arg14[%dma_wait3A_101, %dma_wait3A_102] : memref<10000x16xf32, #tpu.memory_space<vmem_shared>> -> memref<10000x16xf32, #tpu.memory_space<vmem_shared>>
          tpu.wait_indirect_dma semaphore(%run_scoped3A : memref<!tpu.dma_semaphore, #tpu.memory_space<semaphore_mem>>) src(%arg12 : memref<40x16xf32, #tpu.memory_space<vmem>>) dst(%dma_wait3A_103 : memref<10000x16xf32, #tpu.memory_space<vmem_shared>>)
          tpu.yield
        }) : () -> ()
        %dma_wait3A_90 = tpu.memref_slice %arg7[%add3A_62] : memref<2000xi32, #tpu.memory_space<vmem>> -> memref<40xi32, #tpu.memory_space<vmem>>
        %dma_wait3A_91 = arith.constant 0 : i32
        %dma_wait3A_92 = arith.constant 0 : i32
        %dma_wait3A_93 = tpu.memref_slice %arg2[%dma_wait3A_91, %dma_wait3A_92] : memref<10000x16xf32, #tpu.memory_space<hbm>> -> memref<10000x16xf32, #tpu.memory_space<hbm>>
        tpu.wait_indirect_dma semaphore(%arg19 : memref<!tpu.dma_semaphore, #tpu.memory_space<semaphore_mem>>) src(%dma_wait3A_93 : memref<10000x16xf32, #tpu.memory_space<hbm>>) dst(%arg13 : memref<40x16xf32, #tpu.memory_space<vmem>>)
        %add3A_94 = arith.constant 160 : i32
        %add3A_95 = arith.addi %mul3A_37, %add3A_94 : i32
        "tpu.region"() ({
          %run_scoped3A = tpu.sem_alloc : memref<!tpu.dma_semaphore, #tpu.memory_space<semaphore_mem>>
          %dma_start3A_96 = tpu.memref_slice %arg8[%add3A_95] : memref<2000xi32, #tpu.memory_space<vmem>> -> memref<40xi32, #tpu.memory_space<vmem>>
          %dma_start3A_97 = arith.constant 0 : i32
          %dma_start3A_98 = arith.constant 0 : i32
          %dma_start3A_99 = tpu.memref_slice %arg14[%dma_start3A_97, %dma_start3A_98] : memref<10000x16xf32, #tpu.memory_space<vmem_shared>> -> memref<10000x16xf32, #tpu.memory_space<vmem_shared>>
          tpu.enqueue_indirect_dma source(%arg13 : memref<40x16xf32, #tpu.memory_space<vmem>>) target(%dma_start3A_99 : memref<10000x16xf32, #tpu.memory_space<vmem_shared>>) offsets(%dma_start3A_96 : memref<40xi32, #tpu.memory_space<vmem>>) semaphore(%run_scoped3A : memref<!tpu.dma_semaphore, #tpu.memory_space<semaphore_mem>>) {add = true}
          %dma_wait3A_100 = tpu.memref_slice %arg8[%add3A_95] : memref<2000xi32, #tpu.memory_space<vmem>> -> memref<40xi32, #tpu.memory_space<vmem>>
          %dma_wait3A_101 = arith.constant 0 : i32
          %dma_wait3A_102 = arith.constant 0 : i32
          %dma_wait3A_103 = tpu.memref_slice %arg14[%dma_wait3A_101, %dma_wait3A_102] : memref<10000x16xf32, #tpu.memory_space<vmem_shared>> -> memref<10000x16xf32, #tpu.memory_space<vmem_shared>>
          tpu.wait_indirect_dma semaphore(%run_scoped3A : memref<!tpu.dma_semaphore, #tpu.memory_space<semaphore_mem>>) src(%arg13 : memref<40x16xf32, #tpu.memory_space<vmem>>) dst(%dma_wait3A_103 : memref<10000x16xf32, #tpu.memory_space<vmem_shared>>)
          tpu.yield
        }) : () -> ()
      }
      %scan3A_28 = arith.constant 10 : i32
    }
    %scan3A_8 = arith.constant 5 : i32
    %barrier3A_9 = arith.constant 0 : index
    tpu.barrier barrier_id(%barrier3A_9)
    %lt3A_10 = arith.constant 10 : i32
    %lt3A_11 = arith.cmpi slt, %arg1, %lt3A_10 : i32
    %convert_element_type3A_12 = arith.extui %lt3A_11 : i1 to i32
    %cond3A_13 = arith.constant 0 : i32
    %cond3A_14 = arith.cmpi ne, %convert_element_type3A_12, %cond3A_13 : i32
    scf.if %cond3A_14 {
      %mul3A_15 = arith.constant 1000 : i32
      %mul3A_16 = arith.muli %arg1, %mul3A_15 : i32
      %mul3A_17 = arith.constant 1000 : i32
      %mul3A_18 = arith.muli %arg1, %mul3A_17 : i32
      "tpu.region"() ({
        %run_scoped3A = tpu.sem_alloc : memref<!tpu.dma_semaphore, #tpu.memory_space<semaphore_mem>>
        %dma_start3A = arith.constant 0 : i32
        %dma_start3A_19 = tpu.memref_slice %arg6[%arg0, %mul3A_18, %dma_start3A] : memref<2x10000x16xf32, #tpu.memory_space<hbm>> -> memref<1x1000x16xf32, #tpu.memory_space<hbm>>
        %dma_start3A_20 = tpu.memref_squeeze %dma_start3A_19 : memref<1x1000x16xf32, #tpu.memory_space<hbm>> -> memref<1000x16xf32, #tpu.memory_space<hbm>>
        %dma_start3A_21 = arith.constant 0 : i32
        %dma_start3A_22 = tpu.memref_slice %arg14[%mul3A_16, %dma_start3A_21] : memref<10000x16xf32, #tpu.memory_space<vmem_shared>> -> memref<1000x16xf32, #tpu.memory_space<vmem_shared>>
        tpu.enqueue_dma source(%dma_start3A_22 : memref<1000x16xf32, #tpu.memory_space<vmem_shared>>) target(%dma_start3A_20 : memref<1000x16xf32, #tpu.memory_space<hbm>>) target_semaphore(%run_scoped3A : memref<!tpu.dma_semaphore, #tpu.memory_space<semaphore_mem>>)
        %dma_wait3A = arith.constant 0 : i32
        %dma_wait3A_23 = tpu.memref_slice %arg6[%arg0, %mul3A_18, %dma_wait3A] : memref<2x10000x16xf32, #tpu.memory_space<hbm>> -> memref<1x1000x16xf32, #tpu.memory_space<hbm>>
        %dma_wait3A_24 = tpu.memref_squeeze %dma_wait3A_23 : memref<1x1000x16xf32, #tpu.memory_space<hbm>> -> memref<1000x16xf32, #tpu.memory_space<hbm>>
        %dma_wait3A_25 = arith.constant 0 : i32
        %dma_wait3A_26 = tpu.memref_slice %arg14[%mul3A_16, %dma_wait3A_25] : memref<10000x16xf32, #tpu.memory_space<vmem_shared>> -> memref<1000x16xf32, #tpu.memory_space<vmem_shared>>
        tpu.wait_dma2 semaphore(%run_scoped3A : memref<!tpu.dma_semaphore, #tpu.memory_space<semaphore_mem>>) src(%dma_wait3A_26 : memref<1000x16xf32, #tpu.memory_space<vmem_shared>>) dst(%dma_wait3A_24 : memref<1000x16xf32, #tpu.memory_space<hbm>>)
        tpu.yield
      }) : () -> ()
    } else {
    }
    return
  }
}

#map = affine_map<(d0, d1) -> (0, 0)>
#map1 = affine_map<(d0, d1) -> (0)>
#map2 = affine_map<(d0, d1) -> (0, 0, 0)>
module attributes {stable_mosaic.version = 14 : i64} {
  func.func @prop(%arg0: i32, %arg1: i32, %arg2: memref<10000x128xf32, #tpu.memory_space<hbm>>, %arg3: memref<320000xi32, #tpu.memory_space<hbm>>, %arg4: memref<320000xi32, #tpu.memory_space<hbm>>, %arg5: memref<1000x128xf32, #tpu.memory_space<hbm>>, %arg6: memref<2x10000x128xf32, #tpu.memory_space<hbm>>, %arg7: memref<2000xi32, #tpu.memory_space<vmem>>, %arg8: memref<2000xi32, #tpu.memory_space<vmem>>, %arg9: memref<40x128xf32, #tpu.memory_space<vmem>>, %arg10: memref<40x128xf32, #tpu.memory_space<vmem>>, %arg11: memref<40x128xf32, #tpu.memory_space<vmem>>, %arg12: memref<40x128xf32, #tpu.memory_space<vmem>>, %arg13: memref<40x128xf32, #tpu.memory_space<vmem>>, %arg14: memref<10000x128xf32, #tpu.memory_space<vmem_shared>>, %arg15: memref<!tpu.dma_semaphore, #tpu.memory_space<semaphore_mem>>, %arg16: memref<!tpu.dma_semaphore, #tpu.memory_space<semaphore_mem>>, %arg17: memref<!tpu.dma_semaphore, #tpu.memory_space<semaphore_mem>>, %arg18: memref<!tpu.dma_semaphore, #tpu.memory_space<semaphore_mem>>, %arg19: memref<!tpu.dma_semaphore, #tpu.memory_space<semaphore_mem>>) attributes {dimension_semantics = [#tpu.dimension_semantics<core_parallel>, #tpu.dimension_semantics<subcore_parallel>], iteration_bounds = array<i64: 2, 16>, scalar_prefetch = 0 : i64, scratch_operands = 13 : i64, tpu.core_type = #tpu.core_type<sc_vector_subcore>, window_params = [{transform_indices = #map}, {transform_indices = #map1}, {transform_indices = #map1}, {transform_indices = #map}, {transform_indices = #map2}]} {
    %lt3A = arith.constant 10 : i32
    %lt3A_0 = arith.cmpi slt, %arg1, %lt3A : i32
    %convert_element_type3A = arith.extui %lt3A_0 : i1 to i32
    %cond3A = arith.constant 0 : i32
    %cond3A_1 = arith.cmpi ne, %convert_element_type3A, %cond3A : i32
    scf.if %cond3A_1 {
      %mul3A_15 = arith.constant 1000 : i32
      %mul3A_16 = arith.muli %arg1, %mul3A_15 : i32
      "tpu.region"() ({
        %run_scoped3A = tpu.sem_alloc : memref<!tpu.dma_semaphore, #tpu.memory_space<semaphore_mem>>
        %dma_start3A = arith.constant 0 : i32
        %dma_start3A_17 = tpu.memref_slice %arg14[%mul3A_16, %dma_start3A] : memref<10000x128xf32, #tpu.memory_space<vmem_shared>> -> memref<1000x128xf32, #tpu.memory_space<vmem_shared>>
        tpu.enqueue_dma source(%arg5 : memref<1000x128xf32, #tpu.memory_space<hbm>>) target(%dma_start3A_17 : memref<1000x128xf32, #tpu.memory_space<vmem_shared>>) target_semaphore(%run_scoped3A : memref<!tpu.dma_semaphore, #tpu.memory_space<semaphore_mem>>)
        %dma_wait3A = arith.constant 0 : i32
        %dma_wait3A_18 = tpu.memref_slice %arg14[%mul3A_16, %dma_wait3A] : memref<10000x128xf32, #tpu.memory_space<vmem_shared>> -> memref<1000x128xf32, #tpu.memory_space<vmem_shared>>
        tpu.wait_dma2 semaphore(%run_scoped3A : memref<!tpu.dma_semaphore, #tpu.memory_space<semaphore_mem>>) src(%arg5 : memref<1000x128xf32, #tpu.memory_space<hbm>>) dst(%dma_wait3A_18 : memref<1000x128xf32, #tpu.memory_space<vmem_shared>>)
        tpu.yield
      }) : () -> ()
    } else {
    }
    %mul3A = arith.constant 2 : i32
    %mul3A_2 = arith.muli %arg1, %mul3A : i32
    %add3A = arith.addi %mul3A_2, %arg0 : i32
    %mul3A_3 = arith.constant 10000 : i32
    %mul3A_4 = arith.muli %add3A, %mul3A_3 : i32
    %barrier3A = arith.constant 0 : index
    tpu.barrier barrier_id(%barrier3A)
    %scan3A = arith.constant 0 : i32
    %scan3A_5 = arith.constant 5 : i32
    %scan3A_6 = arith.addi %scan3A, %scan3A_5 : i32
    %scan3A_7 = arith.constant 1 : i32
    scf.for %scan3A_15 = %scan3A to %scan3A_6 step %scan3A_7  : i32 {
      %mul3A_16 = arith.constant 1 : i32
      %mul3A_17 = arith.muli %scan3A_15, %mul3A_16 : i32
      %add3A_18 = arith.constant 0 : i32
      %add3A_19 = arith.addi %add3A_18, %mul3A_17 : i32
      %mul3A_20 = arith.constant 2000 : i32
      %mul3A_21 = arith.muli %add3A_19, %mul3A_20 : i32
      %add3A_22 = arith.addi %mul3A_4, %mul3A_21 : i32
      "tpu.region"() ({
        %run_scoped3A = tpu.sem_alloc : memref<!tpu.dma_semaphore, #tpu.memory_space<semaphore_mem>>
        %dma_start3A = tpu.memref_slice %arg3[%add3A_22] : memref<320000xi32, #tpu.memory_space<hbm>> -> memref<2000xi32, #tpu.memory_space<hbm>>
        %dma_start3A_29 = tpu.memref_slice %arg3[%add3A_22] : memref<320000xi32, #tpu.memory_space<hbm>> -> memref<2000xi32, #tpu.memory_space<hbm>>
        tpu.enqueue_dma source(%dma_start3A_29 : memref<2000xi32, #tpu.memory_space<hbm>>) target(%arg7 : memref<2000xi32, #tpu.memory_space<vmem>>) target_semaphore(%run_scoped3A : memref<!tpu.dma_semaphore, #tpu.memory_space<semaphore_mem>>)
        %dma_wait3A = tpu.memref_slice %arg3[%add3A_22] : memref<320000xi32, #tpu.memory_space<hbm>> -> memref<2000xi32, #tpu.memory_space<hbm>>
        %dma_wait3A_30 = tpu.memref_slice %arg3[%add3A_22] : memref<320000xi32, #tpu.memory_space<hbm>> -> memref<2000xi32, #tpu.memory_space<hbm>>
        tpu.wait_dma2 semaphore(%run_scoped3A : memref<!tpu.dma_semaphore, #tpu.memory_space<semaphore_mem>>) src(%dma_wait3A_30 : memref<2000xi32, #tpu.memory_space<hbm>>) dst(%arg7 : memref<2000xi32, #tpu.memory_space<vmem>>)
        tpu.yield
      }) : () -> ()
      %add3A_23 = arith.addi %mul3A_4, %mul3A_21 : i32
      "tpu.region"() ({
        %run_scoped3A = tpu.sem_alloc : memref<!tpu.dma_semaphore, #tpu.memory_space<semaphore_mem>>
        %dma_start3A = tpu.memref_slice %arg4[%add3A_23] : memref<320000xi32, #tpu.memory_space<hbm>> -> memref<2000xi32, #tpu.memory_space<hbm>>
        %dma_start3A_29 = tpu.memref_slice %arg4[%add3A_23] : memref<320000xi32, #tpu.memory_space<hbm>> -> memref<2000xi32, #tpu.memory_space<hbm>>
        tpu.enqueue_dma source(%dma_start3A_29 : memref<2000xi32, #tpu.memory_space<hbm>>) target(%arg8 : memref<2000xi32, #tpu.memory_space<vmem>>) target_semaphore(%run_scoped3A : memref<!tpu.dma_semaphore, #tpu.memory_space<semaphore_mem>>)
        %dma_wait3A = tpu.memref_slice %arg4[%add3A_23] : memref<320000xi32, #tpu.memory_space<hbm>> -> memref<2000xi32, #tpu.memory_space<hbm>>
        %dma_wait3A_30 = tpu.memref_slice %arg4[%add3A_23] : memref<320000xi32, #tpu.memory_space<hbm>> -> memref<2000xi32, #tpu.memory_space<hbm>>
        tpu.wait_dma2 semaphore(%run_scoped3A : memref<!tpu.dma_semaphore, #tpu.memory_space<semaphore_mem>>) src(%dma_wait3A_30 : memref<2000xi32, #tpu.memory_space<hbm>>) dst(%arg8 : memref<2000xi32, #tpu.memory_space<vmem>>)
        tpu.yield
      }) : () -> ()
      %scan3A_24 = arith.constant 0 : i32
      %scan3A_25 = arith.constant 10 : i32
      %scan3A_26 = arith.addi %scan3A_24, %scan3A_25 : i32
      %scan3A_27 = arith.constant 1 : i32
      scf.for %scan3A_29 = %scan3A_24 to %scan3A_26 step %scan3A_27  : i32 {
        %mul3A_30 = arith.constant 1 : i32
        %mul3A_31 = arith.muli %scan3A_29, %mul3A_30 : i32
        %add3A_32 = arith.constant 0 : i32
        %add3A_33 = arith.addi %add3A_32, %mul3A_31 : i32
        %mul3A_34 = arith.constant 40 : i32
        %mul3A_35 = arith.muli %add3A_33, %mul3A_34 : i32
        %mul3A_36 = arith.constant 5 : i32
        %mul3A_37 = arith.muli %mul3A_35, %mul3A_36 : i32
        %add3A_38 = arith.constant 0 : i32
        %add3A_39 = arith.addi %mul3A_37, %add3A_38 : i32
        %dma_start3A = tpu.memref_slice %arg7[%add3A_39] : memref<2000xi32, #tpu.memory_space<vmem>> -> memref<40xi32, #tpu.memory_space<vmem>>
        %dma_start3A_40 = arith.constant 0 : i32
        %dma_start3A_41 = arith.constant 0 : i32
        %dma_start3A_42 = tpu.memref_slice %arg2[%dma_start3A_40, %dma_start3A_41] : memref<10000x128xf32, #tpu.memory_space<hbm>> -> memref<10000x128xf32, #tpu.memory_space<hbm>>
        tpu.enqueue_indirect_dma source(%dma_start3A_42 : memref<10000x128xf32, #tpu.memory_space<hbm>>) target(%arg9 : memref<40x128xf32, #tpu.memory_space<vmem>>) offsets(%dma_start3A : memref<40xi32, #tpu.memory_space<vmem>>) semaphore(%arg15 : memref<!tpu.dma_semaphore, #tpu.memory_space<semaphore_mem>>)
        %add3A_43 = arith.constant 40 : i32
        %add3A_44 = arith.addi %mul3A_37, %add3A_43 : i32
        %dma_start3A_45 = tpu.memref_slice %arg7[%add3A_44] : memref<2000xi32, #tpu.memory_space<vmem>> -> memref<40xi32, #tpu.memory_space<vmem>>
        %dma_start3A_46 = arith.constant 0 : i32
        %dma_start3A_47 = arith.constant 0 : i32
        %dma_start3A_48 = tpu.memref_slice %arg2[%dma_start3A_46, %dma_start3A_47] : memref<10000x128xf32, #tpu.memory_space<hbm>> -> memref<10000x128xf32, #tpu.memory_space<hbm>>
        tpu.enqueue_indirect_dma source(%dma_start3A_48 : memref<10000x128xf32, #tpu.memory_space<hbm>>) target(%arg10 : memref<40x128xf32, #tpu.memory_space<vmem>>) offsets(%dma_start3A_45 : memref<40xi32, #tpu.memory_space<vmem>>) semaphore(%arg16 : memref<!tpu.dma_semaphore, #tpu.memory_space<semaphore_mem>>)
        %add3A_49 = arith.constant 80 : i32
        %add3A_50 = arith.addi %mul3A_37, %add3A_49 : i32
        %dma_start3A_51 = tpu.memref_slice %arg7[%add3A_50] : memref<2000xi32, #tpu.memory_space<vmem>> -> memref<40xi32, #tpu.memory_space<vmem>>
        %dma_start3A_52 = arith.constant 0 : i32
        %dma_start3A_53 = arith.constant 0 : i32
        %dma_start3A_54 = tpu.memref_slice %arg2[%dma_start3A_52, %dma_start3A_53] : memref<10000x128xf32, #tpu.memory_space<hbm>> -> memref<10000x128xf32, #tpu.memory_space<hbm>>
        tpu.enqueue_indirect_dma source(%dma_start3A_54 : memref<10000x128xf32, #tpu.memory_space<hbm>>) target(%arg11 : memref<40x128xf32, #tpu.memory_space<vmem>>) offsets(%dma_start3A_51 : memref<40xi32, #tpu.memory_space<vmem>>) semaphore(%arg17 : memref<!tpu.dma_semaphore, #tpu.memory_space<semaphore_mem>>)
        %add3A_55 = arith.constant 120 : i32
        %add3A_56 = arith.addi %mul3A_37, %add3A_55 : i32
        %dma_start3A_57 = tpu.memref_slice %arg7[%add3A_56] : memref<2000xi32, #tpu.memory_space<vmem>> -> memref<40xi32, #tpu.memory_space<vmem>>
        %dma_start3A_58 = arith.constant 0 : i32
        %dma_start3A_59 = arith.constant 0 : i32
        %dma_start3A_60 = tpu.memref_slice %arg2[%dma_start3A_58, %dma_start3A_59] : memref<10000x128xf32, #tpu.memory_space<hbm>> -> memref<10000x128xf32, #tpu.memory_space<hbm>>
        tpu.enqueue_indirect_dma source(%dma_start3A_60 : memref<10000x128xf32, #tpu.memory_space<hbm>>) target(%arg12 : memref<40x128xf32, #tpu.memory_space<vmem>>) offsets(%dma_start3A_57 : memref<40xi32, #tpu.memory_space<vmem>>) semaphore(%arg18 : memref<!tpu.dma_semaphore, #tpu.memory_space<semaphore_mem>>)
        %add3A_61 = arith.constant 160 : i32
        %add3A_62 = arith.addi %mul3A_37, %add3A_61 : i32
        %dma_start3A_63 = tpu.memref_slice %arg7[%add3A_62] : memref<2000xi32, #tpu.memory_space<vmem>> -> memref<40xi32, #tpu.memory_space<vmem>>
        %dma_start3A_64 = arith.constant 0 : i32
        %dma_start3A_65 = arith.constant 0 : i32
        %dma_start3A_66 = tpu.memref_slice %arg2[%dma_start3A_64, %dma_start3A_65] : memref<10000x128xf32, #tpu.memory_space<hbm>> -> memref<10000x128xf32, #tpu.memory_space<hbm>>
        tpu.enqueue_indirect_dma source(%dma_start3A_66 : memref<10000x128xf32, #tpu.memory_space<hbm>>) target(%arg13 : memref<40x128xf32, #tpu.memory_space<vmem>>) offsets(%dma_start3A_63 : memref<40xi32, #tpu.memory_space<vmem>>) semaphore(%arg19 : memref<!tpu.dma_semaphore, #tpu.memory_space<semaphore_mem>>)
        %dma_wait3A = tpu.memref_slice %arg7[%add3A_39] : memref<2000xi32, #tpu.memory_space<vmem>> -> memref<40xi32, #tpu.memory_space<vmem>>
        %dma_wait3A_67 = arith.constant 0 : i32
        %dma_wait3A_68 = arith.constant 0 : i32
        %dma_wait3A_69 = tpu.memref_slice %arg2[%dma_wait3A_67, %dma_wait3A_68] : memref<10000x128xf32, #tpu.memory_space<hbm>> -> memref<10000x128xf32, #tpu.memory_space<hbm>>
        tpu.wait_indirect_dma semaphore(%arg15 : memref<!tpu.dma_semaphore, #tpu.memory_space<semaphore_mem>>) src(%dma_wait3A_69 : memref<10000x128xf32, #tpu.memory_space<hbm>>) dst(%arg9 : memref<40x128xf32, #tpu.memory_space<vmem>>)
        %add3A_70 = arith.constant 0 : i32
        %add3A_71 = arith.addi %mul3A_37, %add3A_70 : i32
        "tpu.region"() ({
          %run_scoped3A = tpu.sem_alloc : memref<!tpu.dma_semaphore, #tpu.memory_space<semaphore_mem>>
          %dma_start3A_96 = tpu.memref_slice %arg8[%add3A_71] : memref<2000xi32, #tpu.memory_space<vmem>> -> memref<40xi32, #tpu.memory_space<vmem>>
          %dma_start3A_97 = arith.constant 0 : i32
          %dma_start3A_98 = arith.constant 0 : i32
          %dma_start3A_99 = tpu.memref_slice %arg14[%dma_start3A_97, %dma_start3A_98] : memref<10000x128xf32, #tpu.memory_space<vmem_shared>> -> memref<10000x128xf32, #tpu.memory_space<vmem_shared>>
          tpu.enqueue_indirect_dma source(%arg9 : memref<40x128xf32, #tpu.memory_space<vmem>>) target(%dma_start3A_99 : memref<10000x128xf32, #tpu.memory_space<vmem_shared>>) offsets(%dma_start3A_96 : memref<40xi32, #tpu.memory_space<vmem>>) semaphore(%run_scoped3A : memref<!tpu.dma_semaphore, #tpu.memory_space<semaphore_mem>>) {add = true}
          %dma_wait3A_100 = tpu.memref_slice %arg8[%add3A_71] : memref<2000xi32, #tpu.memory_space<vmem>> -> memref<40xi32, #tpu.memory_space<vmem>>
          %dma_wait3A_101 = arith.constant 0 : i32
          %dma_wait3A_102 = arith.constant 0 : i32
          %dma_wait3A_103 = tpu.memref_slice %arg14[%dma_wait3A_101, %dma_wait3A_102] : memref<10000x128xf32, #tpu.memory_space<vmem_shared>> -> memref<10000x128xf32, #tpu.memory_space<vmem_shared>>
          tpu.wait_indirect_dma semaphore(%run_scoped3A : memref<!tpu.dma_semaphore, #tpu.memory_space<semaphore_mem>>) src(%arg9 : memref<40x128xf32, #tpu.memory_space<vmem>>) dst(%dma_wait3A_103 : memref<10000x128xf32, #tpu.memory_space<vmem_shared>>)
          tpu.yield
        }) : () -> ()
        %dma_wait3A_72 = tpu.memref_slice %arg7[%add3A_44] : memref<2000xi32, #tpu.memory_space<vmem>> -> memref<40xi32, #tpu.memory_space<vmem>>
        %dma_wait3A_73 = arith.constant 0 : i32
        %dma_wait3A_74 = arith.constant 0 : i32
        %dma_wait3A_75 = tpu.memref_slice %arg2[%dma_wait3A_73, %dma_wait3A_74] : memref<10000x128xf32, #tpu.memory_space<hbm>> -> memref<10000x128xf32, #tpu.memory_space<hbm>>
        tpu.wait_indirect_dma semaphore(%arg16 : memref<!tpu.dma_semaphore, #tpu.memory_space<semaphore_mem>>) src(%dma_wait3A_75 : memref<10000x128xf32, #tpu.memory_space<hbm>>) dst(%arg10 : memref<40x128xf32, #tpu.memory_space<vmem>>)
        %add3A_76 = arith.constant 40 : i32
        %add3A_77 = arith.addi %mul3A_37, %add3A_76 : i32
        "tpu.region"() ({
          %run_scoped3A = tpu.sem_alloc : memref<!tpu.dma_semaphore, #tpu.memory_space<semaphore_mem>>
          %dma_start3A_96 = tpu.memref_slice %arg8[%add3A_77] : memref<2000xi32, #tpu.memory_space<vmem>> -> memref<40xi32, #tpu.memory_space<vmem>>
          %dma_start3A_97 = arith.constant 0 : i32
          %dma_start3A_98 = arith.constant 0 : i32
          %dma_start3A_99 = tpu.memref_slice %arg14[%dma_start3A_97, %dma_start3A_98] : memref<10000x128xf32, #tpu.memory_space<vmem_shared>> -> memref<10000x128xf32, #tpu.memory_space<vmem_shared>>
          tpu.enqueue_indirect_dma source(%arg10 : memref<40x128xf32, #tpu.memory_space<vmem>>) target(%dma_start3A_99 : memref<10000x128xf32, #tpu.memory_space<vmem_shared>>) offsets(%dma_start3A_96 : memref<40xi32, #tpu.memory_space<vmem>>) semaphore(%run_scoped3A : memref<!tpu.dma_semaphore, #tpu.memory_space<semaphore_mem>>) {add = true}
          %dma_wait3A_100 = tpu.memref_slice %arg8[%add3A_77] : memref<2000xi32, #tpu.memory_space<vmem>> -> memref<40xi32, #tpu.memory_space<vmem>>
          %dma_wait3A_101 = arith.constant 0 : i32
          %dma_wait3A_102 = arith.constant 0 : i32
          %dma_wait3A_103 = tpu.memref_slice %arg14[%dma_wait3A_101, %dma_wait3A_102] : memref<10000x128xf32, #tpu.memory_space<vmem_shared>> -> memref<10000x128xf32, #tpu.memory_space<vmem_shared>>
          tpu.wait_indirect_dma semaphore(%run_scoped3A : memref<!tpu.dma_semaphore, #tpu.memory_space<semaphore_mem>>) src(%arg10 : memref<40x128xf32, #tpu.memory_space<vmem>>) dst(%dma_wait3A_103 : memref<10000x128xf32, #tpu.memory_space<vmem_shared>>)
          tpu.yield
        }) : () -> ()
        %dma_wait3A_78 = tpu.memref_slice %arg7[%add3A_50] : memref<2000xi32, #tpu.memory_space<vmem>> -> memref<40xi32, #tpu.memory_space<vmem>>
        %dma_wait3A_79 = arith.constant 0 : i32
        %dma_wait3A_80 = arith.constant 0 : i32
        %dma_wait3A_81 = tpu.memref_slice %arg2[%dma_wait3A_79, %dma_wait3A_80] : memref<10000x128xf32, #tpu.memory_space<hbm>> -> memref<10000x128xf32, #tpu.memory_space<hbm>>
        tpu.wait_indirect_dma semaphore(%arg17 : memref<!tpu.dma_semaphore, #tpu.memory_space<semaphore_mem>>) src(%dma_wait3A_81 : memref<10000x128xf32, #tpu.memory_space<hbm>>) dst(%arg11 : memref<40x128xf32, #tpu.memory_space<vmem>>)
        %add3A_82 = arith.constant 80 : i32
        %add3A_83 = arith.addi %mul3A_37, %add3A_82 : i32
        "tpu.region"() ({
          %run_scoped3A = tpu.sem_alloc : memref<!tpu.dma_semaphore, #tpu.memory_space<semaphore_mem>>
          %dma_start3A_96 = tpu.memref_slice %arg8[%add3A_83] : memref<2000xi32, #tpu.memory_space<vmem>> -> memref<40xi32, #tpu.memory_space<vmem>>
          %dma_start3A_97 = arith.constant 0 : i32
          %dma_start3A_98 = arith.constant 0 : i32
          %dma_start3A_99 = tpu.memref_slice %arg14[%dma_start3A_97, %dma_start3A_98] : memref<10000x128xf32, #tpu.memory_space<vmem_shared>> -> memref<10000x128xf32, #tpu.memory_space<vmem_shared>>
          tpu.enqueue_indirect_dma source(%arg11 : memref<40x128xf32, #tpu.memory_space<vmem>>) target(%dma_start3A_99 : memref<10000x128xf32, #tpu.memory_space<vmem_shared>>) offsets(%dma_start3A_96 : memref<40xi32, #tpu.memory_space<vmem>>) semaphore(%run_scoped3A : memref<!tpu.dma_semaphore, #tpu.memory_space<semaphore_mem>>) {add = true}
          %dma_wait3A_100 = tpu.memref_slice %arg8[%add3A_83] : memref<2000xi32, #tpu.memory_space<vmem>> -> memref<40xi32, #tpu.memory_space<vmem>>
          %dma_wait3A_101 = arith.constant 0 : i32
          %dma_wait3A_102 = arith.constant 0 : i32
          %dma_wait3A_103 = tpu.memref_slice %arg14[%dma_wait3A_101, %dma_wait3A_102] : memref<10000x128xf32, #tpu.memory_space<vmem_shared>> -> memref<10000x128xf32, #tpu.memory_space<vmem_shared>>
          tpu.wait_indirect_dma semaphore(%run_scoped3A : memref<!tpu.dma_semaphore, #tpu.memory_space<semaphore_mem>>) src(%arg11 : memref<40x128xf32, #tpu.memory_space<vmem>>) dst(%dma_wait3A_103 : memref<10000x128xf32, #tpu.memory_space<vmem_shared>>)
          tpu.yield
        }) : () -> ()
        %dma_wait3A_84 = tpu.memref_slice %arg7[%add3A_56] : memref<2000xi32, #tpu.memory_space<vmem>> -> memref<40xi32, #tpu.memory_space<vmem>>
        %dma_wait3A_85 = arith.constant 0 : i32
        %dma_wait3A_86 = arith.constant 0 : i32
        %dma_wait3A_87 = tpu.memref_slice %arg2[%dma_wait3A_85, %dma_wait3A_86] : memref<10000x128xf32, #tpu.memory_space<hbm>> -> memref<10000x128xf32, #tpu.memory_space<hbm>>
        tpu.wait_indirect_dma semaphore(%arg18 : memref<!tpu.dma_semaphore, #tpu.memory_space<semaphore_mem>>) src(%dma_wait3A_87 : memref<10000x128xf32, #tpu.memory_space<hbm>>) dst(%arg12 : memref<40x128xf32, #tpu.memory_space<vmem>>)
        %add3A_88 = arith.constant 120 : i32
        %add3A_89 = arith.addi %mul3A_37, %add3A_88 : i32
        "tpu.region"() ({
          %run_scoped3A = tpu.sem_alloc : memref<!tpu.dma_semaphore, #tpu.memory_space<semaphore_mem>>
          %dma_start3A_96 = tpu.memref_slice %arg8[%add3A_89] : memref<2000xi32, #tpu.memory_space<vmem>> -> memref<40xi32, #tpu.memory_space<vmem>>
          %dma_start3A_97 = arith.constant 0 : i32
          %dma_start3A_98 = arith.constant 0 : i32
          %dma_start3A_99 = tpu.memref_slice %arg14[%dma_start3A_97, %dma_start3A_98] : memref<10000x128xf32, #tpu.memory_space<vmem_shared>> -> memref<10000x128xf32, #tpu.memory_space<vmem_shared>>
          tpu.enqueue_indirect_dma source(%arg12 : memref<40x128xf32, #tpu.memory_space<vmem>>) target(%dma_start3A_99 : memref<10000x128xf32, #tpu.memory_space<vmem_shared>>) offsets(%dma_start3A_96 : memref<40xi32, #tpu.memory_space<vmem>>) semaphore(%run_scoped3A : memref<!tpu.dma_semaphore, #tpu.memory_space<semaphore_mem>>) {add = true}
          %dma_wait3A_100 = tpu.memref_slice %arg8[%add3A_89] : memref<2000xi32, #tpu.memory_space<vmem>> -> memref<40xi32, #tpu.memory_space<vmem>>
          %dma_wait3A_101 = arith.constant 0 : i32
          %dma_wait3A_102 = arith.constant 0 : i32
          %dma_wait3A_103 = tpu.memref_slice %arg14[%dma_wait3A_101, %dma_wait3A_102] : memref<10000x128xf32, #tpu.memory_space<vmem_shared>> -> memref<10000x128xf32, #tpu.memory_space<vmem_shared>>
          tpu.wait_indirect_dma semaphore(%run_scoped3A : memref<!tpu.dma_semaphore, #tpu.memory_space<semaphore_mem>>) src(%arg12 : memref<40x128xf32, #tpu.memory_space<vmem>>) dst(%dma_wait3A_103 : memref<10000x128xf32, #tpu.memory_space<vmem_shared>>)
          tpu.yield
        }) : () -> ()
        %dma_wait3A_90 = tpu.memref_slice %arg7[%add3A_62] : memref<2000xi32, #tpu.memory_space<vmem>> -> memref<40xi32, #tpu.memory_space<vmem>>
        %dma_wait3A_91 = arith.constant 0 : i32
        %dma_wait3A_92 = arith.constant 0 : i32
        %dma_wait3A_93 = tpu.memref_slice %arg2[%dma_wait3A_91, %dma_wait3A_92] : memref<10000x128xf32, #tpu.memory_space<hbm>> -> memref<10000x128xf32, #tpu.memory_space<hbm>>
        tpu.wait_indirect_dma semaphore(%arg19 : memref<!tpu.dma_semaphore, #tpu.memory_space<semaphore_mem>>) src(%dma_wait3A_93 : memref<10000x128xf32, #tpu.memory_space<hbm>>) dst(%arg13 : memref<40x128xf32, #tpu.memory_space<vmem>>)
        %add3A_94 = arith.constant 160 : i32
        %add3A_95 = arith.addi %mul3A_37, %add3A_94 : i32
        "tpu.region"() ({
          %run_scoped3A = tpu.sem_alloc : memref<!tpu.dma_semaphore, #tpu.memory_space<semaphore_mem>>
          %dma_start3A_96 = tpu.memref_slice %arg8[%add3A_95] : memref<2000xi32, #tpu.memory_space<vmem>> -> memref<40xi32, #tpu.memory_space<vmem>>
          %dma_start3A_97 = arith.constant 0 : i32
          %dma_start3A_98 = arith.constant 0 : i32
          %dma_start3A_99 = tpu.memref_slice %arg14[%dma_start3A_97, %dma_start3A_98] : memref<10000x128xf32, #tpu.memory_space<vmem_shared>> -> memref<10000x128xf32, #tpu.memory_space<vmem_shared>>
          tpu.enqueue_indirect_dma source(%arg13 : memref<40x128xf32, #tpu.memory_space<vmem>>) target(%dma_start3A_99 : memref<10000x128xf32, #tpu.memory_space<vmem_shared>>) offsets(%dma_start3A_96 : memref<40xi32, #tpu.memory_space<vmem>>) semaphore(%run_scoped3A : memref<!tpu.dma_semaphore, #tpu.memory_space<semaphore_mem>>) {add = true}
          %dma_wait3A_100 = tpu.memref_slice %arg8[%add3A_95] : memref<2000xi32, #tpu.memory_space<vmem>> -> memref<40xi32, #tpu.memory_space<vmem>>
          %dma_wait3A_101 = arith.constant 0 : i32
          %dma_wait3A_102 = arith.constant 0 : i32
          %dma_wait3A_103 = tpu.memref_slice %arg14[%dma_wait3A_101, %dma_wait3A_102] : memref<10000x128xf32, #tpu.memory_space<vmem_shared>> -> memref<10000x128xf32, #tpu.memory_space<vmem_shared>>
          tpu.wait_indirect_dma semaphore(%run_scoped3A : memref<!tpu.dma_semaphore, #tpu.memory_space<semaphore_mem>>) src(%arg13 : memref<40x128xf32, #tpu.memory_space<vmem>>) dst(%dma_wait3A_103 : memref<10000x128xf32, #tpu.memory_space<vmem_shared>>)
          tpu.yield
        }) : () -> ()
      }
      %scan3A_28 = arith.constant 10 : i32
    }
    %scan3A_8 = arith.constant 5 : i32
    %barrier3A_9 = arith.constant 0 : index
    tpu.barrier barrier_id(%barrier3A_9)
    %lt3A_10 = arith.constant 10 : i32
    %lt3A_11 = arith.cmpi slt, %arg1, %lt3A_10 : i32
    %convert_element_type3A_12 = arith.extui %lt3A_11 : i1 to i32
    %cond3A_13 = arith.constant 0 : i32
    %cond3A_14 = arith.cmpi ne, %convert_element_type3A_12, %cond3A_13 : i32
    scf.if %cond3A_14 {
      %mul3A_15 = arith.constant 1000 : i32
      %mul3A_16 = arith.muli %arg1, %mul3A_15 : i32
      %mul3A_17 = arith.constant 1000 : i32
      %mul3A_18 = arith.muli %arg1, %mul3A_17 : i32
      "tpu.region"() ({
        %run_scoped3A = tpu.sem_alloc : memref<!tpu.dma_semaphore, #tpu.memory_space<semaphore_mem>>
        %dma_start3A = arith.constant 0 : i32
        %dma_start3A_19 = tpu.memref_slice %arg6[%arg0, %mul3A_18, %dma_start3A] : memref<2x10000x128xf32, #tpu.memory_space<hbm>> -> memref<1x1000x128xf32, #tpu.memory_space<hbm>>
        %dma_start3A_20 = tpu.memref_squeeze %dma_start3A_19 : memref<1x1000x128xf32, #tpu.memory_space<hbm>> -> memref<1000x128xf32, #tpu.memory_space<hbm>>
        %dma_start3A_21 = arith.constant 0 : i32
        %dma_start3A_22 = tpu.memref_slice %arg14[%mul3A_16, %dma_start3A_21] : memref<10000x128xf32, #tpu.memory_space<vmem_shared>> -> memref<1000x128xf32, #tpu.memory_space<vmem_shared>>
        tpu.enqueue_dma source(%dma_start3A_22 : memref<1000x128xf32, #tpu.memory_space<vmem_shared>>) target(%dma_start3A_20 : memref<1000x128xf32, #tpu.memory_space<hbm>>) target_semaphore(%run_scoped3A : memref<!tpu.dma_semaphore, #tpu.memory_space<semaphore_mem>>)
        %dma_wait3A = arith.constant 0 : i32
        %dma_wait3A_23 = tpu.memref_slice %arg6[%arg0, %mul3A_18, %dma_wait3A] : memref<2x10000x128xf32, #tpu.memory_space<hbm>> -> memref<1x1000x128xf32, #tpu.memory_space<hbm>>
        %dma_wait3A_24 = tpu.memref_squeeze %dma_wait3A_23 : memref<1x1000x128xf32, #tpu.memory_space<hbm>> -> memref<1000x128xf32, #tpu.memory_space<hbm>>
        %dma_wait3A_25 = arith.constant 0 : i32
        %dma_wait3A_26 = tpu.memref_slice %arg14[%mul3A_16, %dma_wait3A_25] : memref<10000x128xf32, #tpu.memory_space<vmem_shared>> -> memref<1000x128xf32, #tpu.memory_space<vmem_shared>>
        tpu.wait_dma2 semaphore(%run_scoped3A : memref<!tpu.dma_semaphore, #tpu.memory_space<semaphore_mem>>) src(%dma_wait3A_26 : memref<1000x128xf32, #tpu.memory_space<vmem_shared>>) dst(%dma_wait3A_24 : memref<1000x128xf32, #tpu.memory_space<hbm>>)
        tpu.yield
      }) : () -> ()
    } else {
    }
    return
  }
}

module attributes {stable_mosaic.version = 14 : i64} {
  func.func @_k0_body(%arg0: memref<2500x128xi32, #tpu.memory_space<vmem>>, %arg1: memref<2500x128xi32, #tpu.memory_space<vmem>>, %arg2: memref<2x2500x128xi32, #tpu.memory_space<vmem>>, %arg3: memref<2500x128xi32, #tpu.memory_space<vmem>>) attributes {dimension_semantics = [], scalar_prefetch = 0 : i64, scratch_operands = 0 : i64, tpu.core_type = #tpu.core_type<tc>} {
    %get3A = arith.constant 0 : index
    %get3A_0 = arith.constant 0 : index
    %get3A_1 = vector.load %arg0[%get3A, %get3A_0] : memref<2500x128xi32, #tpu.memory_space<vmem>>, vector<2500x128xi32>
    %get3A_2 = arith.constant 0 : index
    %get3A_3 = arith.constant 0 : index
    %get3A_4 = vector.load %arg1[%get3A_2, %get3A_3] : memref<2500x128xi32, #tpu.memory_space<vmem>>, vector<2500x128xi32>
    %eq3A = arith.cmpi eq, %get3A_1, %get3A_4 : vector<2500x128xi32>
    %swap3A = arith.constant 0 : index
    %swap3A_5 = arith.constant 0 : index
    %swap3A_6 = arith.constant 0 : index
    %swap3A_7 = vector.load %arg2[%swap3A, %swap3A_5, %swap3A_6] : memref<2x2500x128xi32, #tpu.memory_space<vmem>>, vector<1x2500x128xi32>
    %swap3A_8 = vector.shape_cast %swap3A_7 : vector<1x2500x128xi32> to vector<2500x128xi32>
    %swap3A_9 = vector.shape_cast %get3A_1 : vector<2500x128xi32> to vector<1x2500x128xi32>
    tpu.vector_store %arg2[%swap3A, %swap3A_5, %swap3A_6], %swap3A_9 {strides = array<i32>} : memref<2x2500x128xi32, #tpu.memory_space<vmem>>, vector<1x2500x128xi32>,
    %add3A = arith.constant 10000 : i32
    %add3A_10 = vector.broadcast %add3A : i32 to vector<2500x128xi32>
    %add3A_11 = arith.addi %get3A_1, %add3A_10 : vector<2500x128xi32>
    %jit3A = arith.constant 20000 : i32
    %broadcast_in_dim3A = vector.broadcast %jit3A : i32 to vector<2500x128xi32>
    %select_n3A = arith.select %eq3A, %broadcast_in_dim3A, %add3A_11 : vector<2500x128xi1>, vector<2500x128xi32>
    %swap3A_12 = arith.constant 1 : index
    %swap3A_13 = arith.constant 0 : index
    %swap3A_14 = arith.constant 0 : index
    %swap3A_15 = vector.load %arg2[%swap3A_12, %swap3A_13, %swap3A_14] : memref<2x2500x128xi32, #tpu.memory_space<vmem>>, vector<1x2500x128xi32>
    %swap3A_16 = vector.shape_cast %swap3A_15 : vector<1x2500x128xi32> to vector<2500x128xi32>
    %swap3A_17 = vector.shape_cast %select_n3A : vector<2500x128xi32> to vector<1x2500x128xi32>
    tpu.vector_store %arg2[%swap3A_12, %swap3A_13, %swap3A_14], %swap3A_17 {strides = array<i32>} : memref<2x2500x128xi32, #tpu.memory_space<vmem>>, vector<1x2500x128xi32>,
    %jit3A_18 = arith.constant 10000 : i32
    %broadcast_in_dim3A_19 = vector.broadcast %jit3A_18 : i32 to vector<2500x128xi32>
    %select_n3A_20 = arith.select %eq3A, %broadcast_in_dim3A_19, %get3A_1 : vector<2500x128xi1>, vector<2500x128xi32>
    %swap3A_21 = arith.constant 0 : index
    %swap3A_22 = arith.constant 0 : index
    %swap3A_23 = vector.load %arg3[%swap3A_21, %swap3A_22] : memref<2500x128xi32, #tpu.memory_space<vmem>>, vector<2500x128xi32>
    tpu.vector_store %arg3[%swap3A_21, %swap3A_22], %select_n3A_20 {strides = array<i32>} : memref<2500x128xi32, #tpu.memory_space<vmem>>, vector<2500x128xi32>,
    return
  }
}

module attributes {stable_mosaic.version = 14 : i64} {
  func.func @_kb_body(%arg0: memref<10000x128xf32, #tpu.memory_space<vmem>>, %arg1: memref<2x10000x8xf32, #tpu.memory_space<vmem>>, %arg2: memref<20008x128xf32, #tpu.memory_space<vmem>>, %arg3: memref<10000x128xf32, #tpu.memory_space<vmem>>, %arg4: memref<10000x1xf32, #tpu.memory_space<vmem>>) attributes {dimension_semantics = [], scalar_prefetch = 0 : i64, scratch_operands = 0 : i64, tpu.core_type = #tpu.core_type<tc>} {
    %get3A = arith.constant 0 : index
    %get3A_0 = arith.constant 0 : index
    %get3A_1 = vector.load %arg0[%get3A, %get3A_0] : memref<10000x128xf32, #tpu.memory_space<vmem>>, vector<10000x128xf32>
    %mul3A = arith.mulf %get3A_1, %get3A_1 : vector<10000x128xf32>
    %reduce_sum3A = arith.constant dense<0.000000e+00> : vector<10000xf32>
    %reduce_sum3A_2 = vector.multi_reduction <add>, %mul3A, %reduce_sum3A [1] : vector<10000x128xf32> to vector<10000xf32>
    %broadcast_in_dim3A = vector.shape_cast %reduce_sum3A_2 : vector<10000xf32> to vector<10000x1xf32>
    %sqrt3A = math.sqrt %broadcast_in_dim3A : vector<10000x1xf32>
    %max3A = arith.constant 1.000000e-15 : f32
    %max3A_3 = vector.broadcast %max3A : f32 to vector<10000x1xf32>
    %max3A_4 = arith.maximumf %sqrt3A, %max3A_3 : vector<10000x1xf32>
    %jit3A = arith.constant -0.99999988 : f32
    %jit3A_5 = arith.constant 0.99999988 : f32
    %max3A_6 = vector.broadcast %jit3A : f32 to vector<10000x1xf32>
    %max3A_7 = arith.maximumf %max3A_6, %max3A_4 : vector<10000x1xf32>
    %min3A = vector.broadcast %jit3A_5 : f32 to vector<10000x1xf32>
    %min3A_8 = arith.minimumf %min3A, %max3A_7 : vector<10000x1xf32>
    %add3A = arith.constant 1.000000e+00 : f32
    %add3A_9 = vector.broadcast %add3A : f32 to vector<10000x1xf32>
    %add3A_10 = arith.addf %add3A_9, %min3A_8 : vector<10000x1xf32>
    %sub3A = arith.constant 1.000000e+00 : f32
    %sub3A_11 = vector.broadcast %sub3A : f32 to vector<10000x1xf32>
    %sub3A_12 = arith.subf %sub3A_11, %min3A_8 : vector<10000x1xf32>
    %div3A = arith.divf %add3A_10, %sub3A_12 : vector<10000x1xf32>
    %log3A = math.log %div3A : vector<10000x1xf32>
    %mul3A_13 = arith.constant 5.000000e-01 : f32
    %mul3A_14 = vector.broadcast %mul3A_13 : f32 to vector<10000x1xf32>
    %mul3A_15 = arith.mulf %mul3A_14, %log3A : vector<10000x1xf32>
    %div3A_16 = vector.broadcast %max3A_4 : vector<10000x1xf32> to vector<10000x128xf32>
    %div3A_17 = arith.divf %get3A_1, %div3A_16 : vector<10000x128xf32>
    %mul3A_18 = vector.broadcast %mul3A_15 : vector<10000x1xf32> to vector<10000x128xf32>
    %mul3A_19 = arith.mulf %div3A_17, %mul3A_18 : vector<10000x128xf32>
    %get3A_20 = arith.constant 0 : index
    %get3A_21 = arith.constant 0 : index
    %get3A_22 = arith.constant 0 : index
    %get3A_23 = vector.load %arg1[%get3A_20, %get3A_21, %get3A_22] : memref<2x10000x8xf32, #tpu.memory_space<vmem>>, vector<1x10000x8xf32>
    %get3A_24 = vector.shape_cast %get3A_23 : vector<1x10000x8xf32> to vector<10000x8xf32>
    %get3A_25 = arith.constant 1 : index
    %get3A_26 = arith.constant 0 : index
    %get3A_27 = arith.constant 0 : index
    %get3A_28 = vector.load %arg1[%get3A_25, %get3A_26, %get3A_27] : memref<2x10000x8xf32, #tpu.memory_space<vmem>>, vector<1x10000x8xf32>
    %get3A_29 = vector.shape_cast %get3A_28 : vector<1x10000x8xf32> to vector<10000x8xf32>
    %add3A_30 = arith.addf %get3A_24, %get3A_29 : vector<10000x8xf32>
    %slice3A = vector.extract_strided_slice %add3A_30 {offsets = [0, 0], sizes = [10000, 1], strides = [1, 1]} : vector<10000x8xf32> to vector<10000x1xf32>
    %gt3A = arith.constant 0.000000e+00 : f32
    %gt3A_31 = vector.broadcast %gt3A : f32 to vector<10000x1xf32>
    %gt3A_32 = arith.cmpf ogt, %slice3A, %gt3A_31 : vector<10000x1xf32>
    %max3A_33 = arith.constant 1.000000e+00 : f32
    %max3A_34 = vector.broadcast %max3A_33 : f32 to vector<10000x1xf32>
    %max3A_35 = arith.maximumf %slice3A, %max3A_34 : vector<10000x1xf32>
    %rsqrt3A = math.rsqrt %max3A_35 : vector<10000x1xf32>
    %jit3A_36 = arith.constant 0.000000e+00 : f32
    %broadcast_in_dim3A_37 = vector.broadcast %jit3A_36 : f32 to vector<10000x1xf32>
    %select_n3A = arith.select %gt3A_32, %rsqrt3A, %broadcast_in_dim3A_37 : vector<10000x1xi1>, vector<10000x1xf32>
    %swap3A = arith.constant 0 : index
    %swap3A_38 = arith.constant 0 : index
    %swap3A_39 = vector.load %arg2[%swap3A, %swap3A_38] : memref<20008x128xf32, #tpu.memory_space<vmem>>, vector<10000x128xf32>
    tpu.vector_store %arg2[%swap3A, %swap3A_38], %mul3A_19 {strides = array<i32>} : memref<20008x128xf32, #tpu.memory_space<vmem>>, vector<10000x128xf32>,
    %mul3A_40 = vector.broadcast %select_n3A : vector<10000x1xf32> to vector<10000x128xf32>
    %mul3A_41 = arith.mulf %mul3A_40, %mul3A_19 : vector<10000x128xf32>
    %swap3A_42 = arith.constant 10000 : index
    %swap3A_43 = arith.constant 0 : index
    %swap3A_44 = vector.load %arg2[%swap3A_42, %swap3A_43] : memref<20008x128xf32, #tpu.memory_space<vmem>>, vector<10000x128xf32>
    tpu.vector_store %arg2[%swap3A_42, %swap3A_43], %mul3A_41 {strides = array<i32>} : memref<20008x128xf32, #tpu.memory_space<vmem>>, vector<10000x128xf32>,
    %broadcast_in_dim3A_45 = arith.constant 0.000000e+00 : f32
    %broadcast_in_dim3A_46 = vector.broadcast %broadcast_in_dim3A_45 : f32 to vector<8x128xf32>
    %swap3A_47 = arith.constant 20000 : index
    %swap3A_48 = arith.constant 0 : index
    %swap3A_49 = vector.load %arg2[%swap3A_47, %swap3A_48] : memref<20008x128xf32, #tpu.memory_space<vmem>>, vector<8x128xf32>
    tpu.vector_store %arg2[%swap3A_47, %swap3A_48], %broadcast_in_dim3A_46 {strides = array<i32>} : memref<20008x128xf32, #tpu.memory_space<vmem>>, vector<8x128xf32>,
    %swap3A_50 = arith.constant 0 : index
    %swap3A_51 = arith.constant 0 : index
    %swap3A_52 = vector.load %arg3[%swap3A_50, %swap3A_51] : memref<10000x128xf32, #tpu.memory_space<vmem>>, vector<10000x128xf32>
    tpu.vector_store %arg3[%swap3A_50, %swap3A_51], %mul3A_19 {strides = array<i32>} : memref<10000x128xf32, #tpu.memory_space<vmem>>, vector<10000x128xf32>,
    %swap3A_53 = arith.constant 0 : index
    %swap3A_54 = arith.constant 0 : index
    %swap3A_55 = vector.load %arg4[%swap3A_53, %swap3A_54] : memref<10000x1xf32, #tpu.memory_space<vmem>>, vector<10000x1xf32>
    tpu.vector_store %arg4[%swap3A_53, %swap3A_54], %select_n3A {strides = array<i32>} : memref<10000x1xf32, #tpu.memory_space<vmem>>, vector<10000x1xf32>,
    return
  }
}

module attributes {stable_mosaic.version = 14 : i64} {
  func.func @_kd_body(%arg0: memref<2x10000x128xf32, #tpu.memory_space<vmem>>, %arg1: memref<10000x1xf32, #tpu.memory_space<vmem>>, %arg2: memref<10000x128xf32, #tpu.memory_space<vmem>>, %arg3: memref<1x256xf32, #tpu.memory_space<vmem>>, %arg4: memref<10000x16xf32, #tpu.memory_space<vmem>>, %arg5: memref<10000x1xf32, #tpu.memory_space<vmem>>) attributes {dimension_semantics = [], scalar_prefetch = 0 : i64, scratch_operands = 0 : i64, tpu.core_type = #tpu.core_type<tc>} {
    %get3A = arith.constant 0 : index
    %get3A_0 = arith.constant 0 : index
    %get3A_1 = vector.load %arg2[%get3A, %get3A_0] : memref<10000x128xf32, #tpu.memory_space<vmem>>, vector<10000x128xf32>
    %get3A_2 = arith.constant 0 : index
    %get3A_3 = arith.constant 0 : index
    %get3A_4 = vector.load %arg1[%get3A_2, %get3A_3] : memref<10000x1xf32, #tpu.memory_space<vmem>>, vector<10000x1xf32>
    %get3A_5 = arith.constant 1 : index
    %get3A_6 = arith.constant 0 : index
    %get3A_7 = arith.constant 0 : index
    %get3A_8 = vector.load %arg0[%get3A_5, %get3A_6, %get3A_7] : memref<2x10000x128xf32, #tpu.memory_space<vmem>>, vector<1x10000x128xf32>
    %get3A_9 = vector.shape_cast %get3A_8 : vector<1x10000x128xf32> to vector<10000x128xf32>
    %mul3A = vector.broadcast %get3A_4 : vector<10000x1xf32> to vector<10000x128xf32>
    %mul3A_10 = arith.mulf %mul3A, %get3A_9 : vector<10000x128xf32>
    %sub3A = arith.subf %get3A_1, %mul3A_10 : vector<10000x128xf32>
    %abs3A = math.absf %sub3A : vector<10000x128xf32>
    %reduce_sum3A = arith.constant dense<0.000000e+00> : vector<10000xf32>
    %reduce_sum3A_11 = vector.multi_reduction <add>, %abs3A, %reduce_sum3A [1] : vector<10000x128xf32> to vector<10000xf32>
    %broadcast_in_dim3A = vector.shape_cast %reduce_sum3A_11 : vector<10000xf32> to vector<10000x1xf32>
    %bitcast_convert_type3A = tpu.bitcast %broadcast_in_dim3A : vector<10000x1xf32> -> vector<10000x1xi32>
    %scan3A = arith.constant 0 : i32
    %scan3A_12 = arith.constant 0 : i32
    %scan3A_13 = arith.constant 31 : i32
    %scan3A_14 = arith.addi %scan3A_12, %scan3A_13 : i32
    %scan3A_15 = arith.constant 1 : i32
    %scan3A_16 = scf.for %scan3A_38 = %scan3A_12 to %scan3A_14 step %scan3A_15 iter_args(%scan3A_39 = %scan3A) -> (i32)  : i32 {
      %sub3A_40 = arith.constant 30 : i32
      %sub3A_41 = arith.subi %sub3A_40, %scan3A_38 : i32
      %shift_left3A = arith.constant 1 : i32
      %shift_left3A_42 = arith.shli %shift_left3A, %sub3A_41 : i32
      %or3A = arith.ori %scan3A_39, %shift_left3A_42 : i32
      %ge3A = vector.broadcast %or3A : i32 to vector<10000x1xi32>
      %ge3A_43 = arith.cmpi sge, %bitcast_convert_type3A, %ge3A : vector<10000x1xi32>
      %jit3A_44 = arith.constant 1.000000e+00 : f32
      %jit3A_45 = arith.constant 0.000000e+00 : f32
      %broadcast_in_dim3A_46 = vector.broadcast %jit3A_44 : f32 to vector<10000x1xf32>
      %broadcast_in_dim3A_47 = vector.broadcast %jit3A_45 : f32 to vector<10000x1xf32>
      %select_n3A_48 = arith.select %ge3A_43, %broadcast_in_dim3A_46, %broadcast_in_dim3A_47 : vector<10000x1xi1>, vector<10000x1xf32>
      %reduce_sum3A_49 = vector.shape_cast %select_n3A_48 : vector<10000x1xf32> to vector<1x10000x1xf32>
      %reduce_sum3A_50 = arith.constant dense<0.000000e+00> : vector<1xf32>
      %reduce_sum3A_51 = vector.multi_reduction <add>, %reduce_sum3A_49, %reduce_sum3A_50 [1, 2] : vector<1x10000x1xf32> to vector<1xf32>
      %reduce_sum3A_52 = vector.shape_cast %reduce_sum3A_51 : vector<1xf32> to vector<1x1x1xf32>
      %reduce_sum3A_53 = vector.extract %reduce_sum3A_52[0, 0, 0] : f32 from vector<1x1x1xf32>
      %ge3A_54 = arith.constant 7.500000e+03 : f32
      %ge3A_55 = arith.cmpf oge, %reduce_sum3A_53, %ge3A_54 : f32
      %select_n3A_56 = arith.select %ge3A_55, %or3A, %scan3A_39 : i32
      scf.yield %select_n3A_56 : i32
    }
    %scan3A_17 = arith.constant 31 : i32
    %gt3A = vector.broadcast %scan3A_16 : i32 to vector<10000x1xi32>
    %gt3A_18 = arith.cmpi sgt, %bitcast_convert_type3A, %gt3A : vector<10000x1xi32>
    %jit3A = arith.constant 1.000000e+00 : f32
    %jit3A_19 = arith.constant 0.000000e+00 : f32
    %broadcast_in_dim3A_20 = vector.broadcast %jit3A : f32 to vector<10000x1xf32>
    %broadcast_in_dim3A_21 = vector.broadcast %jit3A_19 : f32 to vector<10000x1xf32>
    %select_n3A = arith.select %gt3A_18, %broadcast_in_dim3A_20, %broadcast_in_dim3A_21 : vector<10000x1xi1>, vector<10000x1xf32>
    %get3A_22 = arith.constant 0 : index
    %get3A_23 = arith.constant 0 : index
    %get3A_24 = vector.load %arg3[%get3A_22, %get3A_23] : memref<1x256xf32, #tpu.memory_space<vmem>>, vector<1x128xf32>
    %mul3A_25 = vector.broadcast %get3A_24 : vector<1x128xf32> to vector<10000x128xf32>
    %mul3A_26 = arith.mulf %get3A_1, %mul3A_25 : vector<10000x128xf32>
    %reduce_sum3A_27 = arith.constant dense<0.000000e+00> : vector<10000xf32>
    %reduce_sum3A_28 = vector.multi_reduction <add>, %mul3A_26, %reduce_sum3A_27 [1] : vector<10000x128xf32> to vector<10000xf32>
    %broadcast_in_dim3A_29 = vector.shape_cast %reduce_sum3A_28 : vector<10000xf32> to vector<10000x1xf32>
    %mul3A_30 = arith.mulf %select_n3A, %broadcast_in_dim3A_29 : vector<10000x1xf32>
    %broadcast_in_dim3A_31 = vector.shape_cast %mul3A_30 : vector<10000x1xf32> to vector<10000x1xf32>
    %broadcast_in_dim3A_32 = vector.broadcast %broadcast_in_dim3A_31 : vector<10000x1xf32> to vector<10000x16xf32>
    %swap3A = arith.constant 0 : index
    %swap3A_33 = arith.constant 0 : index
    %swap3A_34 = vector.load %arg4[%swap3A, %swap3A_33] : memref<10000x16xf32, #tpu.memory_space<vmem>>, vector<10000x16xf32>
    tpu.vector_store %arg4[%swap3A, %swap3A_33], %broadcast_in_dim3A_32 {strides = array<i32>} : memref<10000x16xf32, #tpu.memory_space<vmem>>, vector<10000x16xf32>,
    %swap3A_35 = arith.constant 0 : index
    %swap3A_36 = arith.constant 0 : index
    %swap3A_37 = vector.load %arg5[%swap3A_35, %swap3A_36] : memref<10000x1xf32, #tpu.memory_space<vmem>>, vector<10000x1xf32>
    tpu.vector_store %arg5[%swap3A_35, %swap3A_36], %select_n3A {strides = array<i32>} : memref<10000x1xf32, #tpu.memory_space<vmem>>, vector<10000x1xf32>,
    return
  }
}

module attributes {stable_mosaic.version = 14 : i64} {
  func.func @_kf_body(%arg0: memref<2x10000x16xf32, #tpu.memory_space<vmem>>, %arg1: memref<2x10000x128xf32, #tpu.memory_space<vmem>>, %arg2: memref<10000x1xf32, #tpu.memory_space<vmem>>, %arg3: memref<10000x128xf32, #tpu.memory_space<vmem>>, %arg4: memref<1x256xf32, #tpu.memory_space<vmem>>, %arg5: memref<1x1xf32, #tpu.memory_space<vmem>>, %arg6: memref<10000x128xf32, #tpu.memory_space<vmem>>) attributes {dimension_semantics = [], scalar_prefetch = 0 : i64, scratch_operands = 0 : i64, tpu.core_type = #tpu.core_type<tc>} {
    %get3A = arith.constant 0 : index
    %get3A_0 = arith.constant 0 : index
    %get3A_1 = arith.constant 0 : index
    %get3A_2 = vector.load %arg0[%get3A, %get3A_0, %get3A_1] : memref<2x10000x16xf32, #tpu.memory_space<vmem>>, vector<1x10000x16xf32>
    %get3A_3 = vector.shape_cast %get3A_2 : vector<1x10000x16xf32> to vector<10000x16xf32>
    %get3A_4 = arith.constant 1 : index
    %get3A_5 = arith.constant 0 : index
    %get3A_6 = arith.constant 0 : index
    %get3A_7 = vector.load %arg0[%get3A_4, %get3A_5, %get3A_6] : memref<2x10000x16xf32, #tpu.memory_space<vmem>>, vector<1x10000x16xf32>
    %get3A_8 = vector.shape_cast %get3A_7 : vector<1x10000x16xf32> to vector<10000x16xf32>
    %add3A = arith.addf %get3A_3, %get3A_8 : vector<10000x16xf32>
    %slice3A = vector.extract_strided_slice %add3A {offsets = [0, 0], sizes = [10000, 1], strides = [1, 1]} : vector<10000x16xf32> to vector<10000x1xf32>
    %get3A_9 = arith.constant 0 : index
    %get3A_10 = arith.constant 0 : index
    %get3A_11 = arith.constant 0 : index
    %get3A_12 = vector.load %arg1[%get3A_9, %get3A_10, %get3A_11] : memref<2x10000x128xf32, #tpu.memory_space<vmem>>, vector<1x10000x128xf32>
    %get3A_13 = vector.shape_cast %get3A_12 : vector<1x10000x128xf32> to vector<10000x128xf32>
    %get3A_14 = arith.constant 0 : index
    %get3A_15 = arith.constant 128 : index
    %get3A_16 = vector.load %arg4[%get3A_14, %get3A_15] : memref<1x256xf32, #tpu.memory_space<vmem>>, vector<1x128xf32>
    %mul3A = vector.broadcast %get3A_16 : vector<1x128xf32> to vector<10000x128xf32>
    %mul3A_17 = arith.mulf %get3A_13, %mul3A : vector<10000x128xf32>
    %reduce_sum3A = arith.constant dense<0.000000e+00> : vector<10000xf32>
    %reduce_sum3A_18 = vector.multi_reduction <add>, %mul3A_17, %reduce_sum3A [1] : vector<10000x128xf32> to vector<10000xf32>
    %broadcast_in_dim3A = vector.shape_cast %reduce_sum3A_18 : vector<10000xf32> to vector<10000x1xf32>
    %add3A_19 = arith.addf %slice3A, %broadcast_in_dim3A : vector<10000x1xf32>
    %get3A_20 = arith.constant 0 : index
    %get3A_21 = arith.constant 0 : index
    %get3A_22 = vector.load %arg5[%get3A_20, %get3A_21] : memref<1x1xf32, #tpu.memory_space<vmem>>, vector<1x1xf32>
    %get3A_23 = vector.extract %get3A_22[0, 0] : f32 from vector<1x1xf32>
    %add3A_24 = vector.broadcast %get3A_23 : f32 to vector<10000x1xf32>
    %add3A_25 = arith.addf %add3A_19, %add3A_24 : vector<10000x1xf32>
    %neg3A = arith.constant 0.000000e+00 : f32
    %neg3A_26 = vector.broadcast %neg3A : f32 to vector<10000x1xf32>
    %neg3A_27 = arith.subf %neg3A_26, %add3A_25 : vector<10000x1xf32>
    %exp3A = math.exp %neg3A_27 : vector<10000x1xf32>
    %add3A_28 = arith.constant 1.000000e+00 : f32
    %add3A_29 = vector.broadcast %add3A_28 : f32 to vector<10000x1xf32>
    %add3A_30 = arith.addf %add3A_29, %exp3A : vector<10000x1xf32>
    %div3A = arith.constant 1.000000e+00 : f32
    %div3A_31 = vector.broadcast %div3A : f32 to vector<10000x1xf32>
    %div3A_32 = arith.divf %div3A_31, %add3A_30 : vector<10000x1xf32>
    %get3A_33 = arith.constant 0 : index
    %get3A_34 = arith.constant 0 : index
    %get3A_35 = vector.load %arg2[%get3A_33, %get3A_34] : memref<10000x1xf32, #tpu.memory_space<vmem>>, vector<10000x1xf32>
    %mul3A_36 = arith.mulf %div3A_32, %get3A_35 : vector<10000x1xf32>
    %get3A_37 = arith.constant 0 : index
    %get3A_38 = arith.constant 0 : index
    %get3A_39 = vector.load %arg3[%get3A_37, %get3A_38] : memref<10000x128xf32, #tpu.memory_space<vmem>>, vector<10000x128xf32>
    %mul3A_40 = vector.broadcast %mul3A_36 : vector<10000x1xf32> to vector<10000x128xf32>
    %mul3A_41 = arith.mulf %mul3A_40, %get3A_39 : vector<10000x128xf32>
    %swap3A = arith.constant 0 : index
    %swap3A_42 = arith.constant 0 : index
    %swap3A_43 = vector.load %arg6[%swap3A, %swap3A_42] : memref<10000x128xf32, #tpu.memory_space<vmem>>, vector<10000x128xf32>
    tpu.vector_store %arg6[%swap3A, %swap3A_42], %mul3A_41 {strides = array<i32>} : memref<10000x128xf32, #tpu.memory_space<vmem>>, vector<10000x128xf32>,
    return
  }
}

module attributes {stable_mosaic.version = 14 : i64} {
  func.func @_kh_body(%arg0: memref<2x10000x128xf32, #tpu.memory_space<vmem>>, %arg1: memref<10000x128xf32, #tpu.memory_space<vmem>>, %arg2: memref<10000x128xf32, #tpu.memory_space<vmem>>) attributes {dimension_semantics = [], scalar_prefetch = 0 : i64, scratch_operands = 0 : i64, tpu.core_type = #tpu.core_type<tc>} {
    %get3A = arith.constant 0 : index
    %get3A_0 = arith.constant 0 : index
    %get3A_1 = arith.constant 0 : index
    %get3A_2 = vector.load %arg0[%get3A, %get3A_0, %get3A_1] : memref<2x10000x128xf32, #tpu.memory_space<vmem>>, vector<1x10000x128xf32>
    %get3A_3 = vector.shape_cast %get3A_2 : vector<1x10000x128xf32> to vector<10000x128xf32>
    %get3A_4 = arith.constant 1 : index
    %get3A_5 = arith.constant 0 : index
    %get3A_6 = arith.constant 0 : index
    %get3A_7 = vector.load %arg0[%get3A_4, %get3A_5, %get3A_6] : memref<2x10000x128xf32, #tpu.memory_space<vmem>>, vector<1x10000x128xf32>
    %get3A_8 = vector.shape_cast %get3A_7 : vector<1x10000x128xf32> to vector<10000x128xf32>
    %add3A = arith.addf %get3A_3, %get3A_8 : vector<10000x128xf32>
    %max3A = arith.constant 0.000000e+00 : f32
    %max3A_9 = vector.broadcast %max3A : f32 to vector<10000x128xf32>
    %max3A_10 = arith.maximumf %add3A, %max3A_9 : vector<10000x128xf32>
    %get3A_11 = arith.constant 0 : index
    %get3A_12 = arith.constant 0 : index
    %get3A_13 = vector.load %arg1[%get3A_11, %get3A_12] : memref<10000x128xf32, #tpu.memory_space<vmem>>, vector<10000x128xf32>
    %add3A_14 = arith.addf %get3A_13, %max3A_10 : vector<10000x128xf32>
    %mul3A = arith.mulf %add3A_14, %add3A_14 : vector<10000x128xf32>
    %reduce_sum3A = arith.constant dense<0.000000e+00> : vector<10000xf32>
    %reduce_sum3A_15 = vector.multi_reduction <add>, %mul3A, %reduce_sum3A [1] : vector<10000x128xf32> to vector<10000xf32>
    %broadcast_in_dim3A = vector.shape_cast %reduce_sum3A_15 : vector<10000xf32> to vector<10000x1xf32>
    %sqrt3A = math.sqrt %broadcast_in_dim3A : vector<10000x1xf32>
    %max3A_16 = arith.constant 1.000000e-15 : f32
    %max3A_17 = vector.broadcast %max3A_16 : f32 to vector<10000x1xf32>
    %max3A_18 = arith.maximumf %sqrt3A, %max3A_17 : vector<10000x1xf32>
    %tanh3A = math.tanh %max3A_18 : vector<10000x1xf32>
    %mul3A_19 = vector.broadcast %tanh3A : vector<10000x1xf32> to vector<10000x128xf32>
    %mul3A_20 = arith.mulf %mul3A_19, %add3A_14 : vector<10000x128xf32>
    %div3A = vector.broadcast %max3A_18 : vector<10000x1xf32> to vector<10000x128xf32>
    %div3A_21 = arith.divf %mul3A_20, %div3A : vector<10000x128xf32>
    %mul3A_22 = arith.mulf %div3A_21, %div3A_21 : vector<10000x128xf32>
    %reduce_sum3A_23 = arith.constant dense<0.000000e+00> : vector<10000xf32>
    %reduce_sum3A_24 = vector.multi_reduction <add>, %mul3A_22, %reduce_sum3A_23 [1] : vector<10000x128xf32> to vector<10000xf32>
    %broadcast_in_dim3A_25 = vector.shape_cast %reduce_sum3A_24 : vector<10000xf32> to vector<10000x1xf32>
    %sqrt3A_26 = math.sqrt %broadcast_in_dim3A_25 : vector<10000x1xf32>
    %max3A_27 = arith.constant 1.000000e-15 : f32
    %max3A_28 = vector.broadcast %max3A_27 : f32 to vector<10000x1xf32>
    %max3A_29 = arith.maximumf %sqrt3A_26, %max3A_28 : vector<10000x1xf32>
    %gt3A = arith.constant 0.999989986 : f32
    %gt3A_30 = vector.broadcast %gt3A : f32 to vector<10000x1xf32>
    %gt3A_31 = arith.cmpf ogt, %max3A_29, %gt3A_30 : vector<10000x1xf32>
    %div3A_32 = vector.broadcast %max3A_29 : vector<10000x1xf32> to vector<10000x128xf32>
    %div3A_33 = arith.divf %div3A_21, %div3A_32 : vector<10000x128xf32>
    %mul3A_34 = arith.constant 0.999989986 : f32
    %mul3A_35 = vector.broadcast %mul3A_34 : f32 to vector<10000x128xf32>
    %mul3A_36 = arith.mulf %div3A_33, %mul3A_35 : vector<10000x128xf32>
    %broadcast_in_dim3A_37 = vector.shape_cast %gt3A_31 : vector<10000x1xi1> to vector<10000x1xi1>
    %broadcast_in_dim3A_38 = vector.broadcast %broadcast_in_dim3A_37 : vector<10000x1xi1> to vector<10000x128xi1>
    %select_n3A = arith.select %broadcast_in_dim3A_38, %mul3A_36, %div3A_21 : vector<10000x128xi1>, vector<10000x128xf32>
    %swap3A = arith.constant 0 : index
    %swap3A_39 = arith.constant 0 : index
    %swap3A_40 = vector.load %arg2[%swap3A, %swap3A_39] : memref<10000x128xf32, #tpu.memory_space<vmem>>, vector<10000x128xf32>
    tpu.vector_store %arg2[%swap3A, %swap3A_39], %select_n3A {strides = array<i32>} : memref<10000x128xf32, #tpu.memory_space<vmem>>, vector<10000x128xf32>,
    return
  }
}

</mosaic_0001>

<sc_bundles>
// kernel: kernel.11.cloned.1.call-start
scs
__scs_entry_jumppad:
0x0: {  	(pc) =	sbr.rel $0x88, $3  }
0x1: {  	(tag) =	ssettag $0x0;
	lr =	simm.s32 $0x1  }
0x2: {  	[smem:$0x3F9D] =	sst lr;
	_ =	strace $0xD0000000  }
0x3: {  	_ = 	snop  }
0x4: {  	_ = 	snop  }
0x5: {  	_ = 	snop  }
0x6: {  	_ = 	snop  }
0x7: {  	_ = 	snop  }
__scs_overlays_trampoline_lowered:
0x8: {  	[smem:$0x3FAC] =	sst s0  }
0x9: {  	[smem:$0x3FAD] =	sst s1  }
0xa: {  	[smem:$0x3FAE] =	sst s2  }
0xb: {  	[smem:$0x3FAF] =	sst s3  }
0xc: {  	[smem:$0x3FB0] =	sst s4  }
0xd: {  	[smem:$0x3FB1] =	sst s5  }
0xe: {  	[smem:$0x3FB2] =	sst s6  }
0xf: {  	[smem:$0x3FB3] =	sst s7  }
0x10: {  	[smem:$0x3FB4] =	sst s8  }
0x11: {  	[smem:$0x3FB5] =	sst s9;
	s0 =	simm.s32 @!p0 $0x0  }
0x12: {  	s1 =	sld [smem:$0x3F9B];
	s0 =	simm.s32 @p0 $0x1  }
0x13: {  	[smem:$0x3FB6] =	sst s0;
	s0 =	simm.s32 @!p1 $0x0  }
0x14: {  	s2 =	sld [smem:$0x3F9A];
	s0 =	simm.s32 @p1 $0x1  }
0x15: {  	[smem:$0x3FB7] =	sst s0;
	s0 =	simm.s32 @!p2 $0x0  }
0x16: {  	s3 =	sld [smem:$0x3FDB];
	s0 =	simm.s32 @p2 $0x1  }
0x17: {  	s4 =	simm.s32 $0x1BF5;
	[smem:$0x3FB9] =	sst s0  }
0x18: {  	s0 =	sld [smem:$0x3F9C];
	_ =	swait.ge [sflag:s4], $0x0  }
0x19: {  	s7 =	sld [smem:$0x3F9D]  }
0x1a: {  	s8 =	sadd.s32 $0xFFFFE003, lr  }
0x1b: {  	s9 =	sadd.s32 $0xFFFFFEF7, lr;
	s5 =	simm.s32 $0xFFFFFFFF;
	p2 =	slt.u32 s8, $0xFFFFF086  }
0x1c: {  	p1 =	slt.u32 s9, $0xF7A;
	s5 =	simm.s32 @!p2 $0x0  }
0x1d: {  	s5 =	simm.s32 @p1 $0x1;
	p0 =	seq.s32 s7, s2  }
0x1e: {  	s7 =	smul.u32 @!p0 $0xF7A, s2;
	p2 =	seq.s32 @!p0 s5, $0x0  }
0x1f: {  	s9 =	smul.u32 $0xF7A, s1;
	s8 =	simm.s32 @!p0 $0x1BF5;
	p2 =	por !p2, p0  }
0x20: {  	[sflag:s8] =	ssyncset.s32 @!p0 $0xFFFFF086;
	s6 =	sadd.s32 @!p0 s3, s7;
	s7 =	simm.s32 @!p0 $0x108  }
0x21: {  	s3 =	sadd.s32 s3, s9;
	s6 =	sadd.s32 @!p0 $0x88, s6;
	s7 =	simm.s32 @p2 $0x1082  }
0x22: {  	[simem:s7], [sflag:s8] =	dma.local @!p0 [hbm:s6], $0xF7A  }
0x23: {  	s9 =	sor.u32 $0xD0000000, s2;
	s6 =	simm.s32 $0x108;
	_ =	swait.ge @!p0 [sflag:s8], $0x0  }
0x24: {  	s3 =	sadd.s32 $0x88, s3;
	s6 =	simm.s32 @!p1 $0x1082;
	[sflag:s4] =	ssyncset.s32 $0xFFFFF086  }
0x25: {  	[simem:s6], [sflag:s4] =	dma.local [hbm:s3], $0xF7A  }
0x26: {  	[smem:$0x3F9D] =	sst s1;
	(tag) =	ssettag s2;
	_ =	strace s9  }
0x27: {  	s1 =	sld [smem:$0x3FAD]  }
0x28: {  	s2 =	sld [smem:$0x3FAE]  }
0x29: {  	s4 =	sld [smem:$0x3FB0]  }
0x2a: {  	p0 =	seq.s32 s5, $0x0;
	s5 =	sld [smem:$0x3FB1]  }
0x2b: {  	s6 =	sld [smem:$0x3FB2]  }
0x2c: {  	s7 =	sld [smem:$0x3FB3]  }
0x2d: {  	s3 =	simm.s32 $0x108;
	s8 =	sld [smem:$0x3FB4]  }
0x2e: {  	s3 =	simm.s32 @!p0 $0x1082;
	s9 =	sld [smem:$0x3FB5]  }
0x2f: {  	lr =	sadd.s32 s0, s3;
	s0 =	sld [smem:$0x3FAC]  }
0x30: {  	s3 =	sld [smem:$0x3FAF]  }
0x31: {  	[smem:$0x3FB8] =	sst s10  }
0x32: {  	s10 =	sld [smem:$0x3FB6];
	_ =	sdelay $0x3  }
0x33: {  	p0 =	seq.s32 s10, $0x1;
	s10 =	sld [smem:$0x3FB8];
	_ =	sdelay $0x3  }
0x34: {  	[smem:$0x3FB8] =	sst s10  }
0x35: {  	s10 =	sld [smem:$0x3FB7];
	_ =	sdelay $0x3  }
0x36: {  	p1 =	seq.s32 s10, $0x1;
	s10 =	sld [smem:$0x3FB8];
	_ =	sdelay $0x3  }
0x37: {  	[smem:$0x3FB8] =	sst s10  }
0x38: {  	s10 =	sld [smem:$0x3FB9]  }
0x39: {  	_ = 	snop;
	(pc) =	sbr.ind lr, $3  }
0x3a: {  	_ = 	snop  }
0x3b: {  	_ = 	snop  }
0x3c: {  	p2 =	seq.s32 s10, $0x1;
	s10 =	sld [smem:$0x3FB8]  }
0x3d: {  	_ =	shalt  }
0x3e: {  	_ =	shalt  }
0x3f: {  	_ =	shalt  }
0x40: {  	_ =	shalt  }
0x41: {  	_ =	shalt  }
0x42: {  	_ =	shalt  }
0x43: {  	_ =	shalt  }
0x44: {  	_ =	shalt  }
0x45: {  	_ =	shalt  }
0x46: {  	_ =	shalt  }
0x47: {  	_ =	shalt  }
0x48: {  	_ =	shalt  }
0x49: {  	_ =	shalt  }
0x4a: {  	_ =	shalt  }
0x4b: {  	_ =	shalt  }
0x4c: {  	_ =	shalt  }
0x4d: {  	_ =	shalt  }
0x4e: {  	_ =	shalt  }
0x4f: {  	_ =	shalt  }
0x50: {  	_ =	shalt  }
0x51: {  	_ =	shalt  }
0x52: {  	_ =	shalt  }
0x53: {  	_ =	shalt  }
0x54: {  	_ =	shalt  }
0x55: {  	_ =	shalt  }
0x56: {  	_ =	shalt  }
0x57: {  	_ =	shalt  }
0x58: {  	_ =	shalt  }
0x59: {  	_ =	shalt  }
0x5a: {  	_ =	shalt  }
0x5b: {  	_ =	shalt  }
0x5c: {  	_ =	shalt  }
0x5d: {  	_ =	shalt  }
0x5e: {  	_ =	shalt  }
0x5f: {  	_ =	shalt  }
0x60: {  	_ =	shalt  }
0x61: {  	_ =	shalt  }
0x62: {  	_ =	shalt  }
0x63: {  	_ =	shalt  }
0x64: {  	_ =	shalt  }
0x65: {  	_ =	shalt  }
0x66: {  	_ =	shalt  }
0x67: {  	_ =	shalt  }
0x68: {  	_ =	shalt  }
0x69: {  	_ =	shalt  }
0x6a: {  	_ =	shalt  }
0x6b: {  	_ =	shalt  }
0x6c: {  	_ =	shalt  }
0x6d: {  	_ =	shalt  }
0x6e: {  	_ =	shalt  }
0x6f: {  	_ =	shalt  }
0x70: {  	_ =	shalt  }
0x71: {  	_ =	shalt  }
0x72: {  	_ =	shalt  }
0x73: {  	_ =	shalt  }
0x74: {  	_ =	shalt  }
0x75: {  	_ =	shalt  }
0x76: {  	_ =	shalt  }
0x77: {  	_ =	shalt  }
0x78: {  	_ =	shalt  }
0x79: {  	_ =	shalt  }
0x7a: {  	_ =	shalt  }
0x7b: {  	_ =	shalt  }
0x7c: {  	_ =	shalt  }
0x7d: {  	_ =	shalt  }
0x7e: {  	_ =	shalt  }
0x7f: {  	_ =	shalt  }
0x80: {  	_ =	shalt  }
0x81: {  	_ =	shalt  }
0x82: {  	_ =	shalt  }
0x83: {  	_ =	shalt  }
0x84: {  	_ =	shalt  }
0x85: {  	_ =	shalt  }
0x86: {  	_ =	shalt  }
0x87: {  	_ =	shalt  }
.Lfunc_end0:
.L_simem_size_0:
called_computation_lowered:
.L_overlay_start_0:
0x88: {  	s2 =	sld [smem:$0x3FD9]  }
0x89: {  	s3 =	sld [smem:$0x3FFE];
	_ =	sdelay $0x1  }
0x8a: {  	s1 =	srdreg.scid  }
0x8b: {  	s0 =	sand.u32 $0x1, s1  }
0x8c: {  	s16 =	sshll.u32 s0, $0xA;
	s2 =	sadd.s32 s3, s2  }
0x8d: {  	s2 =	sadd.s32 s2, s16  }
0x8e: {  	[smem:$0x3FC4] =	sst s2  }
0x8f: {  	_ = 	snop  }
0x90: {  	(tm) =	ssettm $0x1  }
0x91: {  	s17 =	sld [smem:$0x3FFB];
	_ =	sdelay $0x3  }
0x92: {  	_ =	strace s17  }
0x93: {  	s2 =	sld [smem:$0x3FFC];
	_ =	sdelay $0x3  }
0x94: {  	_ =	strace s2  }
0x95: {  	s2 =	sld [smem:$0x3FFD];
	_ =	sdelay $0x3  }
0x96: {  	_ =	strace s2  }
0x97: {  	_ =	strace $0x8FFFFFFF  }
0x98: {  	s18 =	sld [smem:$0x3FDB];
	_ =	sdelay $0x1  }
0x99: {  	s19 =	simm.s32 $_scs_section_size  }
0x9a: {  	s4 =	simm.s32 $_size__tile_overlayer_lowered;
	s5 =	simm.s32 $_tile_overlayer_lowered  }
0x9b: {  	s22 =	simm.s32 $0x1BFF;
	s21 =	sshll.u32 s5, $0x1;
	s2 =	sadd.s32 s19, s18  }
0x9c: {  	s6 =	simm.s32 $0x0;
	s20 =	sshll.u32 s4, $0x1;
	s4 =	sadd.s32 s21, s2  }
0x9d: {  	[timem:s6], [sflag:s22] =	dma.local [hbm:s4], s20  }
0x9e: {  	_ =	swait.ge [sflag:s22], s20  }
0x9f: {  	s3 =	ssub.s32 $0x0, s20;
	[sflag:s22] =	ssyncset.done $0x0  }
0xa0: {  	[sflag:s22] =	ssyncadd.s32 s3;
	_ =	sdelay $0x1  }
0xa1: {  	s23 =	simm.s32 $0x1B8B  }
0xa2: {  	_ =	swait.ge [sflag:s23], $0x1  }
0xa3: {  	[sflag:s23] =	ssyncset.done $0x0  }
0xa4: {  	s25 =	simm.s32 $0x1B8E;
	s24 =	sld [smem:$0x3FFE];
	[sflag:s23] =	ssyncadd.s32 $0xFFFFFFFF  }
0xa5: {  	s26 =	simm.s32 $execute0_lowered;
	[smem:$0x3FD2] =	sst s25  }
0xa6: {  	s4 =	sshll.u32 s26, $0x1;
	_ =	strace $0x80000046;
	[dreg:$0x1] =	wrdreg $0xFFFFFFFF  }
0xa7: {  	s28 =	simm.s32 $_size_execute0_lowered;
	s2 =	sadd.s32 s2, s4;
	[dreg:$0x0] =	wrdreg $0x0  }
0xa8: {  	s4 =	sshll.u32 s28, $0x1;
	[dreg:$0x2] =	wrdreg s2  }
0xa9: {  	[dreg:$0x3] =	wrdreg s4  }
0xaa: {  	[dreg:$0x4] =	wrdreg $0xC0  }
0xab: {  	_ =	task [dreg:s6], $0x5FFFF  }
0xac: {  	[dreg:$0x1] =	wrdreg $0xFFFFFFFF  }
0xad: {  	[dreg:$0x0] =	wrdreg $0x60  }
0xae: {  	[dreg:$0x2] =	wrdreg s24  }
0xaf: {  	[dreg:$0x3] =	wrdreg $0xA500  }
0xb0: {  	[dreg:$0x4] =	wrdreg $0x9  }
0xb1: {  	_ =	task.clear_ibuf [dreg:s6], $0x5FFFF;
	_ =	strace $0x90000046  }
0xb2: {  	s29 =	simm.s32 $0x9;
	_ =	strace $0x80000048  }
0xb3: {  	_ =	swait.ge [sflag:s29], $0x1  }
0xb4: {  	[sflag:s29] =	ssyncadd.s32 $0xFFFFFFFF  }
0xb5: {  	_ =	strace $0x90000048  }
0xb6: {  	_ =	sfence  }
0xb7: {  	s30 =	sld [smem:$0x0];
	_ =	sdelay $0x2  }
0xb8: {  	s31 =	sshll.u32 s1, $0xD;
	s1 =	sshrl.u32 s1, $0x2  }
0xb9: {  	s3 =	sand.u32 $0x4000, s31;
	s1 =	sadd.s32 s1, s30  }
0xba: {  	s0 =	sor.u32 s3, s0;
	s1 =	sshll.u32 s1, $0x11  }
0xbb: {  	s0 =	sor.u32 s1, s0  }
0xbc: {  	s0 =	sadd.s32 $0x8F2B, s0  }
0xbd: {  	[sflag:s0] =	ssyncadd.remote.s32 $0x1  }
0xbe: {  	_ =	sfence.sel $0xFFFF  }
0xbf: {  	[dreg:$0x0] =	wrdreg $0xFFFFFFFF;
	(pc) =	sbr.abs _section_cstart, $3  }
0xc0: {  	[dreg:$0x1] =	wrdreg $0xFFFFFFFF  }
0xc1: {  	_ =	task.clear_ibuf [dreg:s6], $0x2FFFF;
	_ =	strace $0x9FFFFFFF  }
0xc2: {  	(tm) =	ssettm $0x7FFFFFFF  }
0xc3: {  	_ =	shalt  }
tec
execute0_lowered:
.L_overlay_start_1:
0x0: {  	(tag) =	ssettag $0x1  }
0x1: {  	s1 =	srdreg.scid;
	s6 =	rddreg [dreg:$0x0]  }
0x2: {  	s0 =	stileid.u32;
	s2 =	rddreg [dreg:$0x1];
	s3 =	simm.s32 $0x0  }
0x3: {  	s15 =	simm.s32 $0x7D0;
	s16 =	simm.s32 $0x1;
	s17 =	simm.s32 $0x50  }
0x4: {  	s19 =	simm.s32 $0x0;
	s5 =	sand.u32 $0x1, s1;
	s9 =	smul.u32 $0x1F40, s0  }
0x5: {  	s28 =	sshll.u32 s0, $0x1;
	[smem:$0x7FF] =	sst s3;
	s10 =	smul.u32 $0x7D00, s0  }
0x6: {  	p0 =	sgt.u32 s0, $0x9;
	s1 =	sor.u32 s5, s28;
	s7 =	smul.u32 $0x13880, s5  }
0x7: {  	s29 =	ssub.s32 $0x2, s5;
	s5 =	sadd.s32 $0x1FE00, s6;
	s13 =	sshll.u32 @!p0 s0, $0x6  }
0x8: {  	s4 =	smul.u32 $0x2710, s1;
	s1 =	rddreg [dreg:$0x2];
	_ =	strace $0x80000047  }
0x9: {  	s11 =	sshrl.u32 s29, $0x1;
	s31 =	sshrl.u32 s10, $0x2;
	s18 =	sadd.s32 s9, s2  }
0xa: {  	s13 =	sor.u32 @!p0 $0x1C01, s13;
	s7 =	sadd.s32 s9, s7;
	s30 =	ssub.s32 s29, s11  }
0xb: {  	s14 =	sadd.s32 s31, s2;
	s18 =	sshrl.u32 @!p0 s18, $0x3;
	s8 =	sshrl.u32 s4, $0x3  }
0xc: {  	s4 =	sadd.s32 $0x1FC00, s6;
	s7 =	sshrl.u32 s7, $0x3;
	s14 =	sshrl.u32 @!p0 s14, $0x3  }
0xd: {  	s12 =	sadd.s32 s8, s6;
	s6 =	sadd.s32 s7, s6;
	s7 =	smax.u32 s30, $0x1  }
0xe: {  	s6 =	sadd.s32 $0x20200, s6;
	s8 =	sadd.s32 $0x15E00, s12;
	s9 =	sadd.s32 $0x15EFA, s12  }
0xf: {  	s10 =	sadd.s32 $0x15FF4, s12;
	s11 =	sadd.s32 $0x160EE, s12;
	s12 =	sadd.s32 $0x161E8, s12  }
.LBB2_1:
0x10: {  	[spmem:s14], [sflag:s13] =	dma.local @!p0 [hbm:s5], $0x3E8  }
0x11: {  	s20 =	simm.s32 @!p0 $0x1  }
0x12: {  	_ =	swait.ge @!p0 [sflag:s20], $0x3E8  }
0x13: {  	[sflag:s20] =	ssyncset.done @!p0 $0x0  }
0x14: {  	[sflag:s20] =	ssyncadd.s32 @!p0 $0xFFFFFC18  }
0x15: {  	[tilespmem:s15], [sflag:$0x1] =	stream.linear.gather [hbm4b:s4+s3], $0x280, $0x38;
	[tilespmem:$0x1DE0] =	vst v63  }
0x16: {  	_ =	swait.ge [sflag:s16], $0x280  }
0x17: {  	[sflag:s16] =	ssyncset.done $0x0  }
0x18: {  	[sflag:s16] =	ssyncadd.s32 $0xFFFFFD80  }
0x19: {  	[bflag:$0x0] =	sbarrier.arrive $0xFFFF  }
0x1a: {  	[tilespmem:s3], [sflag:$0x1] =	stream.linear.gather [hbm4b:s8+s3], $0x7D0, $0x38;
	[tilespmem:$0x1DE0] =	vst v63  }
0x1b: {  	_ =	swait.ge [sflag:s16], $0x7D0  }
0x1c: {  	[sflag:s16] =	ssyncset.done $0x0  }
0x1d: {  	s31 =	simm.s32 $0x0;
	[sflag:s16] =	ssyncadd.s32 $0xFFFFF830  }
0x1e: {  	[spmem:s2] =	stream.indirect.scatter.add.f32 [tilespmem:s15], [sflag:$0x1], $0x8, s31, s17, $0xb8;
	[tilespmem:$0x1DE0] =	vst v63  }
0x1f: {  	_ =	swait.ge [sflag:s16], $0x280  }
0x20: {  	s20 =	simm.s32 $0x140;
	[sflag:s16] =	ssyncset.done $0x0  }
.LBB2_2:
0x21: {  	s21 =	sshra.s32 s20, $0x2;
	[sflag:s16] =	ssyncadd.s32 $0xFFFFFD80;
	p1 =	sne.s32 s20, $0x1E00  }
0x22: {  	[spmem:s2] =	stream.indirect.scatter.add.f32 [tilespmem:s15], [sflag:$0x1], $0x8, s21, s17, $0xb8;
	[tilespmem:$0x1DE0] =	vst v63  }
.Ltmp0:
0x23: {  	_ = 	snop;
	(pc) =	sbr.rel @p1 .LBB2_2-.Ltmp0, $4  }
0x24: {  	_ = 	snop  }
0x25: {  	s20 =	sadd.s32 $0x140, s20  }
0x26: {  	_ =	swait.ge [sflag:s16], $0x280  }
0x27: {  	[sflag:s16] =	ssyncset.done $0x0  }
0x28: {  	[sflag:s16] =	ssyncadd.s32 $0xFFFFFD80;
	s20 =	simm.s32 $0x0  }
0x29: {  	[tilespmem:s20], [sflag:$0x1] =	stream.linear.gather [hbm4b:s9+s20], $0x7D0, $0x38;
	[tilespmem:$0x1DE0] =	vst v63  }
0x2a: {  	_ =	swait.ge [sflag:s16], $0x7D0  }
0x2b: {  	[sflag:s16] =	ssyncset.done $0x0  }
0x2c: {  	s31 =	simm.s32 $0x0;
	[sflag:s16] =	ssyncadd.s32 $0xFFFFF830  }
0x2d: {  	[spmem:s2] =	stream.indirect.scatter.add.f32 [tilespmem:s15], [sflag:$0x1], $0x8, s31, s17, $0xb8;
	[tilespmem:$0x1DE0] =	vst v63  }
0x2e: {  	_ =	swait.ge [sflag:s16], $0x280  }
0x2f: {  	s20 =	simm.s32 $0x140;
	[sflag:s16] =	ssyncset.done $0x0  }
.LBB2_4:
0x30: {  	s21 =	sshra.s32 s20, $0x2;
	[sflag:s16] =	ssyncadd.s32 $0xFFFFFD80;
	p1 =	sne.s32 s20, $0x1E00  }
0x31: {  	[spmem:s2] =	stream.indirect.scatter.add.f32 [tilespmem:s15], [sflag:$0x1], $0x8, s21, s17, $0xb8;
	[tilespmem:$0x1DE0] =	vst v63  }
.Ltmp1:
0x32: {  	_ = 	snop;
	(pc) =	sbr.rel @p1 .LBB2_4-.Ltmp1, $4  }
0x33: {  	_ = 	snop  }
0x34: {  	s20 =	sadd.s32 $0x140, s20  }
0x35: {  	_ =	swait.ge [sflag:s16], $0x280  }
0x36: {  	[sflag:s16] =	ssyncset.done $0x0  }
0x37: {  	[sflag:s16] =	ssyncadd.s32 $0xFFFFFD80;
	s20 =	simm.s32 $0x0  }
0x38: {  	[tilespmem:s20], [sflag:$0x1] =	stream.linear.gather [hbm4b:s10+s20], $0x7D0, $0x38;
	[tilespmem:$0x1DE0] =	vst v63  }
0x39: {  	_ =	swait.ge [sflag:s16], $0x7D0  }
0x3a: {  	[sflag:s16] =	ssyncset.done $0x0  }
0x3b: {  	s31 =	simm.s32 $0x0;
	[sflag:s16] =	ssyncadd.s32 $0xFFFFF830  }
0x3c: {  	[spmem:s2] =	stream.indirect.scatter.add.f32 [tilespmem:s15], [sflag:$0x1], $0x8, s31, s17, $0xb8;
	[tilespmem:$0x1DE0] =	vst v63  }
0x3d: {  	_ =	swait.ge [sflag:s16], $0x280  }
0x3e: {  	s20 =	simm.s32 $0x140;
	[sflag:s16] =	ssyncset.done $0x0  }
.LBB2_6:
0x3f: {  	s21 =	sshra.s32 s20, $0x2;
	[sflag:s16] =	ssyncadd.s32 $0xFFFFFD80;
	p1 =	sne.s32 s20, $0x1E00  }
0x40: {  	[spmem:s2] =	stream.indirect.scatter.add.f32 [tilespmem:s15], [sflag:$0x1], $0x8, s21, s17, $0xb8;
	[tilespmem:$0x1DE0] =	vst v63  }
.Ltmp2:
0x41: {  	_ = 	snop;
	(pc) =	sbr.rel @p1 .LBB2_6-.Ltmp2, $4  }
0x42: {  	_ = 	snop  }
0x43: {  	s20 =	sadd.s32 $0x140, s20  }
0x44: {  	_ =	swait.ge [sflag:s16], $0x280  }
0x45: {  	[sflag:s16] =	ssyncset.done $0x0  }
0x46: {  	[sflag:s16] =	ssyncadd.s32 $0xFFFFFD80;
	s20 =	simm.s32 $0x0  }
0x47: {  	[tilespmem:s20], [sflag:$0x1] =	stream.linear.gather [hbm4b:s11+s20], $0x7D0, $0x38;
	[tilespmem:$0x1DE0] =	vst v63  }
0x48: {  	_ =	swait.ge [sflag:s16], $0x7D0  }
0x49: {  	[sflag:s16] =	ssyncset.done $0x0  }
0x4a: {  	s31 =	simm.s32 $0x0;
	[sflag:s16] =	ssyncadd.s32 $0xFFFFF830  }
0x4b: {  	[spmem:s2] =	stream.indirect.scatter.add.f32 [tilespmem:s15], [sflag:$0x1], $0x8, s31, s17, $0xb8;
	[tilespmem:$0x1DE0] =	vst v63  }
0x4c: {  	_ =	swait.ge [sflag:s16], $0x280  }
0x4d: {  	s20 =	simm.s32 $0x140;
	[sflag:s16] =	ssyncset.done $0x0  }
.LBB2_8:
0x4e: {  	s21 =	sshra.s32 s20, $0x2;
	[sflag:s16] =	ssyncadd.s32 $0xFFFFFD80;
	p1 =	sne.s32 s20, $0x1E00  }
0x4f: {  	[spmem:s2] =	stream.indirect.scatter.add.f32 [tilespmem:s15], [sflag:$0x1], $0x8, s21, s17, $0xb8;
	[tilespmem:$0x1DE0] =	vst v63  }
.Ltmp3:
0x50: {  	_ = 	snop;
	(pc) =	sbr.rel @p1 .LBB2_8-.Ltmp3, $4  }
0x51: {  	_ = 	snop  }
0x52: {  	s20 =	sadd.s32 $0x140, s20  }
0x53: {  	_ =	swait.ge [sflag:s16], $0x280  }
0x54: {  	[sflag:s16] =	ssyncset.done $0x0  }
0x55: {  	[sflag:s16] =	ssyncadd.s32 $0xFFFFFD80;
	s20 =	simm.s32 $0x0  }
0x56: {  	[tilespmem:s20], [sflag:$0x1] =	stream.linear.gather [hbm4b:s12+s20], $0x7D0, $0x38;
	[tilespmem:$0x1DE0] =	vst v63  }
0x57: {  	_ =	swait.ge [sflag:s16], $0x7D0  }
0x58: {  	[sflag:s16] =	ssyncset.done $0x0  }
0x59: {  	s31 =	simm.s32 $0x0;
	[sflag:s16] =	ssyncadd.s32 $0xFFFFF830  }
0x5a: {  	[spmem:s2] =	stream.indirect.scatter.add.f32 [tilespmem:s15], [sflag:$0x1], $0x8, s31, s17, $0xb8;
	[tilespmem:$0x1DE0] =	vst v63  }
0x5b: {  	_ =	swait.ge [sflag:s16], $0x280  }
0x5c: {  	s20 =	simm.s32 $0x140;
	[sflag:s16] =	ssyncset.done $0x0  }
.LBB2_10:
0x5d: {  	s21 =	sshra.s32 s20, $0x2;
	[sflag:s16] =	ssyncadd.s32 $0xFFFFFD80;
	p1 =	sne.s32 s20, $0x1E00  }
0x5e: {  	[spmem:s2] =	stream.indirect.scatter.add.f32 [tilespmem:s15], [sflag:$0x1], $0x8, s21, s17, $0xb8;
	[tilespmem:$0x1DE0] =	vst v63  }
.Ltmp4:
0x5f: {  	_ = 	snop;
	(pc) =	sbr.rel @p1 .LBB2_10-.Ltmp4, $4  }
0x60: {  	_ = 	snop  }
0x61: {  	s20 =	sadd.s32 $0x140, s20  }
0x62: {  	_ =	swait.ge [sflag:s16], $0x280  }
0x63: {  	[sflag:s16] =	ssyncset.done $0x0  }
0x64: {  	s19 =	sadd.s32 $0x1, s19  }
0x65: {  	[sflag:s16] =	ssyncadd.s32 $0xFFFFFD80;
	p1 =	sne.s32 s19, s7  }
.Ltmp5:
0x66: {  	s20 =	simm.s32 @!p0 $0x1;
	[bflag:$0x0] =	sbarrier.arrive $0xFFFF;
	(pc) =	sbr.rel @p1 .LBB2_1-.Ltmp5, $4  }
0x67: {  	[hbm:s6], [sflag:s13] =	dma.local @!p0 [spmem:s18], $0x3E8  }
0x68: {  	_ =	swait.ge @!p0 [sflag:s20], $0x3E8  }
0x69: {  	[sflag:s20] =	ssyncset.done @!p0 $0x0  }
0x6a: {  	[sflag:s20] =	ssyncadd.s32 @!p0 $0xFFFFFC18  }
0x6b: {  	_ =	sfence.sel $0x180000  }
0x6c: {  	[bflag:$0x0] =	sbarrier.arrive $0xFFFF  }
0x6d: {  	p0 =	sne.s32 s0, $0x0;
	_ =	strace $0x90000047  }
0x6e: {  	s0 =	sadd.s32 @!p0 $0x100000, s1;
	[bflag:$0x2] =	sbarrier.arrive $0xFFFF  }
0x6f: {  	[sflag:s0] =	ssyncadd.tile.s32 @!p0 $0x1;
	_ =	shalt  }
.Lfunc_end2:
_tile_overlayer_lowered:
.L_overlay_start_2:
0x70: {  	(tag) =	ssettag $0x2  }
0x71: {  	s0 =	rddreg [dreg:$0x0];
	s2 =	stileid.u32  }
0x72: {  	s1 =	rddreg [dreg:$0x1];
	p0 =	sne.s32 s2, $0x0  }
0x73: {  	s3 =	rddreg [dreg:$0x2];
	[bflag:$0x3] =	sbarrier.arrive $0xFFFF;
	s2 =	simm.s32 @!p0 $0x1C01  }
0x74: {  	[timem:s3], [sflag:s2] =	dma.local @!p0 [hbm:s0], s1  }
0x75: {  	s0 =	simm.s32 @!p0 $0x1  }
0x76: {  	_ =	swait.ge @!p0 [sflag:s0], s1  }
0x77: {  	s1 =	ssub.s32 @!p0 $0x0, s1;
	[sflag:s0] =	ssyncset.done @!p0 $0x0  }
0x78: {  	[sflag:s0] =	ssyncadd.s32 @!p0 s1  }
0x79: {  	[bflag:$0x3] =	sbarrier.arrive $0xFFFF  }
0x7a: {  	_ =	shalt  }

// kernel: kernel.14.cloned.1.call-start
scs
__scs_entry_jumppad:
0x0: {  	(pc) =	sbr.rel $0x88, $3  }
0x1: {  	(tag) =	ssettag $0x0;
	lr =	simm.s32 $0x1  }
0x2: {  	[smem:$0x3F9D] =	sst lr;
	_ =	strace $0xD0000000  }
0x3: {  	_ = 	snop  }
0x4: {  	_ = 	snop  }
0x5: {  	_ = 	snop  }
0x6: {  	_ = 	snop  }
0x7: {  	_ = 	snop  }
__scs_overlays_trampoline_lowered:
0x8: {  	[smem:$0x3FAC] =	sst s0  }
0x9: {  	[smem:$0x3FAD] =	sst s1  }
0xa: {  	[smem:$0x3FAE] =	sst s2  }
0xb: {  	[smem:$0x3FAF] =	sst s3  }
0xc: {  	[smem:$0x3FB0] =	sst s4  }
0xd: {  	[smem:$0x3FB1] =	sst s5  }
0xe: {  	[smem:$0x3FB2] =	sst s6  }
0xf: {  	[smem:$0x3FB3] =	sst s7  }
0x10: {  	[smem:$0x3FB4] =	sst s8  }
0x11: {  	[smem:$0x3FB5] =	sst s9;
	s0 =	simm.s32 @!p0 $0x0  }
0x12: {  	s1 =	sld [smem:$0x3F9B];
	s0 =	simm.s32 @p0 $0x1  }
0x13: {  	[smem:$0x3FB6] =	sst s0;
	s0 =	simm.s32 @!p1 $0x0  }
0x14: {  	s2 =	sld [smem:$0x3F9A];
	s0 =	simm.s32 @p1 $0x1  }
0x15: {  	[smem:$0x3FB7] =	sst s0;
	s0 =	simm.s32 @!p2 $0x0  }
0x16: {  	s3 =	sld [smem:$0x3FDB];
	s0 =	simm.s32 @p2 $0x1  }
0x17: {  	s4 =	simm.s32 $0x1BF5;
	[smem:$0x3FB9] =	sst s0  }
0x18: {  	s0 =	sld [smem:$0x3F9C];
	_ =	swait.ge [sflag:s4], $0x0  }
0x19: {  	s7 =	sld [smem:$0x3F9D]  }
0x1a: {  	s8 =	sadd.s32 $0xFFFFE003, lr  }
0x1b: {  	s9 =	sadd.s32 $0xFFFFFEF7, lr;
	s5 =	simm.s32 $0xFFFFFFFF;
	p2 =	slt.u32 s8, $0xFFFFF086  }
0x1c: {  	p1 =	slt.u32 s9, $0xF7A;
	s5 =	simm.s32 @!p2 $0x0  }
0x1d: {  	s5 =	simm.s32 @p1 $0x1;
	p0 =	seq.s32 s7, s2  }
0x1e: {  	s7 =	smul.u32 @!p0 $0xF7A, s2;
	p2 =	seq.s32 @!p0 s5, $0x0  }
0x1f: {  	s9 =	smul.u32 $0xF7A, s1;
	s8 =	simm.s32 @!p0 $0x1BF5;
	p2 =	por !p2, p0  }
0x20: {  	[sflag:s8] =	ssyncset.s32 @!p0 $0xFFFFF086;
	s6 =	sadd.s32 @!p0 s3, s7;
	s7 =	simm.s32 @!p0 $0x108  }
0x21: {  	s3 =	sadd.s32 s3, s9;
	s6 =	sadd.s32 @!p0 $0x88, s6;
	s7 =	simm.s32 @p2 $0x1082  }
0x22: {  	[simem:s7], [sflag:s8] =	dma.local @!p0 [hbm:s6], $0xF7A  }
0x23: {  	s9 =	sor.u32 $0xD0000000, s2;
	s6 =	simm.s32 $0x108;
	_ =	swait.ge @!p0 [sflag:s8], $0x0  }
0x24: {  	s3 =	sadd.s32 $0x88, s3;
	s6 =	simm.s32 @!p1 $0x1082;
	[sflag:s4] =	ssyncset.s32 $0xFFFFF086  }
0x25: {  	[simem:s6], [sflag:s4] =	dma.local [hbm:s3], $0xF7A  }
0x26: {  	[smem:$0x3F9D] =	sst s1;
	(tag) =	ssettag s2;
	_ =	strace s9  }
0x27: {  	s1 =	sld [smem:$0x3FAD]  }
0x28: {  	s2 =	sld [smem:$0x3FAE]  }
0x29: {  	s4 =	sld [smem:$0x3FB0]  }
0x2a: {  	p0 =	seq.s32 s5, $0x0;
	s5 =	sld [smem:$0x3FB1]  }
0x2b: {  	s6 =	sld [smem:$0x3FB2]  }
0x2c: {  	s7 =	sld [smem:$0x3FB3]  }
0x2d: {  	s3 =	simm.s32 $0x108;
	s8 =	sld [smem:$0x3FB4]  }
0x2e: {  	s3 =	simm.s32 @!p0 $0x1082;
	s9 =	sld [smem:$0x3FB5]  }
0x2f: {  	lr =	sadd.s32 s0, s3;
	s0 =	sld [smem:$0x3FAC]  }
0x30: {  	s3 =	sld [smem:$0x3FAF]  }
0x31: {  	[smem:$0x3FB8] =	sst s10  }
0x32: {  	s10 =	sld [smem:$0x3FB6];
	_ =	sdelay $0x3  }
0x33: {  	p0 =	seq.s32 s10, $0x1;
	s10 =	sld [smem:$0x3FB8];
	_ =	sdelay $0x3  }
0x34: {  	[smem:$0x3FB8] =	sst s10  }
0x35: {  	s10 =	sld [smem:$0x3FB7];
	_ =	sdelay $0x3  }
0x36: {  	p1 =	seq.s32 s10, $0x1;
	s10 =	sld [smem:$0x3FB8];
	_ =	sdelay $0x3  }
0x37: {  	[smem:$0x3FB8] =	sst s10  }
0x38: {  	s10 =	sld [smem:$0x3FB9]  }
0x39: {  	_ = 	snop;
	(pc) =	sbr.ind lr, $3  }
0x3a: {  	_ = 	snop  }
0x3b: {  	_ = 	snop  }
0x3c: {  	p2 =	seq.s32 s10, $0x1;
	s10 =	sld [smem:$0x3FB8]  }
0x3d: {  	_ =	shalt  }
0x3e: {  	_ =	shalt  }
0x3f: {  	_ =	shalt  }
0x40: {  	_ =	shalt  }
0x41: {  	_ =	shalt  }
0x42: {  	_ =	shalt  }
0x43: {  	_ =	shalt  }
0x44: {  	_ =	shalt  }
0x45: {  	_ =	shalt  }
0x46: {  	_ =	shalt  }
0x47: {  	_ =	shalt  }
0x48: {  	_ =	shalt  }
0x49: {  	_ =	shalt  }
0x4a: {  	_ =	shalt  }
0x4b: {  	_ =	shalt  }
0x4c: {  	_ =	shalt  }
0x4d: {  	_ =	shalt  }
0x4e: {  	_ =	shalt  }
0x4f: {  	_ =	shalt  }
0x50: {  	_ =	shalt  }
0x51: {  	_ =	shalt  }
0x52: {  	_ =	shalt  }
0x53: {  	_ =	shalt  }
0x54: {  	_ =	shalt  }
0x55: {  	_ =	shalt  }
0x56: {  	_ =	shalt  }
0x57: {  	_ =	shalt  }
0x58: {  	_ =	shalt  }
0x59: {  	_ =	shalt  }
0x5a: {  	_ =	shalt  }
0x5b: {  	_ =	shalt  }
0x5c: {  	_ =	shalt  }
0x5d: {  	_ =	shalt  }
0x5e: {  	_ =	shalt  }
0x5f: {  	_ =	shalt  }
0x60: {  	_ =	shalt  }
0x61: {  	_ =	shalt  }
0x62: {  	_ =	shalt  }
0x63: {  	_ =	shalt  }
0x64: {  	_ =	shalt  }
0x65: {  	_ =	shalt  }
0x66: {  	_ =	shalt  }
0x67: {  	_ =	shalt  }
0x68: {  	_ =	shalt  }
0x69: {  	_ =	shalt  }
0x6a: {  	_ =	shalt  }
0x6b: {  	_ =	shalt  }
0x6c: {  	_ =	shalt  }
0x6d: {  	_ =	shalt  }
0x6e: {  	_ =	shalt  }
0x6f: {  	_ =	shalt  }
0x70: {  	_ =	shalt  }
0x71: {  	_ =	shalt  }
0x72: {  	_ =	shalt  }
0x73: {  	_ =	shalt  }
0x74: {  	_ =	shalt  }
0x75: {  	_ =	shalt  }
0x76: {  	_ =	shalt  }
0x77: {  	_ =	shalt  }
0x78: {  	_ =	shalt  }
0x79: {  	_ =	shalt  }
0x7a: {  	_ =	shalt  }
0x7b: {  	_ =	shalt  }
0x7c: {  	_ =	shalt  }
0x7d: {  	_ =	shalt  }
0x7e: {  	_ =	shalt  }
0x7f: {  	_ =	shalt  }
0x80: {  	_ =	shalt  }
0x81: {  	_ =	shalt  }
0x82: {  	_ =	shalt  }
0x83: {  	_ =	shalt  }
0x84: {  	_ =	shalt  }
0x85: {  	_ =	shalt  }
0x86: {  	_ =	shalt  }
0x87: {  	_ =	shalt  }
.Lfunc_end0:
.L_simem_size_0:
called_computation.1_lowered:
.L_overlay_start_0:
0x88: {  	s2 =	sld [smem:$0x3FD9]  }
0x89: {  	s3 =	sld [smem:$0x3FFE];
	_ =	sdelay $0x1  }
0x8a: {  	s1 =	srdreg.scid  }
0x8b: {  	s0 =	sand.u32 $0x1, s1  }
0x8c: {  	s17 =	sshll.u32 s0, $0xA;
	s2 =	sadd.s32 s3, s2  }
0x8d: {  	s2 =	sadd.s32 s2, s17  }
0x8e: {  	[smem:$0x3FC4] =	sst s2  }
0x8f: {  	_ = 	snop  }
0x90: {  	s2 =	sld [smem:$0x3FD0];
	(tm) =	ssettm $0x1  }
0x91: {  	s18 =	sld [smem:$0x3FFB];
	_ =	sdelay $0x3  }
0x92: {  	_ =	strace s18  }
0x93: {  	s3 =	sld [smem:$0x3FFC];
	_ =	sdelay $0x3  }
0x94: {  	_ =	strace s3  }
0x95: {  	s3 =	sld [smem:$0x3FFD];
	_ =	sdelay $0x3  }
0x96: {  	_ =	strace s3  }
0x97: {  	_ =	strace $0x8FFFFFFF  }
0x98: {  	s19 =	sld [smem:$0x3FDB];
	_ =	sdelay $0x1  }
0x99: {  	s4 =	simm.s32 $_scs_section_size  }
0x9a: {  	s5 =	simm.s32 $_size__tile_overlayer_lowered;
	s6 =	simm.s32 $_tile_overlayer_lowered  }
0x9b: {  	s22 =	simm.s32 $0x1BFF;
	s21 =	sshll.u32 s6, $0x1;
	s3 =	sadd.s32 s4, s19  }
0x9c: {  	s7 =	simm.s32 $0x0;
	s20 =	sshll.u32 s5, $0x1;
	s5 =	sadd.s32 s21, s3  }
0x9d: {  	[timem:s7], [sflag:s22] =	dma.local [hbm:s5], s20  }
0x9e: {  	_ =	swait.ge [sflag:s22], s20  }
0x9f: {  	s4 =	ssub.s32 $0x0, s20;
	[sflag:s22] =	ssyncset.done $0x0  }
0xa0: {  	[sflag:s22] =	ssyncadd.s32 s4;
	_ =	sdelay $0x1  }
0xa1: {  	s23 =	simm.s32 $0x1B8B  }
0xa2: {  	_ =	swait.ge [sflag:s23], $0x1  }
0xa3: {  	[sflag:s23] =	ssyncset.done $0x0  }
0xa4: {  	s25 =	simm.s32 $0x1B8E;
	s24 =	sld [smem:$0x3FFE];
	[sflag:s23] =	ssyncadd.s32 $0xFFFFFFFF  }
0xa5: {  	s26 =	simm.s32 $execute0_lowered;
	[smem:$0x3FD2] =	sst s25  }
0xa6: {  	s5 =	sshll.u32 s26, $0x1;
	_ =	strace $0x80000049;
	[dreg:$0x1] =	wrdreg $0xFFFFFFFF  }
0xa7: {  	s28 =	simm.s32 $_size_execute0_lowered;
	s3 =	sadd.s32 s3, s5;
	[dreg:$0x0] =	wrdreg $0x0  }
0xa8: {  	s5 =	sshll.u32 s28, $0x1;
	[dreg:$0x2] =	wrdreg s3  }
0xa9: {  	[dreg:$0x3] =	wrdreg s5  }
0xaa: {  	[dreg:$0x4] =	wrdreg $0xC0  }
0xab: {  	_ =	task [dreg:s7], $0x5FFFF  }
0xac: {  	[dreg:$0x1] =	wrdreg $0xFFFFFFFF  }
0xad: {  	[dreg:$0x0] =	wrdreg $0x60  }
0xae: {  	[dreg:$0x2] =	wrdreg s24  }
0xaf: {  	[dreg:$0x3] =	wrdreg s2  }
0xb0: {  	[dreg:$0x4] =	wrdreg $0x73A00  }
0xb1: {  	[dreg:$0x5] =	wrdreg $0x9  }
0xb2: {  	_ =	task.clear_ibuf [dreg:s7], $0x6FFFF;
	_ =	strace $0x90000049  }
0xb3: {  	s29 =	simm.s32 $0x9;
	_ =	strace $0x8000004B  }
0xb4: {  	_ =	swait.ge [sflag:s29], $0x1  }
0xb5: {  	[sflag:s29] =	ssyncadd.s32 $0xFFFFFFFF  }
0xb6: {  	_ =	strace $0x9000004B  }
0xb7: {  	_ =	sfence  }
0xb8: {  	s30 =	sld [smem:$0x0];
	_ =	sdelay $0x2  }
0xb9: {  	s31 =	sshll.u32 s1, $0xD;
	s1 =	sshrl.u32 s1, $0x2  }
0xba: {  	s3 =	sand.u32 $0x4000, s31;
	s1 =	sadd.s32 s1, s30  }
0xbb: {  	s0 =	sor.u32 s3, s0;
	s1 =	sshll.u32 s1, $0x11  }
0xbc: {  	s0 =	sor.u32 s1, s0  }
0xbd: {  	s0 =	sadd.s32 $0x8F2B, s0  }
0xbe: {  	[sflag:s0] =	ssyncadd.remote.s32 $0x1  }
0xbf: {  	_ =	sfence.sel $0xFFFF  }
0xc0: {  	[dreg:$0x0] =	wrdreg $0xFFFFFFFF;
	(pc) =	sbr.abs _section_cstart, $3  }
0xc1: {  	[dreg:$0x1] =	wrdreg $0xFFFFFFFF  }
0xc2: {  	_ =	task.clear_ibuf [dreg:s7], $0x2FFFF;
	_ =	strace $0x9FFFFFFF  }
0xc3: {  	(tm) =	ssettm $0x7FFFFFFF  }
tec
execute0_lowered:
.L_overlay_start_1:
0x0: {  	(tag) =	ssettag $0x1  }
0x1: {  	s0 =	rddreg [dreg:$0x0]  }
0x2: {  	s1 =	rddreg [dreg:$0x1]  }
0x3: {  	s2 =	rddreg [dreg:$0x2];
	s3 =	srdreg.scid;
	s4 =	simm.s32 $0x0  }
0x4: {  	s14 =	stileid.u32;
	s15 =	simm.s32 $0x7D0;
	s16 =	simm.s32 $0x28  }
0x5: {  	s17 =	simm.s32 $0xFA0;
	s18 =	simm.s32 $0x23A0;
	s19 =	simm.s32 $0x37A0  }
0x6: {  	s20 =	simm.s32 $0x4BA0;
	s21 =	simm.s32 $0x5FA0;
	s22 =	simm.s32 $0x1  }
0x7: {  	s23 =	simm.s32 $0x2;
	s24 =	simm.s32 $0x3;
	s26 =	simm.s32 $0x4  }
0x8: {  	s28 =	simm.s32 $0x5;
	s3 =	sand.u32 $0x1, s3;
	s11 =	smul.u32 $0x1F400, s14  }
0x9: {  	[smem:$0x7FF] =	sst s4;
	s5 =	sadd.s32 $0x73400, s0;
	s9 =	smul.u32 $0x7D000, s14  }
0xa: {  	s6 =	sadd.s32 $0x2200, s0;
	p0 =	sgt.u32 s14, $0x9;
	s7 =	smul.u32 $0x138800, s3  }
0xb: {  	_ =	strace $0x8000004A;
	s10 =	ssub.s32 $0x2, s3;
	s3 =	smul.u32 $0x4E200, s3  }
0xc: {  	s12 =	sshrl.u32 s10, $0x1;
	s9 =	sshrl.u32 s9, $0x2;
	s8 =	sadd.s32 s11, s7  }
0xd: {  	s7 =	sadd.s32 $0x15E00, s0;
	s12 =	ssub.s32 s10, s12;
	s8 =	sshrl.u32 s8, $0x3  }
0xe: {  	s13 =	sadd.s32 s9, s2;
	s0 =	sadd.s32 s8, s0;
	s8 =	smul.u32 $0x4E20, s14  }
0xf: {  	s13 =	sshrl.u32 @!p0 s13, $0x3;
	s10 =	sadd.s32 $0x19E00, s0;
	s0 =	sshll.u32 @!p0 s14, $0x6  }
0x10: {  	s14 =	simm.s32 $0x6;
	s9 =	sadd.s32 s8, s3;
	s3 =	sadd.s32 s11, s2  }
0x11: {  	s11 =	smax.u32 s12, $0x1;
	s12 =	sor.u32 @!p0 $0x1C06, s0;
	s25 =	sshrl.u32 @!p0 s3, $0x3  }
.LBB2_1:
0x12: {  	[spmem:s13], [sflag:s12] =	dma.local @!p0 [hbm:s7], $0x3E80  }
0x13: {  	s0 =	simm.s32 @!p0 $0x6  }
0x14: {  	_ =	swait.ge @!p0 [sflag:s0], $0x3E80  }
0x15: {  	[sflag:s0] =	ssyncset.done @!p0 $0x0  }
0x16: {  	[sflag:s0] =	ssyncadd.s32 @!p0 $0xFFFFC180  }
0x17: {  	s29 =	simm.s32 $0x0;
	[bflag:$0x0] =	sbarrier.arrive $0xFFFF  }
.LBB2_2:
0x18: {  	s0 =	smul.u32 $0x7D0, s29;
	_ =	sdelay $0x1  }
0x19: {  	s3 =	sadd.s32 s0, s9  }
0x1a: {  	s3 =	sshrl.u32 s3, $0x3  }
0x1b: {  	s30 =	simm.s32 $0x0;
	s3 =	sadd.s32 s1, s3  }
0x1c: {  	[tilespmem:s30], [sflag:$0x6] =	stream.linear.gather [hbm4b:s3+s30], $0x7D0, $0x38;
	[tilespmem:$0x1AC20] =	vst v63  }
0x1d: {  	s0 =	sadd.s32 s8, s0;
	_ =	swait.ge [sflag:s14], $0x7D0  }
0x1e: {  	s0 =	sshrl.u32 s0, $0x3;
	[sflag:s14] =	ssyncset.done $0x0  }
0x1f: {  	s0 =	sadd.s32 s6, s0;
	[sflag:s14] =	ssyncadd.s32 $0xFFFFF830  }
0x20: {  	[tilespmem:s15], [sflag:$0x6] =	stream.linear.gather [hbm4b:s0+s30], $0x7D0, $0x38;
	[tilespmem:$0x1AC20] =	vst v63  }
0x21: {  	_ =	swait.ge [sflag:s14], $0x7D0  }
0x22: {  	[sflag:s14] =	ssyncset.done $0x0  }
0x23: {  	s3 =	simm.s32 $0x0;
	[sflag:s14] =	ssyncadd.s32 $0xFFFFF830  }
0x24: {  	[tilespmem:s17], [sflag:$0x1] =	stream.indirect.gather [hbm4b:s5+s16], $0x80, s3, s16, $0xb8;
	[tilespmem:$0x1AC20] =	vst v63  }
0x25: {  	s3 =	simm.s32 $0x28  }
0x26: {  	[tilespmem:s18], [sflag:$0x2] =	stream.indirect.gather [hbm4b:s5+s16], $0x80, s3, s16, $0xb8;
	[tilespmem:$0x1AC20] =	vst v63  }
0x27: {  	s3 =	simm.s32 $0x50  }
0x28: {  	[tilespmem:s19], [sflag:$0x3] =	stream.indirect.gather [hbm4b:s5+s16], $0x80, s3, s16, $0xb8;
	[tilespmem:$0x1AC20] =	vst v63  }
0x29: {  	s3 =	simm.s32 $0x78  }
0x2a: {  	[tilespmem:s20], [sflag:$0x4] =	stream.indirect.gather [hbm4b:s5+s16], $0x80, s3, s16, $0xb8;
	[tilespmem:$0x1AC20] =	vst v63  }
0x2b: {  	s3 =	simm.s32 $0xA0  }
0x2c: {  	[tilespmem:s21], [sflag:$0x5] =	stream.indirect.gather [hbm4b:s5+s16], $0x80, s3, s16, $0xb8;
	[tilespmem:$0x1AC20] =	vst v63  }
0x2d: {  	_ =	swait.ge [sflag:s22], $0x1400  }
0x2e: {  	[sflag:s22] =	ssyncset.done $0x0  }
0x2f: {  	s3 =	simm.s32 $0x7D0;
	[sflag:s22] =	ssyncadd.s32 $0xFFFFEC00  }
0x30: {  	[spmem:s2] =	stream.indirect.scatter.add.f32 [tilespmem:s17], [sflag:$0x6], $0x80, s3, s16, $0xb8;
	[tilespmem:$0x1AC20] =	vst v63  }
0x31: {  	_ =	swait.ge [sflag:s14], $0x1400  }
0x32: {  	[sflag:s14] =	ssyncset.done $0x0  }
0x33: {  	[sflag:s14] =	ssyncadd.s32 $0xFFFFEC00  }
0x34: {  	_ =	swait.ge [sflag:s23], $0x1400  }
0x35: {  	[sflag:s23] =	ssyncset.done $0x0  }
0x36: {  	s3 =	simm.s32 $0x7F8;
	[sflag:s23] =	ssyncadd.s32 $0xFFFFEC00  }
0x37: {  	[spmem:s2] =	stream.indirect.scatter.add.f32 [tilespmem:s18], [sflag:$0x6], $0x80, s3, s16, $0xb8;
	[tilespmem:$0x1AC20] =	vst v63  }
0x38: {  	_ =	swait.ge [sflag:s14], $0x1400  }
0x39: {  	[sflag:s14] =	ssyncset.done $0x0  }
0x3a: {  	[sflag:s14] =	ssyncadd.s32 $0xFFFFEC00  }
0x3b: {  	_ =	swait.ge [sflag:s24], $0x1400  }
0x3c: {  	[sflag:s24] =	ssyncset.done $0x0  }
0x3d: {  	s3 =	simm.s32 $0x820;
	[sflag:s24] =	ssyncadd.s32 $0xFFFFEC00  }
0x3e: {  	[spmem:s2] =	stream.indirect.scatter.add.f32 [tilespmem:s19], [sflag:$0x6], $0x80, s3, s16, $0xb8;
	[tilespmem:$0x1AC20] =	vst v63  }
0x3f: {  	_ =	swait.ge [sflag:s14], $0x1400  }
0x40: {  	[sflag:s14] =	ssyncset.done $0x0  }
0x41: {  	[sflag:s14] =	ssyncadd.s32 $0xFFFFEC00  }
0x42: {  	_ =	swait.ge [sflag:s26], $0x1400  }
0x43: {  	[sflag:s26] =	ssyncset.done $0x0  }
0x44: {  	s3 =	simm.s32 $0x848;
	[sflag:s26] =	ssyncadd.s32 $0xFFFFEC00  }
0x45: {  	[spmem:s2] =	stream.indirect.scatter.add.f32 [tilespmem:s20], [sflag:$0x6], $0x80, s3, s16, $0xb8;
	[tilespmem:$0x1AC20] =	vst v63  }
0x46: {  	_ =	swait.ge [sflag:s14], $0x1400  }
0x47: {  	[sflag:s14] =	ssyncset.done $0x0  }
0x48: {  	[sflag:s14] =	ssyncadd.s32 $0xFFFFEC00  }
0x49: {  	_ =	swait.ge [sflag:s28], $0x1400  }
0x4a: {  	[sflag:s28] =	ssyncset.done $0x0  }
0x4b: {  	s3 =	simm.s32 $0x870;
	[sflag:s28] =	ssyncadd.s32 $0xFFFFEC00  }
0x4c: {  	[spmem:s2] =	stream.indirect.scatter.add.f32 [tilespmem:s21], [sflag:$0x6], $0x80, s3, s16, $0xb8;
	[tilespmem:$0x1AC20] =	vst v63  }
0x4d: {  	_ =	swait.ge [sflag:s14], $0x1400  }
0x4e: {  	s31 =	simm.s32 $0x640;
	s30 =	simm.s32 $0x320;
	[sflag:s14] =	ssyncset.done $0x0  }
.LBB2_3:
0x4f: {  	s0 =	sshra.s32 s30, $0x2  }
0x50: {  	[sflag:s14] =	ssyncadd.s32 $0xFFFFEC00;
	s30 =	smov.u32 s31;
	s3 =	sadd.s32 $0x320, s31  }
0x51: {  	[tilespmem:s17], [sflag:$0x1] =	stream.indirect.gather [hbm4b:s5+s16], $0x80, s0, s16, $0xb8;
	[tilespmem:$0x1AC20] =	vst v63  }
0x52: {  	p1 =	sne.s32 s31, $0x1C20;
	s31 =	sadd.s32 $0x28, s0  }
0x53: {  	[tilespmem:s18], [sflag:$0x2] =	stream.indirect.gather [hbm4b:s5+s16], $0x80, s31, s16, $0xb8;
	[tilespmem:$0x1AC20] =	vst v63  }
0x54: {  	s31 =	sadd.s32 $0x50, s0  }
0x55: {  	[tilespmem:s19], [sflag:$0x3] =	stream.indirect.gather [hbm4b:s5+s16], $0x80, s31, s16, $0xb8;
	[tilespmem:$0x1AC20] =	vst v63  }
0x56: {  	s31 =	sadd.s32 $0x78, s0  }
0x57: {  	[tilespmem:s20], [sflag:$0x4] =	stream.indirect.gather [hbm4b:s5+s16], $0x80, s31, s16, $0xb8;
	[tilespmem:$0x1AC20] =	vst v63  }
0x58: {  	s31 =	sadd.s32 $0xA0, s0  }
0x59: {  	[tilespmem:s21], [sflag:$0x5] =	stream.indirect.gather [hbm4b:s5+s16], $0x80, s31, s16, $0xb8;
	[tilespmem:$0x1AC20] =	vst v63  }
0x5a: {  	_ =	swait.ge [sflag:s22], $0x1400  }
0x5b: {  	[sflag:s22] =	ssyncset.done $0x0  }
0x5c: {  	s31 =	sadd.s32 $0x7D0, s0;
	[sflag:s22] =	ssyncadd.s32 $0xFFFFEC00  }
0x5d: {  	[spmem:s2] =	stream.indirect.scatter.add.f32 [tilespmem:s17], [sflag:$0x6], $0x80, s31, s16, $0xb8;
	[tilespmem:$0x1AC20] =	vst v63  }
0x5e: {  	_ =	swait.ge [sflag:s14], $0x1400  }
0x5f: {  	[sflag:s14] =	ssyncset.done $0x0  }
0x60: {  	[sflag:s14] =	ssyncadd.s32 $0xFFFFEC00  }
0x61: {  	_ =	swait.ge [sflag:s23], $0x1400  }
0x62: {  	[sflag:s23] =	ssyncset.done $0x0  }
0x63: {  	s31 =	sadd.s32 $0x7F8, s0;
	[sflag:s23] =	ssyncadd.s32 $0xFFFFEC00  }
0x64: {  	[spmem:s2] =	stream.indirect.scatter.add.f32 [tilespmem:s18], [sflag:$0x6], $0x80, s31, s16, $0xb8;
	[tilespmem:$0x1AC20] =	vst v63  }
0x65: {  	_ =	swait.ge [sflag:s14], $0x1400  }
0x66: {  	[sflag:s14] =	ssyncset.done $0x0  }
0x67: {  	[sflag:s14] =	ssyncadd.s32 $0xFFFFEC00  }
0x68: {  	_ =	swait.ge [sflag:s24], $0x1400  }
0x69: {  	[sflag:s24] =	ssyncset.done $0x0  }
0x6a: {  	s31 =	sadd.s32 $0x820, s0;
	[sflag:s24] =	ssyncadd.s32 $0xFFFFEC00  }
0x6b: {  	[spmem:s2] =	stream.indirect.scatter.add.f32 [tilespmem:s19], [sflag:$0x6], $0x80, s31, s16, $0xb8;
	[tilespmem:$0x1AC20] =	vst v63  }
0x6c: {  	_ =	swait.ge [sflag:s14], $0x1400  }
0x6d: {  	[sflag:s14] =	ssyncset.done $0x0  }
0x6e: {  	[sflag:s14] =	ssyncadd.s32 $0xFFFFEC00  }
0x6f: {  	_ =	swait.ge [sflag:s26], $0x1400  }
0x70: {  	[sflag:s26] =	ssyncset.done $0x0  }
0x71: {  	s31 =	sadd.s32 $0x848, s0;
	[sflag:s26] =	ssyncadd.s32 $0xFFFFEC00  }
0x72: {  	[spmem:s2] =	stream.indirect.scatter.add.f32 [tilespmem:s20], [sflag:$0x6], $0x80, s31, s16, $0xb8;
	[tilespmem:$0x1AC20] =	vst v63  }
0x73: {  	_ =	swait.ge [sflag:s14], $0x1400  }
0x74: {  	[sflag:s14] =	ssyncset.done $0x0  }
0x75: {  	[sflag:s14] =	ssyncadd.s32 $0xFFFFEC00  }
0x76: {  	_ =	swait.ge [sflag:s28], $0x1400  }
.Ltmp0:
0x77: {  	[sflag:s28] =	ssyncset.done $0x0;
	(pc) =	sbr.rel @p1 .LBB2_3-.Ltmp0, $4  }
0x78: {  	s0 =	sadd.s32 $0x870, s0;
	[sflag:s28] =	ssyncadd.s32 $0xFFFFEC00  }
0x79: {  	[spmem:s2] =	stream.indirect.scatter.add.f32 [tilespmem:s21], [sflag:$0x6], $0x80, s0, s16, $0xb8;
	[tilespmem:$0x1AC20] =	vst v63  }
0x7a: {  	_ =	swait.ge [sflag:s14], $0x1400  }
0x7b: {  	s31 =	smov.u32 s3;
	[sflag:s14] =	ssyncset.done $0x0  }
0x7c: {  	s0 =	sshra.s32 s30, $0x2;
	[sflag:s14] =	ssyncadd.s32 $0xFFFFEC00  }
0x7d: {  	[tilespmem:s17], [sflag:$0x1] =	stream.indirect.gather [hbm4b:s5+s16], $0x80, s0, s16, $0xb8;
	[tilespmem:$0x1AC20] =	vst v63  }
0x7e: {  	s3 =	sadd.s32 $0x28, s0  }
0x7f: {  	[tilespmem:s18], [sflag:$0x2] =	stream.indirect.gather [hbm4b:s5+s16], $0x80, s3, s16, $0xb8;
	[tilespmem:$0x1AC20] =	vst v63  }
0x80: {  	s31 =	sadd.s32 $0x50, s0  }
0x81: {  	[tilespmem:s19], [sflag:$0x3] =	stream.indirect.gather [hbm4b:s5+s16], $0x80, s31, s16, $0xb8;
	[tilespmem:$0x1AC20] =	vst v63  }
0x82: {  	s30 =	sadd.s32 $0x78, s0  }
0x83: {  	[tilespmem:s20], [sflag:$0x4] =	stream.indirect.gather [hbm4b:s5+s16], $0x80, s30, s16, $0xb8;
	[tilespmem:$0x1AC20] =	vst v63  }
0x84: {  	s31 =	sadd.s32 $0xA0, s0  }
0x85: {  	[tilespmem:s21], [sflag:$0x5] =	stream.indirect.gather [hbm4b:s5+s16], $0x80, s31, s16, $0xb8;
	[tilespmem:$0x1AC20] =	vst v63  }
0x86: {  	_ =	swait.ge [sflag:s22], $0x1400  }
0x87: {  	[sflag:s22] =	ssyncset.done $0x0  }
0x88: {  	s30 =	sadd.s32 $0x7D0, s0;
	[sflag:s22] =	ssyncadd.s32 $0xFFFFEC00  }
0x89: {  	[spmem:s2] =	stream.indirect.scatter.add.f32 [tilespmem:s17], [sflag:$0x6], $0x80, s30, s16, $0xb8;
	[tilespmem:$0x1AC20] =	vst v63  }
0x8a: {  	_ =	swait.ge [sflag:s14], $0x1400  }
0x8b: {  	[sflag:s14] =	ssyncset.done $0x0  }
0x8c: {  	[sflag:s14] =	ssyncadd.s32 $0xFFFFEC00  }
0x8d: {  	_ =	swait.ge [sflag:s23], $0x1400  }
0x8e: {  	[sflag:s23] =	ssyncset.done $0x0  }
0x8f: {  	s31 =	sadd.s32 $0x7F8, s0;
	[sflag:s23] =	ssyncadd.s32 $0xFFFFEC00  }
0x90: {  	[spmem:s2] =	stream.indirect.scatter.add.f32 [tilespmem:s18], [sflag:$0x6], $0x80, s31, s16, $0xb8;
	[tilespmem:$0x1AC20] =	vst v63  }
0x91: {  	_ =	swait.ge [sflag:s14], $0x1400  }
0x92: {  	[sflag:s14] =	ssyncset.done $0x0  }
0x93: {  	[sflag:s14] =	ssyncadd.s32 $0xFFFFEC00  }
0x94: {  	_ =	swait.ge [sflag:s24], $0x1400  }
0x95: {  	[sflag:s24] =	ssyncset.done $0x0  }
0x96: {  	s30 =	sadd.s32 $0x820, s0;
	[sflag:s24] =	ssyncadd.s32 $0xFFFFEC00  }
0x97: {  	[spmem:s2] =	stream.indirect.scatter.add.f32 [tilespmem:s19], [sflag:$0x6], $0x80, s30, s16, $0xb8;
	[tilespmem:$0x1AC20] =	vst v63  }
0x98: {  	_ =	swait.ge [sflag:s14], $0x1400  }
0x99: {  	[sflag:s14] =	ssyncset.done $0x0  }
0x9a: {  	[sflag:s14] =	ssyncadd.s32 $0xFFFFEC00  }
0x9b: {  	_ =	swait.ge [sflag:s26], $0x1400  }
0x9c: {  	[sflag:s26] =	ssyncset.done $0x0  }
0x9d: {  	s31 =	sadd.s32 $0x848, s0;
	[sflag:s26] =	ssyncadd.s32 $0xFFFFEC00  }
0x9e: {  	[spmem:s2] =	stream.indirect.scatter.add.f32 [tilespmem:s20], [sflag:$0x6], $0x80, s31, s16, $0xb8;
	[tilespmem:$0x1AC20] =	vst v63  }
0x9f: {  	_ =	swait.ge [sflag:s14], $0x1400  }
0xa0: {  	[sflag:s14] =	ssyncset.done $0x0  }
0xa1: {  	[sflag:s14] =	ssyncadd.s32 $0xFFFFEC00  }
0xa2: {  	s29 =	sadd.s32 $0x1, s29;
	_ =	swait.ge [sflag:s28], $0x1400  }
0xa3: {  	p1 =	sne.s32 s29, $0xA;
	[sflag:s28] =	ssyncset.done $0x0  }
.Ltmp1:
0xa4: {  	s0 =	sadd.s32 $0x870, s0;
	[sflag:s28] =	ssyncadd.s32 $0xFFFFEC00;
	(pc) =	sbr.rel @p1 .LBB2_2-.Ltmp1, $4  }
0xa5: {  	[spmem:s2] =	stream.indirect.scatter.add.f32 [tilespmem:s21], [sflag:$0x6], $0x80, s0, s16, $0xb8;
	[tilespmem:$0x1AC20] =	vst v63  }
0xa6: {  	_ =	swait.ge [sflag:s14], $0x1400  }
0xa7: {  	[sflag:s14] =	ssyncset.done $0x0  }
0xa8: {  	[sflag:s14] =	ssyncadd.s32 $0xFFFFEC00  }
0xa9: {  	s4 =	sadd.s32 $0x1, s4  }
0xaa: {  	p1 =	sne.s32 s4, s11  }
.Ltmp2:
0xab: {  	[bflag:$0x0] =	sbarrier.arrive $0xFFFF;
	s0 =	simm.s32 @!p0 $0x6;
	(pc) =	sbr.rel @p1 .LBB2_1-.Ltmp2, $4  }
0xac: {  	[hbm:s10], [sflag:s12] =	dma.local @!p0 [spmem:s25], $0x3E80  }
0xad: {  	_ =	swait.ge @!p0 [sflag:s0], $0x3E80  }
0xae: {  	[sflag:s0] =	ssyncset.done @!p0 $0x0  }
0xaf: {  	[sflag:s0] =	ssyncadd.s32 @!p0 $0xFFFFC180  }
0xb0: {  	_ =	sfence.sel $0x180000  }
0xb1: {  	[bflag:$0x0] =	sbarrier.arrive $0xFFFF  }
0xb2: {  	_ =	strace $0x9000004A  }
0xb3: {  	s0 =	stileid.u32;
	[bflag:$0x2] =	sbarrier.arrive $0xFFFF  }
0xb4: {  	p0 =	sne.s32 s0, $0x0;
	s0 =	rddreg [dreg:$0x3]  }
0xb5: {  	s0 =	sadd.s32 @!p0 $0x100000, s0  }
0xb6: {  	[sflag:s0] =	ssyncadd.tile.s32 @!p0 $0x1;
	_ =	shalt  }
.Lfunc_end2:
_tile_overlayer_lowered:
.L_overlay_start_2:
0xb7: {  	(tag) =	ssettag $0x2  }
0xb8: {  	s0 =	rddreg [dreg:$0x0];
	s2 =	stileid.u32  }
0xb9: {  	s1 =	rddreg [dreg:$0x1];
	p0 =	sne.s32 s2, $0x0  }
0xba: {  	s3 =	rddreg [dreg:$0x2];
	[bflag:$0x3] =	sbarrier.arrive $0xFFFF;
	s2 =	simm.s32 @!p0 $0x1C06  }
0xbb: {  	[timem:s3], [sflag:s2] =	dma.local @!p0 [hbm:s0], s1  }
0xbc: {  	s0 =	simm.s32 @!p0 $0x6  }
0xbd: {  	_ =	swait.ge @!p0 [sflag:s0], s1  }
0xbe: {  	s1 =	ssub.s32 @!p0 $0x0, s1;
	[sflag:s0] =	ssyncset.done @!p0 $0x0  }
0xbf: {  	[sflag:s0] =	ssyncadd.s32 @!p0 s1  }
0xc0: {  	[bflag:$0x3] =	sbarrier.arrive $0xFFFF  }
0xc1: {  	_ =	shalt  }

// kernel: kernel.17.cloned.1.call-start
scs
__scs_entry_jumppad:
0x0: {  	(pc) =	sbr.rel $0x88, $3  }
0x1: {  	(tag) =	ssettag $0x0;
	lr =	simm.s32 $0x1  }
0x2: {  	[smem:$0x3F9D] =	sst lr;
	_ =	strace $0xD0000000  }
0x3: {  	_ = 	snop  }
0x4: {  	_ = 	snop  }
0x5: {  	_ = 	snop  }
0x6: {  	_ = 	snop  }
0x7: {  	_ = 	snop  }
__scs_overlays_trampoline_lowered:
0x8: {  	[smem:$0x3FAC] =	sst s0  }
0x9: {  	[smem:$0x3FAD] =	sst s1  }
0xa: {  	[smem:$0x3FAE] =	sst s2  }
0xb: {  	[smem:$0x3FAF] =	sst s3  }
0xc: {  	[smem:$0x3FB0] =	sst s4  }
0xd: {  	[smem:$0x3FB1] =	sst s5  }
0xe: {  	[smem:$0x3FB2] =	sst s6  }
0xf: {  	[smem:$0x3FB3] =	sst s7  }
0x10: {  	[smem:$0x3FB4] =	sst s8  }
0x11: {  	[smem:$0x3FB5] =	sst s9;
	s0 =	simm.s32 @!p0 $0x0  }
0x12: {  	s1 =	sld [smem:$0x3F9B];
	s0 =	simm.s32 @p0 $0x1  }
0x13: {  	[smem:$0x3FB6] =	sst s0;
	s0 =	simm.s32 @!p1 $0x0  }
0x14: {  	s2 =	sld [smem:$0x3F9A];
	s0 =	simm.s32 @p1 $0x1  }
0x15: {  	[smem:$0x3FB7] =	sst s0;
	s0 =	simm.s32 @!p2 $0x0  }
0x16: {  	s3 =	sld [smem:$0x3FDB];
	s0 =	simm.s32 @p2 $0x1  }
0x17: {  	s4 =	simm.s32 $0x1BF5;
	[smem:$0x3FB9] =	sst s0  }
0x18: {  	s0 =	sld [smem:$0x3F9C];
	_ =	swait.ge [sflag:s4], $0x0  }
0x19: {  	s7 =	sld [smem:$0x3F9D]  }
0x1a: {  	s8 =	sadd.s32 $0xFFFFE003, lr  }
0x1b: {  	s9 =	sadd.s32 $0xFFFFFEF7, lr;
	s5 =	simm.s32 $0xFFFFFFFF;
	p2 =	slt.u32 s8, $0xFFFFF086  }
0x1c: {  	p1 =	slt.u32 s9, $0xF7A;
	s5 =	simm.s32 @!p2 $0x0  }
0x1d: {  	s5 =	simm.s32 @p1 $0x1;
	p0 =	seq.s32 s7, s2  }
0x1e: {  	s7 =	smul.u32 @!p0 $0xF7A, s2;
	p2 =	seq.s32 @!p0 s5, $0x0  }
0x1f: {  	s9 =	smul.u32 $0xF7A, s1;
	s8 =	simm.s32 @!p0 $0x1BF5;
	p2 =	por !p2, p0  }
0x20: {  	[sflag:s8] =	ssyncset.s32 @!p0 $0xFFFFF086;
	s6 =	sadd.s32 @!p0 s3, s7;
	s7 =	simm.s32 @!p0 $0x108  }
0x21: {  	s3 =	sadd.s32 s3, s9;
	s6 =	sadd.s32 @!p0 $0x88, s6;
	s7 =	simm.s32 @p2 $0x1082  }
0x22: {  	[simem:s7], [sflag:s8] =	dma.local @!p0 [hbm:s6], $0xF7A  }
0x23: {  	s9 =	sor.u32 $0xD0000000, s2;
	s6 =	simm.s32 $0x108;
	_ =	swait.ge @!p0 [sflag:s8], $0x0  }
0x24: {  	s3 =	sadd.s32 $0x88, s3;
	s6 =	simm.s32 @!p1 $0x1082;
	[sflag:s4] =	ssyncset.s32 $0xFFFFF086  }
0x25: {  	[simem:s6], [sflag:s4] =	dma.local [hbm:s3], $0xF7A  }
0x26: {  	[smem:$0x3F9D] =	sst s1;
	(tag) =	ssettag s2;
	_ =	strace s9  }
0x27: {  	s1 =	sld [smem:$0x3FAD]  }
0x28: {  	s2 =	sld [smem:$0x3FAE]  }
0x29: {  	s4 =	sld [smem:$0x3FB0]  }
0x2a: {  	p0 =	seq.s32 s5, $0x0;
	s5 =	sld [smem:$0x3FB1]  }
0x2b: {  	s6 =	sld [smem:$0x3FB2]  }
0x2c: {  	s7 =	sld [smem:$0x3FB3]  }
0x2d: {  	s3 =	simm.s32 $0x108;
	s8 =	sld [smem:$0x3FB4]  }
0x2e: {  	s3 =	simm.s32 @!p0 $0x1082;
	s9 =	sld [smem:$0x3FB5]  }
0x2f: {  	lr =	sadd.s32 s0, s3;
	s0 =	sld [smem:$0x3FAC]  }
0x30: {  	s3 =	sld [smem:$0x3FAF]  }
0x31: {  	[smem:$0x3FB8] =	sst s10  }
0x32: {  	s10 =	sld [smem:$0x3FB6];
	_ =	sdelay $0x3  }
0x33: {  	p0 =	seq.s32 s10, $0x1;
	s10 =	sld [smem:$0x3FB8];
	_ =	sdelay $0x3  }
0x34: {  	[smem:$0x3FB8] =	sst s10  }
0x35: {  	s10 =	sld [smem:$0x3FB7];
	_ =	sdelay $0x3  }
0x36: {  	p1 =	seq.s32 s10, $0x1;
	s10 =	sld [smem:$0x3FB8];
	_ =	sdelay $0x3  }
0x37: {  	[smem:$0x3FB8] =	sst s10  }
0x38: {  	s10 =	sld [smem:$0x3FB9]  }
0x39: {  	_ = 	snop;
	(pc) =	sbr.ind lr, $3  }
0x3a: {  	_ = 	snop  }
0x3b: {  	_ = 	snop  }
0x3c: {  	p2 =	seq.s32 s10, $0x1;
	s10 =	sld [smem:$0x3FB8]  }
0x3d: {  	_ =	shalt  }
0x3e: {  	_ =	shalt  }
0x3f: {  	_ =	shalt  }
0x40: {  	_ =	shalt  }
0x41: {  	_ =	shalt  }
0x42: {  	_ =	shalt  }
0x43: {  	_ =	shalt  }
0x44: {  	_ =	shalt  }
0x45: {  	_ =	shalt  }
0x46: {  	_ =	shalt  }
0x47: {  	_ =	shalt  }
0x48: {  	_ =	shalt  }
0x49: {  	_ =	shalt  }
0x4a: {  	_ =	shalt  }
0x4b: {  	_ =	shalt  }
0x4c: {  	_ =	shalt  }
0x4d: {  	_ =	shalt  }
0x4e: {  	_ =	shalt  }
0x4f: {  	_ =	shalt  }
0x50: {  	_ =	shalt  }
0x51: {  	_ =	shalt  }
0x52: {  	_ =	shalt  }
0x53: {  	_ =	shalt  }
0x54: {  	_ =	shalt  }
0x55: {  	_ =	shalt  }
0x56: {  	_ =	shalt  }
0x57: {  	_ =	shalt  }
0x58: {  	_ =	shalt  }
0x59: {  	_ =	shalt  }
0x5a: {  	_ =	shalt  }
0x5b: {  	_ =	shalt  }
0x5c: {  	_ =	shalt  }
0x5d: {  	_ =	shalt  }
0x5e: {  	_ =	shalt  }
0x5f: {  	_ =	shalt  }
0x60: {  	_ =	shalt  }
0x61: {  	_ =	shalt  }
0x62: {  	_ =	shalt  }
0x63: {  	_ =	shalt  }
0x64: {  	_ =	shalt  }
0x65: {  	_ =	shalt  }
0x66: {  	_ =	shalt  }
0x67: {  	_ =	shalt  }
0x68: {  	_ =	shalt  }
0x69: {  	_ =	shalt  }
0x6a: {  	_ =	shalt  }
0x6b: {  	_ =	shalt  }
0x6c: {  	_ =	shalt  }
0x6d: {  	_ =	shalt  }
0x6e: {  	_ =	shalt  }
0x6f: {  	_ =	shalt  }
0x70: {  	_ =	shalt  }
0x71: {  	_ =	shalt  }
0x72: {  	_ =	shalt  }
0x73: {  	_ =	shalt  }
0x74: {  	_ =	shalt  }
0x75: {  	_ =	shalt  }
0x76: {  	_ =	shalt  }
0x77: {  	_ =	shalt  }
0x78: {  	_ =	shalt  }
0x79: {  	_ =	shalt  }
0x7a: {  	_ =	shalt  }
0x7b: {  	_ =	shalt  }
0x7c: {  	_ =	shalt  }
0x7d: {  	_ =	shalt  }
0x7e: {  	_ =	shalt  }
0x7f: {  	_ =	shalt  }
0x80: {  	_ =	shalt  }
0x81: {  	_ =	shalt  }
0x82: {  	_ =	shalt  }
0x83: {  	_ =	shalt  }
0x84: {  	_ =	shalt  }
0x85: {  	_ =	shalt  }
0x86: {  	_ =	shalt  }
0x87: {  	_ =	shalt  }
.Lfunc_end0:
.L_simem_size_0:
called_computation.2_lowered:
.L_overlay_start_0:
0x88: {  	s2 =	sld [smem:$0x3FD9]  }
0x89: {  	s3 =	sld [smem:$0x3FFE];
	_ =	sdelay $0x1  }
0x8a: {  	s1 =	srdreg.scid  }
0x8b: {  	s0 =	sand.u32 $0x1, s1  }
0x8c: {  	s17 =	sshll.u32 s0, $0xA;
	s2 =	sadd.s32 s3, s2  }
0x8d: {  	s2 =	sadd.s32 s2, s17  }
0x8e: {  	[smem:$0x3FC4] =	sst s2  }
0x8f: {  	_ = 	snop  }
0x90: {  	s2 =	sld [smem:$0x3FD0];
	(tm) =	ssettm $0x1  }
0x91: {  	s18 =	sld [smem:$0x3FFB];
	_ =	sdelay $0x3  }
0x92: {  	_ =	strace s18  }
0x93: {  	s3 =	sld [smem:$0x3FFC];
	_ =	sdelay $0x3  }
0x94: {  	_ =	strace s3  }
0x95: {  	s3 =	sld [smem:$0x3FFD];
	_ =	sdelay $0x3  }
0x96: {  	_ =	strace s3  }
0x97: {  	_ =	strace $0x8FFFFFFF  }
0x98: {  	s19 =	sld [smem:$0x3FDB];
	_ =	sdelay $0x1  }
0x99: {  	s4 =	simm.s32 $_scs_section_size  }
0x9a: {  	s5 =	simm.s32 $_size__tile_overlayer_lowered;
	s6 =	simm.s32 $_tile_overlayer_lowered  }
0x9b: {  	s22 =	simm.s32 $0x1BFF;
	s21 =	sshll.u32 s6, $0x1;
	s3 =	sadd.s32 s4, s19  }
0x9c: {  	s7 =	simm.s32 $0x0;
	s20 =	sshll.u32 s5, $0x1;
	s5 =	sadd.s32 s21, s3  }
0x9d: {  	[timem:s7], [sflag:s22] =	dma.local [hbm:s5], s20  }
0x9e: {  	_ =	swait.ge [sflag:s22], s20  }
0x9f: {  	s4 =	ssub.s32 $0x0, s20;
	[sflag:s22] =	ssyncset.done $0x0  }
0xa0: {  	[sflag:s22] =	ssyncadd.s32 s4;
	_ =	sdelay $0x1  }
0xa1: {  	s23 =	simm.s32 $0x1B8B  }
0xa2: {  	_ =	swait.ge [sflag:s23], $0x1  }
0xa3: {  	[sflag:s23] =	ssyncset.done $0x0  }
0xa4: {  	s25 =	simm.s32 $0x1B8E;
	s24 =	sld [smem:$0x3FFE];
	[sflag:s23] =	ssyncadd.s32 $0xFFFFFFFF  }
0xa5: {  	s26 =	simm.s32 $execute0_lowered;
	[smem:$0x3FD2] =	sst s25  }
0xa6: {  	s5 =	sshll.u32 s26, $0x1;
	_ =	strace $0x8000004C;
	[dreg:$0x1] =	wrdreg $0xFFFFFFFF  }
0xa7: {  	s28 =	simm.s32 $_size_execute0_lowered;
	s3 =	sadd.s32 s3, s5;
	[dreg:$0x0] =	wrdreg $0x0  }
0xa8: {  	s5 =	sshll.u32 s28, $0x1;
	[dreg:$0x2] =	wrdreg s3  }
0xa9: {  	[dreg:$0x3] =	wrdreg s5  }
0xaa: {  	[dreg:$0x4] =	wrdreg $0xC0  }
0xab: {  	_ =	task [dreg:s7], $0x5FFFF  }
0xac: {  	[dreg:$0x1] =	wrdreg $0xFFFFFFFF  }
0xad: {  	[dreg:$0x0] =	wrdreg $0x60  }
0xae: {  	[dreg:$0x2] =	wrdreg s24  }
0xaf: {  	[dreg:$0x3] =	wrdreg s2  }
0xb0: {  	[dreg:$0x4] =	wrdreg $0x1C200  }
0xb1: {  	[dreg:$0x5] =	wrdreg $0x9  }
0xb2: {  	_ =	task.clear_ibuf [dreg:s7], $0x6FFFF;
	_ =	strace $0x9000004C  }
0xb3: {  	s29 =	simm.s32 $0x9;
	_ =	strace $0x8000004E  }
0xb4: {  	_ =	swait.ge [sflag:s29], $0x1  }
0xb5: {  	[sflag:s29] =	ssyncadd.s32 $0xFFFFFFFF  }
0xb6: {  	_ =	strace $0x9000004E  }
0xb7: {  	_ =	sfence  }
0xb8: {  	s30 =	sld [smem:$0x0];
	_ =	sdelay $0x2  }
0xb9: {  	s31 =	sshll.u32 s1, $0xD;
	s1 =	sshrl.u32 s1, $0x2  }
0xba: {  	s3 =	sand.u32 $0x4000, s31;
	s1 =	sadd.s32 s1, s30  }
0xbb: {  	s0 =	sor.u32 s3, s0;
	s1 =	sshll.u32 s1, $0x11  }
0xbc: {  	s0 =	sor.u32 s1, s0  }
0xbd: {  	s0 =	sadd.s32 $0x8F2B, s0  }
0xbe: {  	[sflag:s0] =	ssyncadd.remote.s32 $0x1  }
0xbf: {  	_ =	sfence.sel $0xFFFF  }
0xc0: {  	[dreg:$0x0] =	wrdreg $0xFFFFFFFF;
	(pc) =	sbr.abs _section_cstart, $3  }
0xc1: {  	[dreg:$0x1] =	wrdreg $0xFFFFFFFF  }
0xc2: {  	_ =	task.clear_ibuf [dreg:s7], $0x2FFFF;
	_ =	strace $0x9FFFFFFF  }
0xc3: {  	(tm) =	ssettm $0x7FFFFFFF  }
tec
execute0_lowered:
.L_overlay_start_1:
0x0: {  	(tag) =	ssettag $0x1  }
0x1: {  	s0 =	rddreg [dreg:$0x0]  }
0x2: {  	s9 =	rddreg [dreg:$0x1]  }
0x3: {  	s1 =	rddreg [dreg:$0x2];
	s3 =	simm.s32 $0x0;
	s5 =	srdreg.scid  }
0x4: {  	s2 =	stileid.u32;
	s15 =	simm.s32 $0x28;
	s16 =	simm.s32 $0xFA0  }
0x5: {  	s17 =	simm.s32 $0x1220;
	s18 =	simm.s32 $0x14A0;
	s19 =	simm.s32 $0x1720  }
0x6: {  	s20 =	simm.s32 $0x19A0;
	s21 =	simm.s32 $0x1;
	s22 =	simm.s32 $0x2  }
0x7: {  	s23 =	simm.s32 $0x3;
	s24 =	simm.s32 $0x4;
	s26 =	simm.s32 $0x5  }
0x8: {  	[smem:$0x7FF] =	sst s3;
	s4 =	sadd.s32 $0x68000, s0;
	s8 =	sand.u32 $0x1, s5  }
0x9: {  	s10 =	smul.u32 $0xFA00, s2;
	s5 =	sadd.s32 $0xC000, s0;
	s6 =	sadd.s32 $0x2200, s0  }
0xa: {  	s14 =	smul.u32 $0x3E80, s2;
	s7 =	sadd.s32 $0x6D000, s0;
	s29 =	sshll.u32 s2, $0x1  }
0xb: {  	p0 =	sgt.u32 s2, $0x9;
	_ =	strace $0x8000004D;
	s11 =	ssub.s32 $0x2, s8  }
0xc: {  	s12 =	smul.u32 $0x27100, s8;
	s8 =	sor.u32 s8, s29;
	s13 =	sshrl.u32 s11, $0x1  }
0xd: {  	s10 =	sshrl.u32 s10, $0x2;
	s8 =	smul.u32 $0x2710, s8;
	s25 =	sadd.s32 s14, s1  }
0xe: {  	s28 =	ssub.s32 s11, s13;
	s13 =	sadd.s32 s10, s1;
	s30 =	sadd.s32 s14, s12  }
0xf: {  	s11 =	sshll.u32 @!p0 s2, $0x6;
	s14 =	simm.s32 $0x7D0;
	s25 =	sshrl.u32 @!p0 s25, $0x3  }
0x10: {  	s31 =	sshrl.u32 s30, $0x3;
	s10 =	smax.u32 s28, $0x1;
	s11 =	sor.u32 @!p0 $0x1C06, s11  }
0x11: {  	s12 =	sshrl.u32 @!p0 s13, $0x3;
	s13 =	simm.s32 $0x6;
	s9 =	sadd.s32 s9, s31  }
.LBB2_1:
0x12: {  	[spmem:s12], [sflag:s11] =	dma.local @!p0 [hbm:s7], $0x7D0  }
0x13: {  	s0 =	simm.s32 @!p0 $0x6  }
0x14: {  	_ =	swait.ge @!p0 [sflag:s0], $0x7D0  }
0x15: {  	[sflag:s0] =	ssyncset.done @!p0 $0x0  }
0x16: {  	[sflag:s0] =	ssyncadd.s32 @!p0 $0xFFFFF830  }
0x17: {  	s28 =	simm.s32 $0x0;
	[bflag:$0x0] =	sbarrier.arrive $0xFFFF  }
.LBB2_2:
0x18: {  	s0 =	smul.u32 $0x7D0, s28;
	_ =	sdelay $0x1  }
0x19: {  	s0 =	sadd.s32 s8, s0  }
0x1a: {  	s0 =	sshrl.u32 s0, $0x3  }
0x1b: {  	s30 =	simm.s32 $0x0;
	s29 =	sadd.s32 s5, s0  }
0x1c: {  	[tilespmem:s30], [sflag:$0x6] =	stream.linear.gather [hbm4b:s29+s30], $0x7D0, $0x38;
	[tilespmem:$0x4330] =	vst v63  }
0x1d: {  	_ =	swait.ge [sflag:s13], $0x7D0  }
0x1e: {  	[sflag:s13] =	ssyncset.done $0x0  }
0x1f: {  	s0 =	sadd.s32 s6, s0;
	[sflag:s13] =	ssyncadd.s32 $0xFFFFF830  }
0x20: {  	[tilespmem:s14], [sflag:$0x6] =	stream.linear.gather [hbm4b:s0+s30], $0x7D0, $0x38;
	[tilespmem:$0x4330] =	vst v63  }
0x21: {  	_ =	swait.ge [sflag:s13], $0x7D0  }
0x22: {  	[sflag:s13] =	ssyncset.done $0x0  }
0x23: {  	s31 =	simm.s32 $0x0;
	[sflag:s13] =	ssyncadd.s32 $0xFFFFF830  }
0x24: {  	[tilespmem:s16], [sflag:$0x1] =	stream.indirect.gather [hbm4b:s4+s15], $0x10, s31, s15, $0xb8;
	[tilespmem:$0x4330] =	vst v63  }
0x25: {  	s31 =	simm.s32 $0x28  }
0x26: {  	[tilespmem:s17], [sflag:$0x2] =	stream.indirect.gather [hbm4b:s4+s15], $0x10, s31, s15, $0xb8;
	[tilespmem:$0x4330] =	vst v63  }
0x27: {  	s31 =	simm.s32 $0x50  }
0x28: {  	[tilespmem:s18], [sflag:$0x3] =	stream.indirect.gather [hbm4b:s4+s15], $0x10, s31, s15, $0xb8;
	[tilespmem:$0x4330] =	vst v63  }
0x29: {  	s31 =	simm.s32 $0x78  }
0x2a: {  	[tilespmem:s19], [sflag:$0x4] =	stream.indirect.gather [hbm4b:s4+s15], $0x10, s31, s15, $0xb8;
	[tilespmem:$0x4330] =	vst v63  }
0x2b: {  	s31 =	simm.s32 $0xA0  }
0x2c: {  	[tilespmem:s20], [sflag:$0x5] =	stream.indirect.gather [hbm4b:s4+s15], $0x10, s31, s15, $0xb8;
	[tilespmem:$0x4330] =	vst v63  }
0x2d: {  	_ =	swait.ge [sflag:s21], $0x280  }
0x2e: {  	[sflag:s21] =	ssyncset.done $0x0  }
0x2f: {  	s31 =	simm.s32 $0x7D0;
	[sflag:s21] =	ssyncadd.s32 $0xFFFFFD80  }
0x30: {  	[spmem:s1] =	stream.indirect.scatter.add.f32 [tilespmem:s16], [sflag:$0x6], $0x10, s31, s15, $0xb8;
	[tilespmem:$0x4330] =	vst v63  }
0x31: {  	_ =	swait.ge [sflag:s13], $0x280  }
0x32: {  	[sflag:s13] =	ssyncset.done $0x0  }
0x33: {  	[sflag:s13] =	ssyncadd.s32 $0xFFFFFD80  }
0x34: {  	_ =	swait.ge [sflag:s22], $0x280  }
0x35: {  	[sflag:s22] =	ssyncset.done $0x0  }
0x36: {  	s31 =	simm.s32 $0x7F8;
	[sflag:s22] =	ssyncadd.s32 $0xFFFFFD80  }
0x37: {  	[spmem:s1] =	stream.indirect.scatter.add.f32 [tilespmem:s17], [sflag:$0x6], $0x10, s31, s15, $0xb8;
	[tilespmem:$0x4330] =	vst v63  }
0x38: {  	_ =	swait.ge [sflag:s13], $0x280  }
0x39: {  	[sflag:s13] =	ssyncset.done $0x0  }
0x3a: {  	[sflag:s13] =	ssyncadd.s32 $0xFFFFFD80  }
0x3b: {  	_ =	swait.ge [sflag:s23], $0x280  }
0x3c: {  	[sflag:s23] =	ssyncset.done $0x0  }
0x3d: {  	s31 =	simm.s32 $0x820;
	[sflag:s23] =	ssyncadd.s32 $0xFFFFFD80  }
0x3e: {  	[spmem:s1] =	stream.indirect.scatter.add.f32 [tilespmem:s18], [sflag:$0x6], $0x10, s31, s15, $0xb8;
	[tilespmem:$0x4330] =	vst v63  }
0x3f: {  	_ =	swait.ge [sflag:s13], $0x280  }
0x40: {  	[sflag:s13] =	ssyncset.done $0x0  }
0x41: {  	[sflag:s13] =	ssyncadd.s32 $0xFFFFFD80  }
0x42: {  	_ =	swait.ge [sflag:s24], $0x280  }
0x43: {  	[sflag:s24] =	ssyncset.done $0x0  }
0x44: {  	s31 =	simm.s32 $0x848;
	[sflag:s24] =	ssyncadd.s32 $0xFFFFFD80  }
0x45: {  	[spmem:s1] =	stream.indirect.scatter.add.f32 [tilespmem:s19], [sflag:$0x6], $0x10, s31, s15, $0xb8;
	[tilespmem:$0x4330] =	vst v63  }
0x46: {  	_ =	swait.ge [sflag:s13], $0x280  }
0x47: {  	[sflag:s13] =	ssyncset.done $0x0  }
0x48: {  	[sflag:s13] =	ssyncadd.s32 $0xFFFFFD80  }
0x49: {  	_ =	swait.ge [sflag:s26], $0x280  }
0x4a: {  	[sflag:s26] =	ssyncset.done $0x0  }
0x4b: {  	s31 =	simm.s32 $0x870;
	[sflag:s26] =	ssyncadd.s32 $0xFFFFFD80  }
0x4c: {  	[spmem:s1] =	stream.indirect.scatter.add.f32 [tilespmem:s20], [sflag:$0x6], $0x10, s31, s15, $0xb8;
	[tilespmem:$0x4330] =	vst v63  }
0x4d: {  	_ =	swait.ge [sflag:s13], $0x280  }
0x4e: {  	s29 =	simm.s32 $0x320;
	s30 =	simm.s32 $0x640;
	[sflag:s13] =	ssyncset.done $0x0  }
.LBB2_3:
0x4f: {  	s31 =	sshra.s32 s29, $0x2  }
0x50: {  	[sflag:s13] =	ssyncadd.s32 $0xFFFFFD80;
	s29 =	smov.u32 s30;
	s0 =	sadd.s32 $0x320, s30  }
0x51: {  	[tilespmem:s16], [sflag:$0x1] =	stream.indirect.gather [hbm4b:s4+s15], $0x10, s31, s15, $0xb8;
	[tilespmem:$0x4330] =	vst v63  }
0x52: {  	p1 =	sne.s32 s30, $0x1C20;
	s30 =	sadd.s32 $0x28, s31  }
0x53: {  	[tilespmem:s17], [sflag:$0x2] =	stream.indirect.gather [hbm4b:s4+s15], $0x10, s30, s15, $0xb8;
	[tilespmem:$0x4330] =	vst v63  }
0x54: {  	s30 =	sadd.s32 $0x50, s31  }
0x55: {  	[tilespmem:s18], [sflag:$0x3] =	stream.indirect.gather [hbm4b:s4+s15], $0x10, s30, s15, $0xb8;
	[tilespmem:$0x4330] =	vst v63  }
0x56: {  	s30 =	sadd.s32 $0x78, s31  }
0x57: {  	[tilespmem:s19], [sflag:$0x4] =	stream.indirect.gather [hbm4b:s4+s15], $0x10, s30, s15, $0xb8;
	[tilespmem:$0x4330] =	vst v63  }
0x58: {  	s30 =	sadd.s32 $0xA0, s31  }
0x59: {  	[tilespmem:s20], [sflag:$0x5] =	stream.indirect.gather [hbm4b:s4+s15], $0x10, s30, s15, $0xb8;
	[tilespmem:$0x4330] =	vst v63  }
0x5a: {  	_ =	swait.ge [sflag:s21], $0x280  }
0x5b: {  	[sflag:s21] =	ssyncset.done $0x0  }
0x5c: {  	s30 =	sadd.s32 $0x7D0, s31;
	[sflag:s21] =	ssyncadd.s32 $0xFFFFFD80  }
0x5d: {  	[spmem:s1] =	stream.indirect.scatter.add.f32 [tilespmem:s16], [sflag:$0x6], $0x10, s30, s15, $0xb8;
	[tilespmem:$0x4330] =	vst v63  }
0x5e: {  	_ =	swait.ge [sflag:s13], $0x280  }
0x5f: {  	[sflag:s13] =	ssyncset.done $0x0  }
0x60: {  	[sflag:s13] =	ssyncadd.s32 $0xFFFFFD80  }
0x61: {  	_ =	swait.ge [sflag:s22], $0x280  }
0x62: {  	[sflag:s22] =	ssyncset.done $0x0  }
0x63: {  	s30 =	sadd.s32 $0x7F8, s31;
	[sflag:s22] =	ssyncadd.s32 $0xFFFFFD80  }
0x64: {  	[spmem:s1] =	stream.indirect.scatter.add.f32 [tilespmem:s17], [sflag:$0x6], $0x10, s30, s15, $0xb8;
	[tilespmem:$0x4330] =	vst v63  }
0x65: {  	_ =	swait.ge [sflag:s13], $0x280  }
0x66: {  	[sflag:s13] =	ssyncset.done $0x0  }
0x67: {  	[sflag:s13] =	ssyncadd.s32 $0xFFFFFD80  }
0x68: {  	_ =	swait.ge [sflag:s23], $0x280  }
0x69: {  	[sflag:s23] =	ssyncset.done $0x0  }
0x6a: {  	s30 =	sadd.s32 $0x820, s31;
	[sflag:s23] =	ssyncadd.s32 $0xFFFFFD80  }
0x6b: {  	[spmem:s1] =	stream.indirect.scatter.add.f32 [tilespmem:s18], [sflag:$0x6], $0x10, s30, s15, $0xb8;
	[tilespmem:$0x4330] =	vst v63  }
0x6c: {  	_ =	swait.ge [sflag:s13], $0x280  }
0x6d: {  	[sflag:s13] =	ssyncset.done $0x0  }
0x6e: {  	[sflag:s13] =	ssyncadd.s32 $0xFFFFFD80  }
0x6f: {  	_ =	swait.ge [sflag:s24], $0x280  }
0x70: {  	[sflag:s24] =	ssyncset.done $0x0  }
0x71: {  	s30 =	sadd.s32 $0x848, s31;
	[sflag:s24] =	ssyncadd.s32 $0xFFFFFD80  }
0x72: {  	[spmem:s1] =	stream.indirect.scatter.add.f32 [tilespmem:s19], [sflag:$0x6], $0x10, s30, s15, $0xb8;
	[tilespmem:$0x4330] =	vst v63  }
0x73: {  	_ =	swait.ge [sflag:s13], $0x280  }
0x74: {  	[sflag:s13] =	ssyncset.done $0x0  }
0x75: {  	[sflag:s13] =	ssyncadd.s32 $0xFFFFFD80  }
0x76: {  	_ =	swait.ge [sflag:s26], $0x280  }
.Ltmp0:
0x77: {  	[sflag:s26] =	ssyncset.done $0x0;
	(pc) =	sbr.rel @p1 .LBB2_3-.Ltmp0, $4  }
0x78: {  	s30 =	sadd.s32 $0x870, s31;
	[sflag:s26] =	ssyncadd.s32 $0xFFFFFD80  }
0x79: {  	[spmem:s1] =	stream.indirect.scatter.add.f32 [tilespmem:s20], [sflag:$0x6], $0x10, s30, s15, $0xb8;
	[tilespmem:$0x4330] =	vst v63  }
0x7a: {  	_ =	swait.ge [sflag:s13], $0x280  }
0x7b: {  	s30 =	smov.u32 s0;
	[sflag:s13] =	ssyncset.done $0x0  }
0x7c: {  	s0 =	sshra.s32 s29, $0x2;
	[sflag:s13] =	ssyncadd.s32 $0xFFFFFD80  }
0x7d: {  	[tilespmem:s16], [sflag:$0x1] =	stream.indirect.gather [hbm4b:s4+s15], $0x10, s0, s15, $0xb8;
	[tilespmem:$0x4330] =	vst v63  }
0x7e: {  	s29 =	sadd.s32 $0x28, s0  }
0x7f: {  	[tilespmem:s17], [sflag:$0x2] =	stream.indirect.gather [hbm4b:s4+s15], $0x10, s29, s15, $0xb8;
	[tilespmem:$0x4330] =	vst v63  }
0x80: {  	s31 =	sadd.s32 $0x50, s0  }
0x81: {  	[tilespmem:s18], [sflag:$0x3] =	stream.indirect.gather [hbm4b:s4+s15], $0x10, s31, s15, $0xb8;
	[tilespmem:$0x4330] =	vst v63  }
0x82: {  	s30 =	sadd.s32 $0x78, s0  }
0x83: {  	[tilespmem:s19], [sflag:$0x4] =	stream.indirect.gather [hbm4b:s4+s15], $0x10, s30, s15, $0xb8;
	[tilespmem:$0x4330] =	vst v63  }
0x84: {  	s31 =	sadd.s32 $0xA0, s0  }
0x85: {  	[tilespmem:s20], [sflag:$0x5] =	stream.indirect.gather [hbm4b:s4+s15], $0x10, s31, s15, $0xb8;
	[tilespmem:$0x4330] =	vst v63  }
0x86: {  	_ =	swait.ge [sflag:s21], $0x280  }
0x87: {  	[sflag:s21] =	ssyncset.done $0x0  }
0x88: {  	s30 =	sadd.s32 $0x7D0, s0;
	[sflag:s21] =	ssyncadd.s32 $0xFFFFFD80  }
0x89: {  	[spmem:s1] =	stream.indirect.scatter.add.f32 [tilespmem:s16], [sflag:$0x6], $0x10, s30, s15, $0xb8;
	[tilespmem:$0x4330] =	vst v63  }
0x8a: {  	_ =	swait.ge [sflag:s13], $0x280  }
0x8b: {  	[sflag:s13] =	ssyncset.done $0x0  }
0x8c: {  	[sflag:s13] =	ssyncadd.s32 $0xFFFFFD80  }
0x8d: {  	_ =	swait.ge [sflag:s22], $0x280  }
0x8e: {  	[sflag:s22] =	ssyncset.done $0x0  }
0x8f: {  	s31 =	sadd.s32 $0x7F8, s0;
	[sflag:s22] =	ssyncadd.s32 $0xFFFFFD80  }
0x90: {  	[spmem:s1] =	stream.indirect.scatter.add.f32 [tilespmem:s17], [sflag:$0x6], $0x10, s31, s15, $0xb8;
	[tilespmem:$0x4330] =	vst v63  }
0x91: {  	_ =	swait.ge [sflag:s13], $0x280  }
0x92: {  	[sflag:s13] =	ssyncset.done $0x0  }
0x93: {  	[sflag:s13] =	ssyncadd.s32 $0xFFFFFD80  }
0x94: {  	_ =	swait.ge [sflag:s23], $0x280  }
0x95: {  	[sflag:s23] =	ssyncset.done $0x0  }
0x96: {  	s30 =	sadd.s32 $0x820, s0;
	[sflag:s23] =	ssyncadd.s32 $0xFFFFFD80  }
0x97: {  	[spmem:s1] =	stream.indirect.scatter.add.f32 [tilespmem:s18], [sflag:$0x6], $0x10, s30, s15, $0xb8;
	[tilespmem:$0x4330] =	vst v63  }
0x98: {  	_ =	swait.ge [sflag:s13], $0x280  }
0x99: {  	[sflag:s13] =	ssyncset.done $0x0  }
0x9a: {  	[sflag:s13] =	ssyncadd.s32 $0xFFFFFD80  }
0x9b: {  	_ =	swait.ge [sflag:s24], $0x280  }
0x9c: {  	[sflag:s24] =	ssyncset.done $0x0  }
0x9d: {  	s31 =	sadd.s32 $0x848, s0;
	[sflag:s24] =	ssyncadd.s32 $0xFFFFFD80  }
0x9e: {  	[spmem:s1] =	stream.indirect.scatter.add.f32 [tilespmem:s19], [sflag:$0x6], $0x10, s31, s15, $0xb8;
	[tilespmem:$0x4330] =	vst v63  }
0x9f: {  	_ =	swait.ge [sflag:s13], $0x280  }
0xa0: {  	[sflag:s13] =	ssyncset.done $0x0  }
0xa1: {  	[sflag:s13] =	ssyncadd.s32 $0xFFFFFD80  }
0xa2: {  	s28 =	sadd.s32 $0x1, s28;
	_ =	swait.ge [sflag:s26], $0x280  }
0xa3: {  	p1 =	sne.s32 s28, $0x5;
	[sflag:s26] =	ssyncset.done $0x0  }
.Ltmp1:
0xa4: {  	s0 =	sadd.s32 $0x870, s0;
	[sflag:s26] =	ssyncadd.s32 $0xFFFFFD80;
	(pc) =	sbr.rel @p1 .LBB2_2-.Ltmp1, $4  }
0xa5: {  	[spmem:s1] =	stream.indirect.scatter.add.f32 [tilespmem:s20], [sflag:$0x6], $0x10, s0, s15, $0xb8;
	[tilespmem:$0x4330] =	vst v63  }
0xa6: {  	_ =	swait.ge [sflag:s13], $0x280  }
0xa7: {  	[sflag:s13] =	ssyncset.done $0x0  }
0xa8: {  	[sflag:s13] =	ssyncadd.s32 $0xFFFFFD80  }
0xa9: {  	s3 =	sadd.s32 $0x1, s3  }
0xaa: {  	p1 =	sne.s32 s3, s10  }
.Ltmp2:
0xab: {  	[bflag:$0x0] =	sbarrier.arrive $0xFFFF;
	s0 =	simm.s32 @!p0 $0x6;
	(pc) =	sbr.rel @p1 .LBB2_1-.Ltmp2, $4  }
0xac: {  	[hbm:s9], [sflag:s11] =	dma.local @!p0 [spmem:s25], $0x7D0  }
0xad: {  	_ =	swait.ge @!p0 [sflag:s0], $0x7D0  }
0xae: {  	[sflag:s0] =	ssyncset.done @!p0 $0x0  }
0xaf: {  	[sflag:s0] =	ssyncadd.s32 @!p0 $0xFFFFF830  }
0xb0: {  	_ =	sfence.sel $0x180000  }
0xb1: {  	[bflag:$0x0] =	sbarrier.arrive $0xFFFF  }
0xb2: {  	_ =	strace $0x9000004D  }
0xb3: {  	[bflag:$0x2] =	sbarrier.arrive $0xFFFF  }
0xb4: {  	p0 =	sne.s32 s2, $0x0;
	s0 =	rddreg [dreg:$0x3]  }
0xb5: {  	s0 =	sadd.s32 @!p0 $0x100000, s0  }
0xb6: {  	[sflag:s0] =	ssyncadd.tile.s32 @!p0 $0x1;
	_ =	shalt  }
.Lfunc_end2:
_tile_overlayer_lowered:
.L_overlay_start_2:
0xb7: {  	(tag) =	ssettag $0x2  }
0xb8: {  	s0 =	rddreg [dreg:$0x0];
	s2 =	stileid.u32  }
0xb9: {  	s1 =	rddreg [dreg:$0x1];
	p0 =	sne.s32 s2, $0x0  }
0xba: {  	s3 =	rddreg [dreg:$0x2];
	[bflag:$0x3] =	sbarrier.arrive $0xFFFF;
	s2 =	simm.s32 @!p0 $0x1C06  }
0xbb: {  	[timem:s3], [sflag:s2] =	dma.local @!p0 [hbm:s0], s1  }
0xbc: {  	s0 =	simm.s32 @!p0 $0x6  }
0xbd: {  	_ =	swait.ge @!p0 [sflag:s0], s1  }
0xbe: {  	s1 =	ssub.s32 @!p0 $0x0, s1;
	[sflag:s0] =	ssyncset.done @!p0 $0x0  }
0xbf: {  	[sflag:s0] =	ssyncadd.s32 @!p0 s1  }
0xc0: {  	[bflag:$0x3] =	sbarrier.arrive $0xFFFF  }
0xc1: {  	_ =	shalt  }

// kernel: kernel.20.cloned.1.call-start
scs
__scs_entry_jumppad:
0x0: {  	(pc) =	sbr.rel $0x88, $3  }
0x1: {  	(tag) =	ssettag $0x0;
	lr =	simm.s32 $0x1  }
0x2: {  	[smem:$0x3F9D] =	sst lr;
	_ =	strace $0xD0000000  }
0x3: {  	_ = 	snop  }
0x4: {  	_ = 	snop  }
0x5: {  	_ = 	snop  }
0x6: {  	_ = 	snop  }
0x7: {  	_ = 	snop  }
__scs_overlays_trampoline_lowered:
0x8: {  	[smem:$0x3FAC] =	sst s0  }
0x9: {  	[smem:$0x3FAD] =	sst s1  }
0xa: {  	[smem:$0x3FAE] =	sst s2  }
0xb: {  	[smem:$0x3FAF] =	sst s3  }
0xc: {  	[smem:$0x3FB0] =	sst s4  }
0xd: {  	[smem:$0x3FB1] =	sst s5  }
0xe: {  	[smem:$0x3FB2] =	sst s6  }
0xf: {  	[smem:$0x3FB3] =	sst s7  }
0x10: {  	[smem:$0x3FB4] =	sst s8  }
0x11: {  	[smem:$0x3FB5] =	sst s9;
	s0 =	simm.s32 @!p0 $0x0  }
0x12: {  	s1 =	sld [smem:$0x3F9B];
	s0 =	simm.s32 @p0 $0x1  }
0x13: {  	[smem:$0x3FB6] =	sst s0;
	s0 =	simm.s32 @!p1 $0x0  }
0x14: {  	s2 =	sld [smem:$0x3F9A];
	s0 =	simm.s32 @p1 $0x1  }
0x15: {  	[smem:$0x3FB7] =	sst s0;
	s0 =	simm.s32 @!p2 $0x0  }
0x16: {  	s3 =	sld [smem:$0x3FDB];
	s0 =	simm.s32 @p2 $0x1  }
0x17: {  	s4 =	simm.s32 $0x1BF5;
	[smem:$0x3FB9] =	sst s0  }
0x18: {  	s0 =	sld [smem:$0x3F9C];
	_ =	swait.ge [sflag:s4], $0x0  }
0x19: {  	s7 =	sld [smem:$0x3F9D]  }
0x1a: {  	s8 =	sadd.s32 $0xFFFFE003, lr  }
0x1b: {  	s9 =	sadd.s32 $0xFFFFFEF7, lr;
	s5 =	simm.s32 $0xFFFFFFFF;
	p2 =	slt.u32 s8, $0xFFFFF086  }
0x1c: {  	p1 =	slt.u32 s9, $0xF7A;
	s5 =	simm.s32 @!p2 $0x0  }
0x1d: {  	s5 =	simm.s32 @p1 $0x1;
	p0 =	seq.s32 s7, s2  }
0x1e: {  	s7 =	smul.u32 @!p0 $0xF7A, s2;
	p2 =	seq.s32 @!p0 s5, $0x0  }
0x1f: {  	s9 =	smul.u32 $0xF7A, s1;
	s8 =	simm.s32 @!p0 $0x1BF5;
	p2 =	por !p2, p0  }
0x20: {  	[sflag:s8] =	ssyncset.s32 @!p0 $0xFFFFF086;
	s6 =	sadd.s32 @!p0 s3, s7;
	s7 =	simm.s32 @!p0 $0x108  }
0x21: {  	s3 =	sadd.s32 s3, s9;
	s6 =	sadd.s32 @!p0 $0x88, s6;
	s7 =	simm.s32 @p2 $0x1082  }
0x22: {  	[simem:s7], [sflag:s8] =	dma.local @!p0 [hbm:s6], $0xF7A  }
0x23: {  	s9 =	sor.u32 $0xD0000000, s2;
	s6 =	simm.s32 $0x108;
	_ =	swait.ge @!p0 [sflag:s8], $0x0  }
0x24: {  	s3 =	sadd.s32 $0x88, s3;
	s6 =	simm.s32 @!p1 $0x1082;
	[sflag:s4] =	ssyncset.s32 $0xFFFFF086  }
0x25: {  	[simem:s6], [sflag:s4] =	dma.local [hbm:s3], $0xF7A  }
0x26: {  	[smem:$0x3F9D] =	sst s1;
	(tag) =	ssettag s2;
	_ =	strace s9  }
0x27: {  	s1 =	sld [smem:$0x3FAD]  }
0x28: {  	s2 =	sld [smem:$0x3FAE]  }
0x29: {  	s4 =	sld [smem:$0x3FB0]  }
0x2a: {  	p0 =	seq.s32 s5, $0x0;
	s5 =	sld [smem:$0x3FB1]  }
0x2b: {  	s6 =	sld [smem:$0x3FB2]  }
0x2c: {  	s7 =	sld [smem:$0x3FB3]  }
0x2d: {  	s3 =	simm.s32 $0x108;
	s8 =	sld [smem:$0x3FB4]  }
0x2e: {  	s3 =	simm.s32 @!p0 $0x1082;
	s9 =	sld [smem:$0x3FB5]  }
0x2f: {  	lr =	sadd.s32 s0, s3;
	s0 =	sld [smem:$0x3FAC]  }
0x30: {  	s3 =	sld [smem:$0x3FAF]  }
0x31: {  	[smem:$0x3FB8] =	sst s10  }
0x32: {  	s10 =	sld [smem:$0x3FB6];
	_ =	sdelay $0x3  }
0x33: {  	p0 =	seq.s32 s10, $0x1;
	s10 =	sld [smem:$0x3FB8];
	_ =	sdelay $0x3  }
0x34: {  	[smem:$0x3FB8] =	sst s10  }
0x35: {  	s10 =	sld [smem:$0x3FB7];
	_ =	sdelay $0x3  }
0x36: {  	p1 =	seq.s32 s10, $0x1;
	s10 =	sld [smem:$0x3FB8];
	_ =	sdelay $0x3  }
0x37: {  	[smem:$0x3FB8] =	sst s10  }
0x38: {  	s10 =	sld [smem:$0x3FB9]  }
0x39: {  	_ = 	snop;
	(pc) =	sbr.ind lr, $3  }
0x3a: {  	_ = 	snop  }
0x3b: {  	_ = 	snop  }
0x3c: {  	p2 =	seq.s32 s10, $0x1;
	s10 =	sld [smem:$0x3FB8]  }
0x3d: {  	_ =	shalt  }
0x3e: {  	_ =	shalt  }
0x3f: {  	_ =	shalt  }
0x40: {  	_ =	shalt  }
0x41: {  	_ =	shalt  }
0x42: {  	_ =	shalt  }
0x43: {  	_ =	shalt  }
0x44: {  	_ =	shalt  }
0x45: {  	_ =	shalt  }
0x46: {  	_ =	shalt  }
0x47: {  	_ =	shalt  }
0x48: {  	_ =	shalt  }
0x49: {  	_ =	shalt  }
0x4a: {  	_ =	shalt  }
0x4b: {  	_ =	shalt  }
0x4c: {  	_ =	shalt  }
0x4d: {  	_ =	shalt  }
0x4e: {  	_ =	shalt  }
0x4f: {  	_ =	shalt  }
0x50: {  	_ =	shalt  }
0x51: {  	_ =	shalt  }
0x52: {  	_ =	shalt  }
0x53: {  	_ =	shalt  }
0x54: {  	_ =	shalt  }
0x55: {  	_ =	shalt  }
0x56: {  	_ =	shalt  }
0x57: {  	_ =	shalt  }
0x58: {  	_ =	shalt  }
0x59: {  	_ =	shalt  }
0x5a: {  	_ =	shalt  }
0x5b: {  	_ =	shalt  }
0x5c: {  	_ =	shalt  }
0x5d: {  	_ =	shalt  }
0x5e: {  	_ =	shalt  }
0x5f: {  	_ =	shalt  }
0x60: {  	_ =	shalt  }
0x61: {  	_ =	shalt  }
0x62: {  	_ =	shalt  }
0x63: {  	_ =	shalt  }
0x64: {  	_ =	shalt  }
0x65: {  	_ =	shalt  }
0x66: {  	_ =	shalt  }
0x67: {  	_ =	shalt  }
0x68: {  	_ =	shalt  }
0x69: {  	_ =	shalt  }
0x6a: {  	_ =	shalt  }
0x6b: {  	_ =	shalt  }
0x6c: {  	_ =	shalt  }
0x6d: {  	_ =	shalt  }
0x6e: {  	_ =	shalt  }
0x6f: {  	_ =	shalt  }
0x70: {  	_ =	shalt  }
0x71: {  	_ =	shalt  }
0x72: {  	_ =	shalt  }
0x73: {  	_ =	shalt  }
0x74: {  	_ =	shalt  }
0x75: {  	_ =	shalt  }
0x76: {  	_ =	shalt  }
0x77: {  	_ =	shalt  }
0x78: {  	_ =	shalt  }
0x79: {  	_ =	shalt  }
0x7a: {  	_ =	shalt  }
0x7b: {  	_ =	shalt  }
0x7c: {  	_ =	shalt  }
0x7d: {  	_ =	shalt  }
0x7e: {  	_ =	shalt  }
0x7f: {  	_ =	shalt  }
0x80: {  	_ =	shalt  }
0x81: {  	_ =	shalt  }
0x82: {  	_ =	shalt  }
0x83: {  	_ =	shalt  }
0x84: {  	_ =	shalt  }
0x85: {  	_ =	shalt  }
0x86: {  	_ =	shalt  }
0x87: {  	_ =	shalt  }
.Lfunc_end0:
.L_simem_size_0:
called_computation.3_lowered:
.L_overlay_start_0:
0x88: {  	s2 =	sld [smem:$0x3FD9]  }
0x89: {  	s3 =	sld [smem:$0x3FFE];
	_ =	sdelay $0x1  }
0x8a: {  	s1 =	srdreg.scid  }
0x8b: {  	s0 =	sand.u32 $0x1, s1  }
0x8c: {  	s17 =	sshll.u32 s0, $0xA;
	s2 =	sadd.s32 s3, s2  }
0x8d: {  	s2 =	sadd.s32 s2, s17  }
0x8e: {  	[smem:$0x3FC4] =	sst s2  }
0x8f: {  	_ = 	snop  }
0x90: {  	s2 =	sld [smem:$0x3FD0];
	(tm) =	ssettm $0x1  }
0x91: {  	s18 =	sld [smem:$0x3FFB];
	_ =	sdelay $0x3  }
0x92: {  	_ =	strace s18  }
0x93: {  	s3 =	sld [smem:$0x3FFC];
	_ =	sdelay $0x3  }
0x94: {  	_ =	strace s3  }
0x95: {  	s3 =	sld [smem:$0x3FFD];
	_ =	sdelay $0x3  }
0x96: {  	_ =	strace s3  }
0x97: {  	_ =	strace $0x8FFFFFFF  }
0x98: {  	s19 =	sld [smem:$0x3FDB];
	_ =	sdelay $0x1  }
0x99: {  	s4 =	simm.s32 $_scs_section_size  }
0x9a: {  	s5 =	simm.s32 $_size__tile_overlayer_lowered;
	s6 =	simm.s32 $_tile_overlayer_lowered  }
0x9b: {  	s22 =	simm.s32 $0x1BFF;
	s21 =	sshll.u32 s6, $0x1;
	s3 =	sadd.s32 s4, s19  }
0x9c: {  	s7 =	simm.s32 $0x0;
	s20 =	sshll.u32 s5, $0x1;
	s5 =	sadd.s32 s21, s3  }
0x9d: {  	[timem:s7], [sflag:s22] =	dma.local [hbm:s5], s20  }
0x9e: {  	_ =	swait.ge [sflag:s22], s20  }
0x9f: {  	s4 =	ssub.s32 $0x0, s20;
	[sflag:s22] =	ssyncset.done $0x0  }
0xa0: {  	[sflag:s22] =	ssyncadd.s32 s4;
	_ =	sdelay $0x1  }
0xa1: {  	s23 =	simm.s32 $0x1B8B  }
0xa2: {  	_ =	swait.ge [sflag:s23], $0x1  }
0xa3: {  	[sflag:s23] =	ssyncset.done $0x0  }
0xa4: {  	s25 =	simm.s32 $0x1B8E;
	s24 =	sld [smem:$0x3FFE];
	[sflag:s23] =	ssyncadd.s32 $0xFFFFFFFF  }
0xa5: {  	s26 =	simm.s32 $execute0_lowered;
	[smem:$0x3FD2] =	sst s25  }
0xa6: {  	s5 =	sshll.u32 s26, $0x1;
	_ =	strace $0x8000004F;
	[dreg:$0x1] =	wrdreg $0xFFFFFFFF  }
0xa7: {  	s28 =	simm.s32 $_size_execute0_lowered;
	s3 =	sadd.s32 s3, s5;
	[dreg:$0x0] =	wrdreg $0x0  }
0xa8: {  	s5 =	sshll.u32 s28, $0x1;
	[dreg:$0x2] =	wrdreg s3  }
0xa9: {  	[dreg:$0x3] =	wrdreg s5  }
0xaa: {  	[dreg:$0x4] =	wrdreg $0xC0  }
0xab: {  	_ =	task [dreg:s7], $0x5FFFF  }
0xac: {  	[dreg:$0x1] =	wrdreg $0xFFFFFFFF  }
0xad: {  	[dreg:$0x0] =	wrdreg $0x60  }
0xae: {  	[dreg:$0x2] =	wrdreg s2  }
0xaf: {  	[dreg:$0x3] =	wrdreg s24  }
0xb0: {  	[dreg:$0x4] =	wrdreg $0x73A00  }
0xb1: {  	[dreg:$0x5] =	wrdreg $0x9  }
0xb2: {  	_ =	task.clear_ibuf [dreg:s7], $0x6FFFF;
	_ =	strace $0x9000004F  }
0xb3: {  	s29 =	simm.s32 $0x9;
	_ =	strace $0x80000051  }
0xb4: {  	_ =	swait.ge [sflag:s29], $0x1  }
0xb5: {  	[sflag:s29] =	ssyncadd.s32 $0xFFFFFFFF  }
0xb6: {  	_ =	strace $0x90000051  }
0xb7: {  	_ =	sfence  }
0xb8: {  	s30 =	sld [smem:$0x0];
	_ =	sdelay $0x2  }
0xb9: {  	s31 =	sshll.u32 s1, $0xD;
	s1 =	sshrl.u32 s1, $0x2  }
0xba: {  	s3 =	sand.u32 $0x4000, s31;
	s1 =	sadd.s32 s1, s30  }
0xbb: {  	s0 =	sor.u32 s3, s0;
	s1 =	sshll.u32 s1, $0x11  }
0xbc: {  	s0 =	sor.u32 s1, s0  }
0xbd: {  	s0 =	sadd.s32 $0x8F2B, s0  }
0xbe: {  	[sflag:s0] =	ssyncadd.remote.s32 $0x1  }
0xbf: {  	_ =	sfence.sel $0xFFFF  }
0xc0: {  	[dreg:$0x0] =	wrdreg $0xFFFFFFFF;
	(pc) =	sbr.abs _section_cstart, $3  }
0xc1: {  	[dreg:$0x1] =	wrdreg $0xFFFFFFFF  }
0xc2: {  	_ =	task.clear_ibuf [dreg:s7], $0x2FFFF;
	_ =	strace $0x9FFFFFFF  }
0xc3: {  	(tm) =	ssettm $0x7FFFFFFF  }
tec
execute0_lowered:
.L_overlay_start_1:
0x0: {  	(tag) =	ssettag $0x1  }
0x1: {  	s1 =	rddreg [dreg:$0x0]  }
0x2: {  	s0 =	rddreg [dreg:$0x1]  }
0x3: {  	s2 =	rddreg [dreg:$0x2];
	s3 =	srdreg.scid;
	s4 =	simm.s32 $0x0  }
0x4: {  	s14 =	simm.s32 $0x7D0;
	s15 =	simm.s32 $0x28;
	s16 =	simm.s32 $0xFA0  }
0x5: {  	s17 =	simm.s32 $0x23A0;
	s18 =	simm.s32 $0x37A0;
	s19 =	simm.s32 $0x4BA0  }
0x6: {  	s20 =	simm.s32 $0x5FA0;
	s21 =	simm.s32 $0x1;
	s22 =	simm.s32 $0x2  }
0x7: {  	s23 =	simm.s32 $0x3;
	s24 =	simm.s32 $0x4;
	s26 =	simm.s32 $0x5  }
0x8: {  	s8 =	sand.u32 $0x1, s3;
	s3 =	stileid.u32;
	[smem:$0x7FF] =	sst s4  }
0x9: {  	s5 =	sadd.s32 $0xC000, s0;
	s6 =	sadd.s32 $0x2200, s0;
	s7 =	smul.u32 $0x138800, s8  }
0xa: {  	s10 =	smul.u32 $0x1F400, s3;
	_ =	strace $0x80000050;
	s11 =	ssub.s32 $0x2, s8  }
0xb: {  	s12 =	smul.u32 $0x7D000, s3;
	s31 =	sshll.u32 s3, $0x1;
	p0 =	sgt.u32 s3, $0x9  }
0xc: {  	s29 =	sshrl.u32 s11, $0x1;
	s8 =	sor.u32 s8, s31;
	s7 =	sadd.s32 s10, s7  }
0xd: {  	s11 =	ssub.s32 s11, s29;
	s30 =	sshrl.u32 s12, $0x2;
	s8 =	smul.u32 $0x2710, s8  }
0xe: {  	s25 =	sadd.s32 s10, s2;
	s9 =	sshrl.u32 s7, $0x3;
	s7 =	sadd.s32 $0x15E00, s0  }
0xf: {  	s13 =	sadd.s32 s30, s2;
	s10 =	smax.u32 s11, $0x1;
	s0 =	sadd.s32 s9, s0  }
0x10: {  	s25 =	sshrl.u32 @!p0 s25, $0x3;
	s9 =	sadd.s32 $0x19E00, s0;
	s0 =	sshll.u32 @!p0 s3, $0x6  }
0x11: {  	s12 =	sshrl.u32 @!p0 s13, $0x3;
	s13 =	simm.s32 $0x6;
	s11 =	sor.u32 @!p0 $0x1C06, s0  }
.LBB2_1:
0x12: {  	[spmem:s12], [sflag:s11] =	dma.local @!p0 [hbm:s7], $0x3E80  }
0x13: {  	s0 =	simm.s32 @!p0 $0x6  }
0x14: {  	_ =	swait.ge @!p0 [sflag:s0], $0x3E80  }
0x15: {  	[sflag:s0] =	ssyncset.done @!p0 $0x0  }
0x16: {  	[sflag:s0] =	ssyncadd.s32 @!p0 $0xFFFFC180  }
0x17: {  	s28 =	simm.s32 $0x0;
	[bflag:$0x0] =	sbarrier.arrive $0xFFFF  }
.LBB2_2:
0x18: {  	s0 =	smul.u32 $0x7D0, s28;
	_ =	sdelay $0x1  }
0x19: {  	s0 =	sadd.s32 s8, s0  }
0x1a: {  	s0 =	sshrl.u32 s0, $0x3  }
0x1b: {  	s30 =	simm.s32 $0x0;
	s29 =	sadd.s32 s5, s0  }
0x1c: {  	[tilespmem:s30], [sflag:$0x6] =	stream.linear.gather [hbm4b:s29+s30], $0x7D0, $0x38;
	[tilespmem:$0x1AC20] =	vst v63  }
0x1d: {  	_ =	swait.ge [sflag:s13], $0x7D0  }
0x1e: {  	[sflag:s13] =	ssyncset.done $0x0  }
0x1f: {  	s0 =	sadd.s32 s6, s0;
	[sflag:s13] =	ssyncadd.s32 $0xFFFFF830  }
0x20: {  	[tilespmem:s14], [sflag:$0x6] =	stream.linear.gather [hbm4b:s0+s30], $0x7D0, $0x38;
	[tilespmem:$0x1AC20] =	vst v63  }
0x21: {  	_ =	swait.ge [sflag:s13], $0x7D0  }
0x22: {  	[sflag:s13] =	ssyncset.done $0x0  }
0x23: {  	s31 =	simm.s32 $0x0;
	[sflag:s13] =	ssyncadd.s32 $0xFFFFF830  }
0x24: {  	[tilespmem:s16], [sflag:$0x1] =	stream.indirect.gather [hbm4b:s1+s15], $0x80, s31, s15, $0xb8;
	[tilespmem:$0x1AC20] =	vst v63  }
0x25: {  	s31 =	simm.s32 $0x28  }
0x26: {  	[tilespmem:s17], [sflag:$0x2] =	stream.indirect.gather [hbm4b:s1+s15], $0x80, s31, s15, $0xb8;
	[tilespmem:$0x1AC20] =	vst v63  }
0x27: {  	s31 =	simm.s32 $0x50  }
0x28: {  	[tilespmem:s18], [sflag:$0x3] =	stream.indirect.gather [hbm4b:s1+s15], $0x80, s31, s15, $0xb8;
	[tilespmem:$0x1AC20] =	vst v63  }
0x29: {  	s31 =	simm.s32 $0x78  }
0x2a: {  	[tilespmem:s19], [sflag:$0x4] =	stream.indirect.gather [hbm4b:s1+s15], $0x80, s31, s15, $0xb8;
	[tilespmem:$0x1AC20] =	vst v63  }
0x2b: {  	s31 =	simm.s32 $0xA0  }
0x2c: {  	[tilespmem:s20], [sflag:$0x5] =	stream.indirect.gather [hbm4b:s1+s15], $0x80, s31, s15, $0xb8;
	[tilespmem:$0x1AC20] =	vst v63  }
0x2d: {  	_ =	swait.ge [sflag:s21], $0x1400  }
0x2e: {  	[sflag:s21] =	ssyncset.done $0x0  }
0x2f: {  	s31 =	simm.s32 $0x7D0;
	[sflag:s21] =	ssyncadd.s32 $0xFFFFEC00  }
0x30: {  	[spmem:s2] =	stream.indirect.scatter.add.f32 [tilespmem:s16], [sflag:$0x6], $0x80, s31, s15, $0xb8;
	[tilespmem:$0x1AC20] =	vst v63  }
0x31: {  	_ =	swait.ge [sflag:s13], $0x1400  }
0x32: {  	[sflag:s13] =	ssyncset.done $0x0  }
0x33: {  	[sflag:s13] =	ssyncadd.s32 $0xFFFFEC00  }
0x34: {  	_ =	swait.ge [sflag:s22], $0x1400  }
0x35: {  	[sflag:s22] =	ssyncset.done $0x0  }
0x36: {  	s31 =	simm.s32 $0x7F8;
	[sflag:s22] =	ssyncadd.s32 $0xFFFFEC00  }
0x37: {  	[spmem:s2] =	stream.indirect.scatter.add.f32 [tilespmem:s17], [sflag:$0x6], $0x80, s31, s15, $0xb8;
	[tilespmem:$0x1AC20] =	vst v63  }
0x38: {  	_ =	swait.ge [sflag:s13], $0x1400  }
0x39: {  	[sflag:s13] =	ssyncset.done $0x0  }
0x3a: {  	[sflag:s13] =	ssyncadd.s32 $0xFFFFEC00  }
0x3b: {  	_ =	swait.ge [sflag:s23], $0x1400  }
0x3c: {  	[sflag:s23] =	ssyncset.done $0x0  }
0x3d: {  	s31 =	simm.s32 $0x820;
	[sflag:s23] =	ssyncadd.s32 $0xFFFFEC00  }
0x3e: {  	[spmem:s2] =	stream.indirect.scatter.add.f32 [tilespmem:s18], [sflag:$0x6], $0x80, s31, s15, $0xb8;
	[tilespmem:$0x1AC20] =	vst v63  }
0x3f: {  	_ =	swait.ge [sflag:s13], $0x1400  }
0x40: {  	[sflag:s13] =	ssyncset.done $0x0  }
0x41: {  	[sflag:s13] =	ssyncadd.s32 $0xFFFFEC00  }
0x42: {  	_ =	swait.ge [sflag:s24], $0x1400  }
0x43: {  	[sflag:s24] =	ssyncset.done $0x0  }
0x44: {  	s31 =	simm.s32 $0x848;
	[sflag:s24] =	ssyncadd.s32 $0xFFFFEC00  }
0x45: {  	[spmem:s2] =	stream.indirect.scatter.add.f32 [tilespmem:s19], [sflag:$0x6], $0x80, s31, s15, $0xb8;
	[tilespmem:$0x1AC20] =	vst v63  }
0x46: {  	_ =	swait.ge [sflag:s13], $0x1400  }
0x47: {  	[sflag:s13] =	ssyncset.done $0x0  }
0x48: {  	[sflag:s13] =	ssyncadd.s32 $0xFFFFEC00  }
0x49: {  	_ =	swait.ge [sflag:s26], $0x1400  }
0x4a: {  	[sflag:s26] =	ssyncset.done $0x0  }
0x4b: {  	s31 =	simm.s32 $0x870;
	[sflag:s26] =	ssyncadd.s32 $0xFFFFEC00  }
0x4c: {  	[spmem:s2] =	stream.indirect.scatter.add.f32 [tilespmem:s20], [sflag:$0x6], $0x80, s31, s15, $0xb8;
	[tilespmem:$0x1AC20] =	vst v63  }
0x4d: {  	_ =	swait.ge [sflag:s13], $0x1400  }
0x4e: {  	s29 =	simm.s32 $0x320;
	s30 =	simm.s32 $0x640;
	[sflag:s13] =	ssyncset.done $0x0  }
.LBB2_3:
0x4f: {  	s31 =	sshra.s32 s29, $0x2  }
0x50: {  	[sflag:s13] =	ssyncadd.s32 $0xFFFFEC00;
	s29 =	smov.u32 s30;
	s0 =	sadd.s32 $0x320, s30  }
0x51: {  	[tilespmem:s16], [sflag:$0x1] =	stream.indirect.gather [hbm4b:s1+s15], $0x80, s31, s15, $0xb8;
	[tilespmem:$0x1AC20] =	vst v63  }
0x52: {  	p1 =	sne.s32 s30, $0x1C20;
	s30 =	sadd.s32 $0x28, s31  }
0x53: {  	[tilespmem:s17], [sflag:$0x2] =	stream.indirect.gather [hbm4b:s1+s15], $0x80, s30, s15, $0xb8;
	[tilespmem:$0x1AC20] =	vst v63  }
0x54: {  	s30 =	sadd.s32 $0x50, s31  }
0x55: {  	[tilespmem:s18], [sflag:$0x3] =	stream.indirect.gather [hbm4b:s1+s15], $0x80, s30, s15, $0xb8;
	[tilespmem:$0x1AC20] =	vst v63  }
0x56: {  	s30 =	sadd.s32 $0x78, s31  }
0x57: {  	[tilespmem:s19], [sflag:$0x4] =	stream.indirect.gather [hbm4b:s1+s15], $0x80, s30, s15, $0xb8;
	[tilespmem:$0x1AC20] =	vst v63  }
0x58: {  	s30 =	sadd.s32 $0xA0, s31  }
0x59: {  	[tilespmem:s20], [sflag:$0x5] =	stream.indirect.gather [hbm4b:s1+s15], $0x80, s30, s15, $0xb8;
	[tilespmem:$0x1AC20] =	vst v63  }
0x5a: {  	_ =	swait.ge [sflag:s21], $0x1400  }
0x5b: {  	[sflag:s21] =	ssyncset.done $0x0  }
0x5c: {  	s30 =	sadd.s32 $0x7D0, s31;
	[sflag:s21] =	ssyncadd.s32 $0xFFFFEC00  }
0x5d: {  	[spmem:s2] =	stream.indirect.scatter.add.f32 [tilespmem:s16], [sflag:$0x6], $0x80, s30, s15, $0xb8;
	[tilespmem:$0x1AC20] =	vst v63  }
0x5e: {  	_ =	swait.ge [sflag:s13], $0x1400  }
0x5f: {  	[sflag:s13] =	ssyncset.done $0x0  }
0x60: {  	[sflag:s13] =	ssyncadd.s32 $0xFFFFEC00  }
0x61: {  	_ =	swait.ge [sflag:s22], $0x1400  }
0x62: {  	[sflag:s22] =	ssyncset.done $0x0  }
0x63: {  	s30 =	sadd.s32 $0x7F8, s31;
	[sflag:s22] =	ssyncadd.s32 $0xFFFFEC00  }
0x64: {  	[spmem:s2] =	stream.indirect.scatter.add.f32 [tilespmem:s17], [sflag:$0x6], $0x80, s30, s15, $0xb8;
	[tilespmem:$0x1AC20] =	vst v63  }
0x65: {  	_ =	swait.ge [sflag:s13], $0x1400  }
0x66: {  	[sflag:s13] =	ssyncset.done $0x0  }
0x67: {  	[sflag:s13] =	ssyncadd.s32 $0xFFFFEC00  }
0x68: {  	_ =	swait.ge [sflag:s23], $0x1400  }
0x69: {  	[sflag:s23] =	ssyncset.done $0x0  }
0x6a: {  	s30 =	sadd.s32 $0x820, s31;
	[sflag:s23] =	ssyncadd.s32 $0xFFFFEC00  }
0x6b: {  	[spmem:s2] =	stream.indirect.scatter.add.f32 [tilespmem:s18], [sflag:$0x6], $0x80, s30, s15, $0xb8;
	[tilespmem:$0x1AC20] =	vst v63  }
0x6c: {  	_ =	swait.ge [sflag:s13], $0x1400  }
0x6d: {  	[sflag:s13] =	ssyncset.done $0x0  }
0x6e: {  	[sflag:s13] =	ssyncadd.s32 $0xFFFFEC00  }
0x6f: {  	_ =	swait.ge [sflag:s24], $0x1400  }
0x70: {  	[sflag:s24] =	ssyncset.done $0x0  }
0x71: {  	s30 =	sadd.s32 $0x848, s31;
	[sflag:s24] =	ssyncadd.s32 $0xFFFFEC00  }
0x72: {  	[spmem:s2] =	stream.indirect.scatter.add.f32 [tilespmem:s19], [sflag:$0x6], $0x80, s30, s15, $0xb8;
	[tilespmem:$0x1AC20] =	vst v63  }
0x73: {  	_ =	swait.ge [sflag:s13], $0x1400  }
0x74: {  	[sflag:s13] =	ssyncset.done $0x0  }
0x75: {  	[sflag:s13] =	ssyncadd.s32 $0xFFFFEC00  }
0x76: {  	_ =	swait.ge [sflag:s26], $0x1400  }
.Ltmp0:
0x77: {  	[sflag:s26] =	ssyncset.done $0x0;
	(pc) =	sbr.rel @p1 .LBB2_3-.Ltmp0, $4  }
0x78: {  	s30 =	sadd.s32 $0x870, s31;
	[sflag:s26] =	ssyncadd.s32 $0xFFFFEC00  }
0x79: {  	[spmem:s2] =	stream.indirect.scatter.add.f32 [tilespmem:s20], [sflag:$0x6], $0x80, s30, s15, $0xb8;
	[tilespmem:$0x1AC20] =	vst v63  }
0x7a: {  	_ =	swait.ge [sflag:s13], $0x1400  }
0x7b: {  	s30 =	smov.u32 s0;
	[sflag:s13] =	ssyncset.done $0x0  }
0x7c: {  	s0 =	sshra.s32 s29, $0x2;
	[sflag:s13] =	ssyncadd.s32 $0xFFFFEC00  }
0x7d: {  	[tilespmem:s16], [sflag:$0x1] =	stream.indirect.gather [hbm4b:s1+s15], $0x80, s0, s15, $0xb8;
	[tilespmem:$0x1AC20] =	vst v63  }
0x7e: {  	s29 =	sadd.s32 $0x28, s0  }
0x7f: {  	[tilespmem:s17], [sflag:$0x2] =	stream.indirect.gather [hbm4b:s1+s15], $0x80, s29, s15, $0xb8;
	[tilespmem:$0x1AC20] =	vst v63  }
0x80: {  	s31 =	sadd.s32 $0x50, s0  }
0x81: {  	[tilespmem:s18], [sflag:$0x3] =	stream.indirect.gather [hbm4b:s1+s15], $0x80, s31, s15, $0xb8;
	[tilespmem:$0x1AC20] =	vst v63  }
0x82: {  	s30 =	sadd.s32 $0x78, s0  }
0x83: {  	[tilespmem:s19], [sflag:$0x4] =	stream.indirect.gather [hbm4b:s1+s15], $0x80, s30, s15, $0xb8;
	[tilespmem:$0x1AC20] =	vst v63  }
0x84: {  	s31 =	sadd.s32 $0xA0, s0  }
0x85: {  	[tilespmem:s20], [sflag:$0x5] =	stream.indirect.gather [hbm4b:s1+s15], $0x80, s31, s15, $0xb8;
	[tilespmem:$0x1AC20] =	vst v63  }
0x86: {  	_ =	swait.ge [sflag:s21], $0x1400  }
0x87: {  	[sflag:s21] =	ssyncset.done $0x0  }
0x88: {  	s30 =	sadd.s32 $0x7D0, s0;
	[sflag:s21] =	ssyncadd.s32 $0xFFFFEC00  }
0x89: {  	[spmem:s2] =	stream.indirect.scatter.add.f32 [tilespmem:s16], [sflag:$0x6], $0x80, s30, s15, $0xb8;
	[tilespmem:$0x1AC20] =	vst v63  }
0x8a: {  	_ =	swait.ge [sflag:s13], $0x1400  }
0x8b: {  	[sflag:s13] =	ssyncset.done $0x0  }
0x8c: {  	[sflag:s13] =	ssyncadd.s32 $0xFFFFEC00  }
0x8d: {  	_ =	swait.ge [sflag:s22], $0x1400  }
0x8e: {  	[sflag:s22] =	ssyncset.done $0x0  }
0x8f: {  	s31 =	sadd.s32 $0x7F8, s0;
	[sflag:s22] =	ssyncadd.s32 $0xFFFFEC00  }
0x90: {  	[spmem:s2] =	stream.indirect.scatter.add.f32 [tilespmem:s17], [sflag:$0x6], $0x80, s31, s15, $0xb8;
	[tilespmem:$0x1AC20] =	vst v63  }
0x91: {  	_ =	swait.ge [sflag:s13], $0x1400  }
0x92: {  	[sflag:s13] =	ssyncset.done $0x0  }
0x93: {  	[sflag:s13] =	ssyncadd.s32 $0xFFFFEC00  }
0x94: {  	_ =	swait.ge [sflag:s23], $0x1400  }
0x95: {  	[sflag:s23] =	ssyncset.done $0x0  }
0x96: {  	s30 =	sadd.s32 $0x820, s0;
	[sflag:s23] =	ssyncadd.s32 $0xFFFFEC00  }
0x97: {  	[spmem:s2] =	stream.indirect.scatter.add.f32 [tilespmem:s18], [sflag:$0x6], $0x80, s30, s15, $0xb8;
	[tilespmem:$0x1AC20] =	vst v63  }
0x98: {  	_ =	swait.ge [sflag:s13], $0x1400  }
0x99: {  	[sflag:s13] =	ssyncset.done $0x0  }
0x9a: {  	[sflag:s13] =	ssyncadd.s32 $0xFFFFEC00  }
0x9b: {  	_ =	swait.ge [sflag:s24], $0x1400  }
0x9c: {  	[sflag:s24] =	ssyncset.done $0x0  }
0x9d: {  	s31 =	sadd.s32 $0x848, s0;
	[sflag:s24] =	ssyncadd.s32 $0xFFFFEC00  }
0x9e: {  	[spmem:s2] =	stream.indirect.scatter.add.f32 [tilespmem:s19], [sflag:$0x6], $0x80, s31, s15, $0xb8;
	[tilespmem:$0x1AC20] =	vst v63  }
0x9f: {  	_ =	swait.ge [sflag:s13], $0x1400  }
0xa0: {  	[sflag:s13] =	ssyncset.done $0x0  }
0xa1: {  	[sflag:s13] =	ssyncadd.s32 $0xFFFFEC00  }
0xa2: {  	s28 =	sadd.s32 $0x1, s28;
	_ =	swait.ge [sflag:s26], $0x1400  }
0xa3: {  	p1 =	sne.s32 s28, $0x5;
	[sflag:s26] =	ssyncset.done $0x0  }
.Ltmp1:
0xa4: {  	s0 =	sadd.s32 $0x870, s0;
	[sflag:s26] =	ssyncadd.s32 $0xFFFFEC00;
	(pc) =	sbr.rel @p1 .LBB2_2-.Ltmp1, $4  }
0xa5: {  	[spmem:s2] =	stream.indirect.scatter.add.f32 [tilespmem:s20], [sflag:$0x6], $0x80, s0, s15, $0xb8;
	[tilespmem:$0x1AC20] =	vst v63  }
0xa6: {  	_ =	swait.ge [sflag:s13], $0x1400  }
0xa7: {  	[sflag:s13] =	ssyncset.done $0x0  }
0xa8: {  	[sflag:s13] =	ssyncadd.s32 $0xFFFFEC00  }
0xa9: {  	s4 =	sadd.s32 $0x1, s4  }
0xaa: {  	p1 =	sne.s32 s4, s10  }
.Ltmp2:
0xab: {  	[bflag:$0x0] =	sbarrier.arrive $0xFFFF;
	s0 =	simm.s32 @!p0 $0x6;
	(pc) =	sbr.rel @p1 .LBB2_1-.Ltmp2, $4  }
0xac: {  	[hbm:s9], [sflag:s11] =	dma.local @!p0 [spmem:s25], $0x3E80  }
0xad: {  	_ =	swait.ge @!p0 [sflag:s0], $0x3E80  }
0xae: {  	[sflag:s0] =	ssyncset.done @!p0 $0x0  }
0xaf: {  	[sflag:s0] =	ssyncadd.s32 @!p0 $0xFFFFC180  }
0xb0: {  	_ =	sfence.sel $0x180000  }
0xb1: {  	[bflag:$0x0] =	sbarrier.arrive $0xFFFF  }
0xb2: {  	_ =	strace $0x90000050  }
0xb3: {  	[bflag:$0x2] =	sbarrier.arrive $0xFFFF  }
0xb4: {  	p0 =	sne.s32 s3, $0x0;
	s0 =	rddreg [dreg:$0x3]  }
0xb5: {  	s0 =	sadd.s32 @!p0 $0x100000, s0  }
0xb6: {  	[sflag:s0] =	ssyncadd.tile.s32 @!p0 $0x1;
	_ =	shalt  }
.Lfunc_end2:
_tile_overlayer_lowered:
.L_overlay_start_2:
0xb7: {  	(tag) =	ssettag $0x2  }
0xb8: {  	s0 =	rddreg [dreg:$0x0];
	s2 =	stileid.u32  }
0xb9: {  	s1 =	rddreg [dreg:$0x1];
	p0 =	sne.s32 s2, $0x0  }
0xba: {  	s3 =	rddreg [dreg:$0x2];
	[bflag:$0x3] =	sbarrier.arrive $0xFFFF;
	s2 =	simm.s32 @!p0 $0x1C06  }
0xbb: {  	[timem:s3], [sflag:s2] =	dma.local @!p0 [hbm:s0], s1  }
0xbc: {  	s0 =	simm.s32 @!p0 $0x6  }
0xbd: {  	_ =	swait.ge @!p0 [sflag:s0], s1  }
0xbe: {  	s1 =	ssub.s32 @!p0 $0x0, s1;
	[sflag:s0] =	ssyncset.done @!p0 $0x0  }
0xbf: {  	[sflag:s0] =	ssyncadd.s32 @!p0 s1  }
0xc0: {  	[bflag:$0x3] =	sbarrier.arrive $0xFFFF  }
0xc1: {  	_ =	shalt  }

</sc_bundles>
